<compile_context>
chip_gen: v7x
topology: tpu7x:2x2x1
jax: 0.10.2.dev20260603
libtpu: 0.0.44.dev20260713+nightly
codegen_flags: <defaults>
</compile_context>

<pallas_src>
import functools

import jax
import jax.numpy as jnp
from jax import lax
from jax.experimental import pallas as pl
from jax.experimental.pallas import tpu as pltpu
from jax.experimental.pallas import tpu_sc as plsc

NC = 2
NS = 16
GW = 125
SUP = 2000
ZB = 16


def _sc_aggregate(x2, col2, row2, vals, *, n, d, e):
    ep = e // NS
    nch = ep // GW
    supc = SUP // GW
    nsup = ep // SUP
    stripe = n // NS // 8 * 8
    last_stripe = n - stripe * (NS - 1)

    mesh = plsc.VectorSubcoreMesh(core_axis_name="c", subcore_axis_name="s")

    @functools.partial(
        pl.kernel,
        out_type=jax.ShapeDtypeStruct((NC * n, d), jnp.float32),
        mesh=mesh,
        scratch_types=[
            pltpu.VMEM((ep // GW, GW), jnp.int32),
            pltpu.VMEM((2, supc, GW), jnp.int32),
            pltpu.VMEM((SUP,), jnp.float32),
            pltpu.VMEM((2, GW, d), jnp.float32),
            pltpu.VMEM_SHARED((n, d), jnp.float32),
            pltpu.SemaphoreType.DMA,
            pltpu.SemaphoreType.DMA,
            pltpu.SemaphoreType.DMA,
        ],
    )
    def body(x_hbm, col_hbm, row_hbm, val_hbm, out_hbm,
             colv, rowv, valv, bufs, agg, gsem, ssem, stsem):
        c = lax.axis_index("c")
        s = lax.axis_index("s")

        ebase = c * e + s * ep
        cb = pl.multiple_of(ebase // GW, 8)

        pltpu.sync_copy(col_hbm.at[pl.ds(cb, nch)], colv)
        pltpu.sync_copy(row_hbm.at[pl.ds(cb, supc)], rowv.at[0])
        pltpu.sync_copy(val_hbm.at[pl.ds(ebase, SUP)], valv)

        def bfill(r, carry):
            for u in range(d // 16):
                bufs[1, r, pl.ds(u * 16, 16)] = jnp.zeros((16,), jnp.float32)
            return carry
        lax.fori_loop(0, GW, bfill, 0)

        sbase = pl.multiple_of(s * stripe, 8)
        nblk = jnp.where(s == NS - 1, last_stripe // ZB, stripe // ZB)

        def zcopy(t, carry):
            off = pl.multiple_of(sbase + t * ZB, 8)
            pltpu.sync_copy(bufs.at[1, pl.ds(0, ZB)], agg.at[pl.ds(off, ZB)])
            return carry
        lax.fori_loop(0, nblk, zcopy, 0)
        plsc.subcore_barrier()

        pltpu.async_copy(x_hbm.at[colv.at[0]], bufs.at[0], gsem)
        pltpu.async_copy(bufs.at[1], agg.at[rowv.at[0, 0]], ssem, add=True)

        def chunk_body(i, issue=True):
            h = i % 2
            q = i % supc
            rrow = rowv.at[i // supc % 2, q]
            pltpu.make_async_copy(x_hbm.at[colv.at[i]], bufs.at[h],
                                  gsem).wait()
            pltpu.make_async_copy(bufs.at[1 - h], agg.at[rrow], ssem).wait()
            if issue:
                pltpu.async_copy(x_hbm.at[colv.at[i + 1]], bufs.at[1 - h],
                                 gsem)

            @plsc.parallel_loop(0, GW, unroll=2)
            def edge_body(ei):
                base = q * GW + ei
                base16 = base // 16 * 16
                grp = valv[pl.ds(base16, 16)]
                v16 = grp.at[jnp.full((16,), base - base16, jnp.int32)].get(
                    mode="promise_in_bounds")
                for u in range(d // 16):
                    sl = (h, ei, pl.ds(u * 16, 16))
                    bufs[sl] = bufs[sl] * v16
            pltpu.async_copy(bufs.at[h], agg.at[rrow], ssem, add=True)

        def seg(lo, hi):
            def sbody(i, carry):
                chunk_body(i)
                return carry
            lax.fori_loop(lo, hi, sbody, 0)

        def sup_body(k, carry):
            lo = k * supc
            seg(lo, lo + 2)
            pltpu.async_copy(
                row_hbm.at[pl.ds(pl.multiple_of(cb + (k + 1) * supc, 8),
                                 supc)],
                rowv.at[(k + 1) % 2], stsem)
            seg(lo + 2, lo + supc)
            pltpu.make_async_copy(row_hbm.at[pl.ds(cb, supc)],
                                  rowv.at[(k + 1) % 2], stsem).wait()
            pltpu.async_copy(val_hbm.at[pl.ds(ebase + (k + 1) * SUP, SUP)],
                             valv, stsem)
            pltpu.make_async_copy(val_hbm.at[pl.ds(ebase, SUP)], valv,
                                  stsem).wait()
            return carry
        lax.fori_loop(0, nsup - 1, sup_body, 0)

        lo = (nsup - 1) * supc
        seg(lo, lo + supc - 1)
        chunk_body(nch - 1, issue=False)

        pltpu.make_async_copy(bufs.at[0], agg.at[rowv.at[0, 0]], ssem).wait()
        plsc.subcore_barrier()

        def drain(t, carry):
            off = pl.multiple_of(sbase + t * ZB, 8)
            pltpu.sync_copy(
                agg.at[pl.ds(off, ZB)],
                out_hbm.at[pl.ds(pl.multiple_of(c * n + sbase + t * ZB, 8), ZB)],
            )
            return carry
        lax.fori_loop(0, nblk, drain, 0)

    return body(x2, col2, row2, vals)


def _mm_relu_kernel(a_ref, w_ref, o_ref):
    o_ref[...] = jnp.maximum(
        jnp.dot(a_ref[...], w_ref[...], preferred_element_type=jnp.float32),
        0.0,
    )


def kernel(x, adj_indices, adj_values, W):
    b, n, d = x.shape
    e = adj_indices.shape[1]
    dout = W.shape[1]

    row = adj_indices[..., 0].astype(jnp.int32)
    col = adj_indices[..., 1].astype(jnp.int32)
    colg = col + (jnp.arange(b, dtype=jnp.int32) * n)[:, None]
    col2 = colg.reshape(b * e // GW, GW)
    row2 = row.reshape(b * e // GW, GW)
    vals = adj_values.reshape(b * e)
    x2 = x.reshape(b * n, d)

    agg = _sc_aggregate(x2, col2, row2, vals, n=n, d=d, e=e)

    rows_total = b * n
    blk = 2000
    out = pl.pallas_call(
        _mm_relu_kernel,
        grid=(rows_total // blk,),
        in_specs=[
            pl.BlockSpec((blk, d), lambda i: (i, 0)),
            pl.BlockSpec((d, dout), lambda i: (0, 0)),
        ],
        out_specs=pl.BlockSpec((blk, dout), lambda i: (i, 0)),
        out_shape=jax.ShapeDtypeStruct((rows_total, dout), jnp.float32),
    )(agg, W)
    return out.reshape(b, n, dout)

# --- scband reference (transcript-rebuilt; emitter-appended) ---
"""Pipeline reference for scband-gcnn-13786845020966 (READ-ONLY COPY).

The authoritative reference and input builder live on the scoring server;
editing this copy changes nothing except your own understanding.
"""

import jax, jax.numpy as jnp
import numpy as np

B, N, E, D, DOUT = 2, 10000, 160000, 128, 128


def setup_inputs(seed: int = 0) -> dict:
    key = jax.random.key(seed)
    k1, k2, k3, k4 = jax.random.split(key, 4)
    x = jax.random.normal(k1, (B, N, D), dtype=jnp.float32)
    adj_indices = jax.random.randint(k2, (B, E, 2), 0, N).astype(jnp.int64)
    adj_values = jax.random.uniform(k3, (B, E), dtype=jnp.float32)
    # learned parameter: weights [in_channels, out_channels], stddev 0.1, no bias
    W = jax.random.normal(k4, (D, DOUT), dtype=jnp.float32) * 0.1
    return {"x": x, "adj_indices": adj_indices, "adj_values": adj_values, "W": W}


def reference(x, adj_indices, adj_values, W):
    # Faithful translation of GCNN._call: per-batch sparse A @ x, then dense @ W, then relu.
    # Sparse adjacency A[b] is represented in COO form: (row, col) index pairs + values.
    batch_size, n, _ = x.shape
    outputs = []
    for b in range(batch_size):
        row = adj_indices[b, :, 0]
        col = adj_indices[b, :, 1]
        # sparse_tensor_dense_matmul(a, inputs[b]):
        #   out[row] += a[row, col] * inputs[b][col]
        gathered = jnp.take(x[b], col, axis=0)            # gather  [E, D]
        msgs = adj_values[b][:, None] * gathered          # scale by sparse values
        agg = jax.ops.segment_sum(msgs, row, num_segments=n)  # scatter-add [N, D]
        out_b = agg @ W                                   # dense matmul with weights
        outputs.append(out_b)
    outputs = jnp.stack(outputs, axis=0)                  # concat + reshape [B, N, DOUT]
    return jax.nn.relu(outputs)                           # act = tf.nn.relu

if __name__ == "__main__":
    import jax
    _d = setup_inputs()
    print(jax.jit(kernel)(*tuple(_d.values())))

</pallas_src>

<mosaic_0001>
#map = affine_map<(d0, d1) -> (0, 0)>
#map1 = affine_map<(d0, d1) -> (0)>
module attributes {stable_mosaic.version = 14 : i64} {
  func.func @body(%arg0: i32, %arg1: i32, %arg2: memref<20000x128xf32, #tpu.memory_space<hbm>>, %arg3: memref<2560x125xi32, #tpu.memory_space<hbm>>, %arg4: memref<2560x125xi32, #tpu.memory_space<hbm>>, %arg5: memref<320000xf32, #tpu.memory_space<hbm>>, %arg6: memref<20000x128xf32, #tpu.memory_space<hbm>>, %arg7: memref<80x125xi32, #tpu.memory_space<vmem>>, %arg8: memref<2x16x125xi32, #tpu.memory_space<vmem>>, %arg9: memref<2000xf32, #tpu.memory_space<vmem>>, %arg10: memref<2x125x128xf32, #tpu.memory_space<vmem>>, %arg11: memref<10000x128xf32, #tpu.memory_space<vmem_shared>>, %arg12: memref<!tpu.dma_semaphore, #tpu.memory_space<semaphore_mem>>, %arg13: memref<!tpu.dma_semaphore, #tpu.memory_space<semaphore_mem>>, %arg14: memref<!tpu.dma_semaphore, #tpu.memory_space<semaphore_mem>>) attributes {dimension_semantics = [#tpu.dimension_semantics<core_parallel>, #tpu.dimension_semantics<subcore_parallel>], iteration_bounds = array<i64: 2, 16>, scalar_prefetch = 0 : i64, scratch_operands = 8 : i64, tpu.core_type = #tpu.core_type<sc_vector_subcore>, window_params = [{transform_indices = #map}, {transform_indices = #map}, {transform_indices = #map}, {transform_indices = #map1}, {transform_indices = #map}]} {
    %mul3A = arith.constant 160000 : i32
    %mul3A_0 = arith.muli %arg0, %mul3A : i32
    %mul3A_1 = arith.constant 10000 : i32
    %mul3A_2 = arith.muli %arg1, %mul3A_1 : i32
    %add3A = arith.addi %mul3A_0, %mul3A_2 : i32
    %jit3A = arith.constant 125 : i32
    %div3A = arith.divsi %add3A, %jit3A : i32
    %sign3A = arith.constant 0 : i32
    %sign3A_3 = arith.cmpi sgt, %add3A, %sign3A : i32
    %sign3A_4 = arith.extui %sign3A_3 : i1 to i32
    %sign3A_5 = arith.constant 0 : i32
    %sign3A_6 = arith.cmpi slt, %add3A, %sign3A_5 : i32
    %sign3A_7 = arith.extui %sign3A_6 : i1 to i32
    %sign3A_8 = arith.subi %sign3A_4, %sign3A_7 : i32
    %sign3A_9 = arith.constant 0 : i32
    %sign3A_10 = arith.cmpi sgt, %jit3A, %sign3A_9 : i32
    %sign3A_11 = arith.extui %sign3A_10 : i1 to i32
    %sign3A_12 = arith.constant 0 : i32
    %sign3A_13 = arith.cmpi slt, %jit3A, %sign3A_12 : i32
    %sign3A_14 = arith.extui %sign3A_13 : i1 to i32
    %sign3A_15 = arith.subi %sign3A_11, %sign3A_14 : i32
    %ne3A = arith.cmpi ne, %sign3A_8, %sign3A_15 : i32
    %rem3A = arith.remsi %add3A, %jit3A : i32
    %ne3A_16 = arith.constant 0 : i32
    %ne3A_17 = arith.cmpi ne, %rem3A, %ne3A_16 : i32
    %and3A = arith.andi %ne3A, %ne3A_17 : i1
    %sub3A = arith.constant 1 : i32
    %sub3A_18 = arith.subi %div3A, %sub3A : i32
    %select_n3A = arith.select %and3A, %sub3A_18, %div3A : i32
    %multiple_of3A = tpu.assume_multiple %select_n3A, 8 : i32
    "tpu.region"() ({
      %run_scoped3A_139 = tpu.sem_alloc : memref<!tpu.dma_semaphore, #tpu.memory_space<semaphore_mem>>
      %dma_start3A_140 = arith.constant 0 : i32
      %dma_start3A_141 = tpu.memref_slice %arg3[%multiple_of3A, %dma_start3A_140] : memref<2560x125xi32, #tpu.memory_space<hbm>> -> memref<80x125xi32, #tpu.memory_space<hbm>>
      %dma_start3A_142 = arith.constant 0 : i32
      %dma_start3A_143 = tpu.memref_slice %arg3[%multiple_of3A, %dma_start3A_142] : memref<2560x125xi32, #tpu.memory_space<hbm>> -> memref<80x125xi32, #tpu.memory_space<hbm>>
      tpu.enqueue_dma source(%dma_start3A_143 : memref<80x125xi32, #tpu.memory_space<hbm>>) target(%arg7 : memref<80x125xi32, #tpu.memory_space<vmem>>) target_semaphore(%run_scoped3A_139 : memref<!tpu.dma_semaphore, #tpu.memory_space<semaphore_mem>>)
      %dma_wait3A_144 = arith.constant 0 : i32
      %dma_wait3A_145 = tpu.memref_slice %arg3[%multiple_of3A, %dma_wait3A_144] : memref<2560x125xi32, #tpu.memory_space<hbm>> -> memref<80x125xi32, #tpu.memory_space<hbm>>
      %dma_wait3A_146 = arith.constant 0 : i32
      %dma_wait3A_147 = tpu.memref_slice %arg3[%multiple_of3A, %dma_wait3A_146] : memref<2560x125xi32, #tpu.memory_space<hbm>> -> memref<80x125xi32, #tpu.memory_space<hbm>>
      tpu.wait_dma2 semaphore(%run_scoped3A_139 : memref<!tpu.dma_semaphore, #tpu.memory_space<semaphore_mem>>) src(%dma_wait3A_147 : memref<80x125xi32, #tpu.memory_space<hbm>>) dst(%arg7 : memref<80x125xi32, #tpu.memory_space<vmem>>)
      tpu.yield
    }) : () -> ()
    %run_scoped3A = arith.constant 0 : i32
    "tpu.region"() ({
      %run_scoped3A_139 = tpu.sem_alloc : memref<!tpu.dma_semaphore, #tpu.memory_space<semaphore_mem>>
      %dma_start3A_140 = arith.constant 0 : i32
      %dma_start3A_141 = arith.constant 0 : i32
      %dma_start3A_142 = tpu.memref_slice %arg8[%run_scoped3A, %dma_start3A_140, %dma_start3A_141] : memref<2x16x125xi32, #tpu.memory_space<vmem>> -> memref<1x16x125xi32, #tpu.memory_space<vmem>>
      %dma_start3A_143 = tpu.memref_squeeze %dma_start3A_142 : memref<1x16x125xi32, #tpu.memory_space<vmem>> -> memref<16x125xi32, #tpu.memory_space<vmem>>
      %dma_start3A_144 = arith.constant 0 : i32
      %dma_start3A_145 = tpu.memref_slice %arg4[%multiple_of3A, %dma_start3A_144] : memref<2560x125xi32, #tpu.memory_space<hbm>> -> memref<16x125xi32, #tpu.memory_space<hbm>>
      %dma_start3A_146 = arith.constant 0 : i32
      %dma_start3A_147 = arith.constant 0 : i32
      %dma_start3A_148 = tpu.memref_slice %arg8[%run_scoped3A, %dma_start3A_146, %dma_start3A_147] : memref<2x16x125xi32, #tpu.memory_space<vmem>> -> memref<1x16x125xi32, #tpu.memory_space<vmem>>
      %dma_start3A_149 = tpu.memref_squeeze %dma_start3A_148 : memref<1x16x125xi32, #tpu.memory_space<vmem>> -> memref<16x125xi32, #tpu.memory_space<vmem>>
      %dma_start3A_150 = arith.constant 0 : i32
      %dma_start3A_151 = tpu.memref_slice %arg4[%multiple_of3A, %dma_start3A_150] : memref<2560x125xi32, #tpu.memory_space<hbm>> -> memref<16x125xi32, #tpu.memory_space<hbm>>
      tpu.enqueue_dma source(%dma_start3A_151 : memref<16x125xi32, #tpu.memory_space<hbm>>) target(%dma_start3A_149 : memref<16x125xi32, #tpu.memory_space<vmem>>) target_semaphore(%run_scoped3A_139 : memref<!tpu.dma_semaphore, #tpu.memory_space<semaphore_mem>>)
      %dma_wait3A_152 = arith.constant 0 : i32
      %dma_wait3A_153 = arith.constant 0 : i32
      %dma_wait3A_154 = tpu.memref_slice %arg8[%run_scoped3A, %dma_wait3A_152, %dma_wait3A_153] : memref<2x16x125xi32, #tpu.memory_space<vmem>> -> memref<1x16x125xi32, #tpu.memory_space<vmem>>
      %dma_wait3A_155 = tpu.memref_squeeze %dma_wait3A_154 : memref<1x16x125xi32, #tpu.memory_space<vmem>> -> memref<16x125xi32, #tpu.memory_space<vmem>>
      %dma_wait3A_156 = arith.constant 0 : i32
      %dma_wait3A_157 = tpu.memref_slice %arg4[%multiple_of3A, %dma_wait3A_156] : memref<2560x125xi32, #tpu.memory_space<hbm>> -> memref<16x125xi32, #tpu.memory_space<hbm>>
      %dma_wait3A_158 = arith.constant 0 : i32
      %dma_wait3A_159 = arith.constant 0 : i32
      %dma_wait3A_160 = tpu.memref_slice %arg8[%run_scoped3A, %dma_wait3A_158, %dma_wait3A_159] : memref<2x16x125xi32, #tpu.memory_space<vmem>> -> memref<1x16x125xi32, #tpu.memory_space<vmem>>
      %dma_wait3A_161 = tpu.memref_squeeze %dma_wait3A_160 : memref<1x16x125xi32, #tpu.memory_space<vmem>> -> memref<16x125xi32, #tpu.memory_space<vmem>>
      %dma_wait3A_162 = arith.constant 0 : i32
      %dma_wait3A_163 = tpu.memref_slice %arg4[%multiple_of3A, %dma_wait3A_162] : memref<2560x125xi32, #tpu.memory_space<hbm>> -> memref<16x125xi32, #tpu.memory_space<hbm>>
      tpu.wait_dma2 semaphore(%run_scoped3A_139 : memref<!tpu.dma_semaphore, #tpu.memory_space<semaphore_mem>>) src(%dma_wait3A_163 : memref<16x125xi32, #tpu.memory_space<hbm>>) dst(%dma_wait3A_161 : memref<16x125xi32, #tpu.memory_space<vmem>>)
      tpu.yield
    }) : () -> ()
    "tpu.region"() ({
      %run_scoped3A_139 = tpu.sem_alloc : memref<!tpu.dma_semaphore, #tpu.memory_space<semaphore_mem>>
      %dma_start3A_140 = tpu.memref_slice %arg5[%add3A] : memref<320000xf32, #tpu.memory_space<hbm>> -> memref<2000xf32, #tpu.memory_space<hbm>>
      %dma_start3A_141 = tpu.memref_slice %arg5[%add3A] : memref<320000xf32, #tpu.memory_space<hbm>> -> memref<2000xf32, #tpu.memory_space<hbm>>
      tpu.enqueue_dma source(%dma_start3A_141 : memref<2000xf32, #tpu.memory_space<hbm>>) target(%arg9 : memref<2000xf32, #tpu.memory_space<vmem>>) target_semaphore(%run_scoped3A_139 : memref<!tpu.dma_semaphore, #tpu.memory_space<semaphore_mem>>)
      %dma_wait3A_142 = tpu.memref_slice %arg5[%add3A] : memref<320000xf32, #tpu.memory_space<hbm>> -> memref<2000xf32, #tpu.memory_space<hbm>>
      %dma_wait3A_143 = tpu.memref_slice %arg5[%add3A] : memref<320000xf32, #tpu.memory_space<hbm>> -> memref<2000xf32, #tpu.memory_space<hbm>>
      tpu.wait_dma2 semaphore(%run_scoped3A_139 : memref<!tpu.dma_semaphore, #tpu.memory_space<semaphore_mem>>) src(%dma_wait3A_143 : memref<2000xf32, #tpu.memory_space<hbm>>) dst(%arg9 : memref<2000xf32, #tpu.memory_space<vmem>>)
      tpu.yield
    }) : () -> ()
    %scan3A = arith.constant 0 : i32
    %scan3A_19 = arith.constant 0 : i32
    %scan3A_20 = arith.constant 125 : i32
    %scan3A_21 = arith.addi %scan3A_19, %scan3A_20 : i32
    %scan3A_22 = arith.constant 1 : i32
    scf.for %scan3A_139 = %scan3A_19 to %scan3A_21 step %scan3A_22  : i32 {
      %broadcast_in_dim3A = arith.constant 0.000000e+00 : f32
      %broadcast_in_dim3A_140 = vector.broadcast %broadcast_in_dim3A : f32 to vector<16xf32>
      %swap3A = arith.constant 1 : i32
      %swap3A_141 = arith.index_cast %swap3A : i32 to index
      %swap3A_142 = arith.index_cast %scan3A_139 : i32 to index
      %swap3A_143 = arith.constant 0 : index
      %swap3A_144 = tpu.vector_load %arg10[%swap3A_141, %swap3A_142, %swap3A_143] {strides = array<i32>} : memref<2x125x128xf32, #tpu.memory_space<vmem>>, vector<1x1x16xf32>,
      %swap3A_145 = vector.shape_cast %swap3A_144 : vector<1x1x16xf32> to vector<16xf32>
      %swap3A_146 = vector.shape_cast %broadcast_in_dim3A_140 : vector<16xf32> to vector<1x1x16xf32>
      tpu.vector_store %arg10[%swap3A_141, %swap3A_142, %swap3A_143], %swap3A_146 {strides = array<i32>} : memref<2x125x128xf32, #tpu.memory_space<vmem>>, vector<1x1x16xf32>,
      %broadcast_in_dim3A_147 = arith.constant 0.000000e+00 : f32
      %broadcast_in_dim3A_148 = vector.broadcast %broadcast_in_dim3A_147 : f32 to vector<16xf32>
      %swap3A_149 = arith.constant 1 : i32
      %swap3A_150 = arith.index_cast %swap3A_149 : i32 to index
      %swap3A_151 = arith.index_cast %scan3A_139 : i32 to index
      %swap3A_152 = arith.constant 16 : index
      %swap3A_153 = tpu.vector_load %arg10[%swap3A_150, %swap3A_151, %swap3A_152] {strides = array<i32>} : memref<2x125x128xf32, #tpu.memory_space<vmem>>, vector<1x1x16xf32>,
      %swap3A_154 = vector.shape_cast %swap3A_153 : vector<1x1x16xf32> to vector<16xf32>
      %swap3A_155 = vector.shape_cast %broadcast_in_dim3A_148 : vector<16xf32> to vector<1x1x16xf32>
      tpu.vector_store %arg10[%swap3A_150, %swap3A_151, %swap3A_152], %swap3A_155 {strides = array<i32>} : memref<2x125x128xf32, #tpu.memory_space<vmem>>, vector<1x1x16xf32>,
      %broadcast_in_dim3A_156 = arith.constant 0.000000e+00 : f32
      %broadcast_in_dim3A_157 = vector.broadcast %broadcast_in_dim3A_156 : f32 to vector<16xf32>
      %swap3A_158 = arith.constant 1 : i32
      %swap3A_159 = arith.index_cast %swap3A_158 : i32 to index
      %swap3A_160 = arith.index_cast %scan3A_139 : i32 to index
      %swap3A_161 = arith.constant 32 : index
      %swap3A_162 = tpu.vector_load %arg10[%swap3A_159, %swap3A_160, %swap3A_161] {strides = array<i32>} : memref<2x125x128xf32, #tpu.memory_space<vmem>>, vector<1x1x16xf32>,
      %swap3A_163 = vector.shape_cast %swap3A_162 : vector<1x1x16xf32> to vector<16xf32>
      %swap3A_164 = vector.shape_cast %broadcast_in_dim3A_157 : vector<16xf32> to vector<1x1x16xf32>
      tpu.vector_store %arg10[%swap3A_159, %swap3A_160, %swap3A_161], %swap3A_164 {strides = array<i32>} : memref<2x125x128xf32, #tpu.memory_space<vmem>>, vector<1x1x16xf32>,
      %broadcast_in_dim3A_165 = arith.constant 0.000000e+00 : f32
      %broadcast_in_dim3A_166 = vector.broadcast %broadcast_in_dim3A_165 : f32 to vector<16xf32>
      %swap3A_167 = arith.constant 1 : i32
      %swap3A_168 = arith.index_cast %swap3A_167 : i32 to index
      %swap3A_169 = arith.index_cast %scan3A_139 : i32 to index
      %swap3A_170 = arith.constant 48 : index
      %swap3A_171 = tpu.vector_load %arg10[%swap3A_168, %swap3A_169, %swap3A_170] {strides = array<i32>} : memref<2x125x128xf32, #tpu.memory_space<vmem>>, vector<1x1x16xf32>,
      %swap3A_172 = vector.shape_cast %swap3A_171 : vector<1x1x16xf32> to vector<16xf32>
      %swap3A_173 = vector.shape_cast %broadcast_in_dim3A_166 : vector<16xf32> to vector<1x1x16xf32>
      tpu.vector_store %arg10[%swap3A_168, %swap3A_169, %swap3A_170], %swap3A_173 {strides = array<i32>} : memref<2x125x128xf32, #tpu.memory_space<vmem>>, vector<1x1x16xf32>,
      %broadcast_in_dim3A_174 = arith.constant 0.000000e+00 : f32
      %broadcast_in_dim3A_175 = vector.broadcast %broadcast_in_dim3A_174 : f32 to vector<16xf32>
      %swap3A_176 = arith.constant 1 : i32
      %swap3A_177 = arith.index_cast %swap3A_176 : i32 to index
      %swap3A_178 = arith.index_cast %scan3A_139 : i32 to index
      %swap3A_179 = arith.constant 64 : index
      %swap3A_180 = tpu.vector_load %arg10[%swap3A_177, %swap3A_178, %swap3A_179] {strides = array<i32>} : memref<2x125x128xf32, #tpu.memory_space<vmem>>, vector<1x1x16xf32>,
      %swap3A_181 = vector.shape_cast %swap3A_180 : vector<1x1x16xf32> to vector<16xf32>
      %swap3A_182 = vector.shape_cast %broadcast_in_dim3A_175 : vector<16xf32> to vector<1x1x16xf32>
      tpu.vector_store %arg10[%swap3A_177, %swap3A_178, %swap3A_179], %swap3A_182 {strides = array<i32>} : memref<2x125x128xf32, #tpu.memory_space<vmem>>, vector<1x1x16xf32>,
      %broadcast_in_dim3A_183 = arith.constant 0.000000e+00 : f32
      %broadcast_in_dim3A_184 = vector.broadcast %broadcast_in_dim3A_183 : f32 to vector<16xf32>
      %swap3A_185 = arith.constant 1 : i32
      %swap3A_186 = arith.index_cast %swap3A_185 : i32 to index
      %swap3A_187 = arith.index_cast %scan3A_139 : i32 to index
      %swap3A_188 = arith.constant 80 : index
      %swap3A_189 = tpu.vector_load %arg10[%swap3A_186, %swap3A_187, %swap3A_188] {strides = array<i32>} : memref<2x125x128xf32, #tpu.memory_space<vmem>>, vector<1x1x16xf32>,
      %swap3A_190 = vector.shape_cast %swap3A_189 : vector<1x1x16xf32> to vector<16xf32>
      %swap3A_191 = vector.shape_cast %broadcast_in_dim3A_184 : vector<16xf32> to vector<1x1x16xf32>
      tpu.vector_store %arg10[%swap3A_186, %swap3A_187, %swap3A_188], %swap3A_191 {strides = array<i32>} : memref<2x125x128xf32, #tpu.memory_space<vmem>>, vector<1x1x16xf32>,
      %broadcast_in_dim3A_192 = arith.constant 0.000000e+00 : f32
      %broadcast_in_dim3A_193 = vector.broadcast %broadcast_in_dim3A_192 : f32 to vector<16xf32>
      %swap3A_194 = arith.constant 1 : i32
      %swap3A_195 = arith.index_cast %swap3A_194 : i32 to index
      %swap3A_196 = arith.index_cast %scan3A_139 : i32 to index
      %swap3A_197 = arith.constant 96 : index
      %swap3A_198 = tpu.vector_load %arg10[%swap3A_195, %swap3A_196, %swap3A_197] {strides = array<i32>} : memref<2x125x128xf32, #tpu.memory_space<vmem>>, vector<1x1x16xf32>,
      %swap3A_199 = vector.shape_cast %swap3A_198 : vector<1x1x16xf32> to vector<16xf32>
      %swap3A_200 = vector.shape_cast %broadcast_in_dim3A_193 : vector<16xf32> to vector<1x1x16xf32>
      tpu.vector_store %arg10[%swap3A_195, %swap3A_196, %swap3A_197], %swap3A_200 {strides = array<i32>} : memref<2x125x128xf32, #tpu.memory_space<vmem>>, vector<1x1x16xf32>,
      %broadcast_in_dim3A_201 = arith.constant 0.000000e+00 : f32
      %broadcast_in_dim3A_202 = vector.broadcast %broadcast_in_dim3A_201 : f32 to vector<16xf32>
      %swap3A_203 = arith.constant 1 : i32
      %swap3A_204 = arith.index_cast %swap3A_203 : i32 to index
      %swap3A_205 = arith.index_cast %scan3A_139 : i32 to index
      %swap3A_206 = arith.constant 112 : index
      %swap3A_207 = tpu.vector_load %arg10[%swap3A_204, %swap3A_205, %swap3A_206] {strides = array<i32>} : memref<2x125x128xf32, #tpu.memory_space<vmem>>, vector<1x1x16xf32>,
      %swap3A_208 = vector.shape_cast %swap3A_207 : vector<1x1x16xf32> to vector<16xf32>
      %swap3A_209 = vector.shape_cast %broadcast_in_dim3A_202 : vector<16xf32> to vector<1x1x16xf32>
      tpu.vector_store %arg10[%swap3A_204, %swap3A_205, %swap3A_206], %swap3A_209 {strides = array<i32>} : memref<2x125x128xf32, #tpu.memory_space<vmem>>, vector<1x1x16xf32>,
    }
    %scan3A_23 = arith.constant 125 : i32
    %mul3A_24 = arith.constant 624 : i32
    %mul3A_25 = arith.muli %arg1, %mul3A_24 : i32
    %multiple_of3A_26 = tpu.assume_multiple %mul3A_25, 8 : i32
    %eq3A = arith.constant 15 : i32
    %eq3A_27 = arith.cmpi eq, %arg1, %eq3A : i32
    %jit3A_28 = arith.constant 40 : i32
    %jit3A_29 = arith.constant 39 : i32
    %select_n3A_30 = arith.select %eq3A_27, %jit3A_28, %jit3A_29 : i32
    %while3A = arith.constant 0 : i32
    %while3A_31 = arith.constant 0 : i32
    %while3A_32 = arith.subi %select_n3A_30, %while3A_31 : i32
    %while3A_33 = arith.addi %while3A_31, %while3A_32 : i32
    %while3A_34 = arith.constant 1 : i32
    %while3A_35 = arith.divsi %while3A_32, %while3A_34 : i32
    %while3A_36 = arith.muli %while3A_35, %while3A_34 : i32
    %while3A_37 = arith.addi %while3A_31, %while3A_36 : i32
    %while3A_38 = arith.constant 1 : i32
    scf.for %while3A_139 = %while3A_31 to %while3A_37 step %while3A_38  : i32 {
      %mul3A_140 = arith.constant 16 : i32
      %mul3A_141 = arith.muli %while3A_139, %mul3A_140 : i32
      %add3A_142 = arith.addi %multiple_of3A_26, %mul3A_141 : i32
      %multiple_of3A_143 = tpu.assume_multiple %add3A_142, 8 : i32
      %run_scoped3A_144 = arith.constant 1 : i32
      "tpu.region"() ({
        %run_scoped3A_145 = tpu.sem_alloc : memref<!tpu.dma_semaphore, #tpu.memory_space<semaphore_mem>>
        %dma_start3A_146 = arith.constant 0 : i32
        %dma_start3A_147 = arith.constant 0 : i32
        %dma_start3A_148 = tpu.memref_slice %arg10[%run_scoped3A_144, %dma_start3A_146, %dma_start3A_147] : memref<2x125x128xf32, #tpu.memory_space<vmem>> -> memref<1x16x128xf32, #tpu.memory_space<vmem>>
        %dma_start3A_149 = tpu.memref_squeeze %dma_start3A_148 : memref<1x16x128xf32, #tpu.memory_space<vmem>> -> memref<16x128xf32, #tpu.memory_space<vmem>>
        %dma_start3A_150 = arith.constant 0 : i32
        %dma_start3A_151 = tpu.memref_slice %arg11[%multiple_of3A_143, %dma_start3A_150] : memref<10000x128xf32, #tpu.memory_space<vmem_shared>> -> memref<16x128xf32, #tpu.memory_space<vmem_shared>>
        %dma_start3A_152 = arith.constant 0 : i32
        %dma_start3A_153 = tpu.memref_slice %arg11[%multiple_of3A_143, %dma_start3A_152] : memref<10000x128xf32, #tpu.memory_space<vmem_shared>> -> memref<16x128xf32, #tpu.memory_space<vmem_shared>>
        %dma_start3A_154 = arith.constant 0 : i32
        %dma_start3A_155 = arith.constant 0 : i32
        %dma_start3A_156 = tpu.memref_slice %arg10[%run_scoped3A_144, %dma_start3A_154, %dma_start3A_155] : memref<2x125x128xf32, #tpu.memory_space<vmem>> -> memref<1x16x128xf32, #tpu.memory_space<vmem>>
        %dma_start3A_157 = tpu.memref_squeeze %dma_start3A_156 : memref<1x16x128xf32, #tpu.memory_space<vmem>> -> memref<16x128xf32, #tpu.memory_space<vmem>>
        tpu.enqueue_dma source(%dma_start3A_157 : memref<16x128xf32, #tpu.memory_space<vmem>>) target(%dma_start3A_153 : memref<16x128xf32, #tpu.memory_space<vmem_shared>>) target_semaphore(%run_scoped3A_145 : memref<!tpu.dma_semaphore, #tpu.memory_space<semaphore_mem>>)
        %dma_wait3A_158 = arith.constant 0 : i32
        %dma_wait3A_159 = arith.constant 0 : i32
        %dma_wait3A_160 = tpu.memref_slice %arg10[%run_scoped3A_144, %dma_wait3A_158, %dma_wait3A_159] : memref<2x125x128xf32, #tpu.memory_space<vmem>> -> memref<1x16x128xf32, #tpu.memory_space<vmem>>
        %dma_wait3A_161 = tpu.memref_squeeze %dma_wait3A_160 : memref<1x16x128xf32, #tpu.memory_space<vmem>> -> memref<16x128xf32, #tpu.memory_space<vmem>>
        %dma_wait3A_162 = arith.constant 0 : i32
        %dma_wait3A_163 = tpu.memref_slice %arg11[%multiple_of3A_143, %dma_wait3A_162] : memref<10000x128xf32, #tpu.memory_space<vmem_shared>> -> memref<16x128xf32, #tpu.memory_space<vmem_shared>>
        %dma_wait3A_164 = arith.constant 0 : i32
        %dma_wait3A_165 = tpu.memref_slice %arg11[%multiple_of3A_143, %dma_wait3A_164] : memref<10000x128xf32, #tpu.memory_space<vmem_shared>> -> memref<16x128xf32, #tpu.memory_space<vmem_shared>>
        %dma_wait3A_166 = arith.constant 0 : i32
        %dma_wait3A_167 = arith.constant 0 : i32
        %dma_wait3A_168 = tpu.memref_slice %arg10[%run_scoped3A_144, %dma_wait3A_166, %dma_wait3A_167] : memref<2x125x128xf32, #tpu.memory_space<vmem>> -> memref<1x16x128xf32, #tpu.memory_space<vmem>>
        %dma_wait3A_169 = tpu.memref_squeeze %dma_wait3A_168 : memref<1x16x128xf32, #tpu.memory_space<vmem>> -> memref<16x128xf32, #tpu.memory_space<vmem>>
        tpu.wait_dma2 semaphore(%run_scoped3A_145 : memref<!tpu.dma_semaphore, #tpu.memory_space<semaphore_mem>>) src(%dma_wait3A_169 : memref<16x128xf32, #tpu.memory_space<vmem>>) dst(%dma_wait3A_165 : memref<16x128xf32, #tpu.memory_space<vmem_shared>>)
        tpu.yield
      }) : () -> ()
    }
    %while3A_39 = arith.constant 1 : i32
    scf.for %while3A_139 = %while3A_37 to %while3A_33 step %while3A_39  : i32 {
      %mul3A_140 = arith.constant 16 : i32
      %mul3A_141 = arith.muli %while3A_139, %mul3A_140 : i32
      %add3A_142 = arith.addi %multiple_of3A_26, %mul3A_141 : i32
      %multiple_of3A_143 = tpu.assume_multiple %add3A_142, 8 : i32
      %run_scoped3A_144 = arith.constant 1 : i32
      "tpu.region"() ({
        %run_scoped3A_145 = tpu.sem_alloc : memref<!tpu.dma_semaphore, #tpu.memory_space<semaphore_mem>>
        %dma_start3A_146 = arith.constant 0 : i32
        %dma_start3A_147 = arith.constant 0 : i32
        %dma_start3A_148 = tpu.memref_slice %arg10[%run_scoped3A_144, %dma_start3A_146, %dma_start3A_147] : memref<2x125x128xf32, #tpu.memory_space<vmem>> -> memref<1x16x128xf32, #tpu.memory_space<vmem>>
        %dma_start3A_149 = tpu.memref_squeeze %dma_start3A_148 : memref<1x16x128xf32, #tpu.memory_space<vmem>> -> memref<16x128xf32, #tpu.memory_space<vmem>>
        %dma_start3A_150 = arith.constant 0 : i32
        %dma_start3A_151 = tpu.memref_slice %arg11[%multiple_of3A_143, %dma_start3A_150] : memref<10000x128xf32, #tpu.memory_space<vmem_shared>> -> memref<16x128xf32, #tpu.memory_space<vmem_shared>>
        %dma_start3A_152 = arith.constant 0 : i32
        %dma_start3A_153 = tpu.memref_slice %arg11[%multiple_of3A_143, %dma_start3A_152] : memref<10000x128xf32, #tpu.memory_space<vmem_shared>> -> memref<16x128xf32, #tpu.memory_space<vmem_shared>>
        %dma_start3A_154 = arith.constant 0 : i32
        %dma_start3A_155 = arith.constant 0 : i32
        %dma_start3A_156 = tpu.memref_slice %arg10[%run_scoped3A_144, %dma_start3A_154, %dma_start3A_155] : memref<2x125x128xf32, #tpu.memory_space<vmem>> -> memref<1x16x128xf32, #tpu.memory_space<vmem>>
        %dma_start3A_157 = tpu.memref_squeeze %dma_start3A_156 : memref<1x16x128xf32, #tpu.memory_space<vmem>> -> memref<16x128xf32, #tpu.memory_space<vmem>>
        tpu.enqueue_dma source(%dma_start3A_157 : memref<16x128xf32, #tpu.memory_space<vmem>>) target(%dma_start3A_153 : memref<16x128xf32, #tpu.memory_space<vmem_shared>>) target_semaphore(%run_scoped3A_145 : memref<!tpu.dma_semaphore, #tpu.memory_space<semaphore_mem>>)
        %dma_wait3A_158 = arith.constant 0 : i32
        %dma_wait3A_159 = arith.constant 0 : i32
        %dma_wait3A_160 = tpu.memref_slice %arg10[%run_scoped3A_144, %dma_wait3A_158, %dma_wait3A_159] : memref<2x125x128xf32, #tpu.memory_space<vmem>> -> memref<1x16x128xf32, #tpu.memory_space<vmem>>
        %dma_wait3A_161 = tpu.memref_squeeze %dma_wait3A_160 : memref<1x16x128xf32, #tpu.memory_space<vmem>> -> memref<16x128xf32, #tpu.memory_space<vmem>>
        %dma_wait3A_162 = arith.constant 0 : i32
        %dma_wait3A_163 = tpu.memref_slice %arg11[%multiple_of3A_143, %dma_wait3A_162] : memref<10000x128xf32, #tpu.memory_space<vmem_shared>> -> memref<16x128xf32, #tpu.memory_space<vmem_shared>>
        %dma_wait3A_164 = arith.constant 0 : i32
        %dma_wait3A_165 = tpu.memref_slice %arg11[%multiple_of3A_143, %dma_wait3A_164] : memref<10000x128xf32, #tpu.memory_space<vmem_shared>> -> memref<16x128xf32, #tpu.memory_space<vmem_shared>>
        %dma_wait3A_166 = arith.constant 0 : i32
        %dma_wait3A_167 = arith.constant 0 : i32
        %dma_wait3A_168 = tpu.memref_slice %arg10[%run_scoped3A_144, %dma_wait3A_166, %dma_wait3A_167] : memref<2x125x128xf32, #tpu.memory_space<vmem>> -> memref<1x16x128xf32, #tpu.memory_space<vmem>>
        %dma_wait3A_169 = tpu.memref_squeeze %dma_wait3A_168 : memref<1x16x128xf32, #tpu.memory_space<vmem>> -> memref<16x128xf32, #tpu.memory_space<vmem>>
        tpu.wait_dma2 semaphore(%run_scoped3A_145 : memref<!tpu.dma_semaphore, #tpu.memory_space<semaphore_mem>>) src(%dma_wait3A_169 : memref<16x128xf32, #tpu.memory_space<vmem>>) dst(%dma_wait3A_165 : memref<16x128xf32, #tpu.memory_space<vmem_shared>>)
        tpu.yield
      }) : () -> ()
    }
    %barrier3A = arith.constant 0 : index
    tpu.barrier barrier_id(%barrier3A)
    %dma_start3A = arith.constant 0 : i32
    %dma_start3A_40 = arith.constant 0 : i32
    %dma_start3A_41 = arith.constant 0 : i32
    %dma_start3A_42 = arith.constant 0 : i32
    %dma_start3A_43 = tpu.memref_slice %arg10[%dma_start3A_40, %dma_start3A_41, %dma_start3A_42] : memref<2x125x128xf32, #tpu.memory_space<vmem>> -> memref<1x125x128xf32, #tpu.memory_space<vmem>>
    %dma_start3A_44 = tpu.memref_squeeze %dma_start3A_43 : memref<1x125x128xf32, #tpu.memory_space<vmem>> -> memref<125x128xf32, #tpu.memory_space<vmem>>
    %dma_start3A_45 = arith.constant 0 : i32
    %dma_start3A_46 = tpu.memref_slice %arg7[%dma_start3A, %dma_start3A_45] : memref<80x125xi32, #tpu.memory_space<vmem>> -> memref<1x125xi32, #tpu.memory_space<vmem>>
    %dma_start3A_47 = tpu.memref_squeeze %dma_start3A_46 : memref<1x125xi32, #tpu.memory_space<vmem>> -> memref<125xi32, #tpu.memory_space<vmem>>
    %dma_start3A_48 = arith.constant 0 : i32
    %dma_start3A_49 = arith.constant 0 : i32
    %dma_start3A_50 = tpu.memref_slice %arg2[%dma_start3A_48, %dma_start3A_49] : memref<20000x128xf32, #tpu.memory_space<hbm>> -> memref<20000x128xf32, #tpu.memory_space<hbm>>
    tpu.enqueue_indirect_dma source(%dma_start3A_50 : memref<20000x128xf32, #tpu.memory_space<hbm>>) target(%dma_start3A_44 : memref<125x128xf32, #tpu.memory_space<vmem>>) offsets(%dma_start3A_47 : memref<125xi32, #tpu.memory_space<vmem>>) semaphore(%arg12 : memref<!tpu.dma_semaphore, #tpu.memory_space<semaphore_mem>>)
    %dma_start3A_51 = arith.constant 1 : i32
    %dma_start3A_52 = arith.constant 0 : i32
    %dma_start3A_53 = arith.constant 0 : i32
    %dma_start3A_54 = arith.constant 0 : i32
    %dma_start3A_55 = arith.constant 0 : i32
    %dma_start3A_56 = tpu.memref_slice %arg10[%dma_start3A_51, %dma_start3A_54, %dma_start3A_55] : memref<2x125x128xf32, #tpu.memory_space<vmem>> -> memref<1x125x128xf32, #tpu.memory_space<vmem>>
    %dma_start3A_57 = tpu.memref_squeeze %dma_start3A_56 : memref<1x125x128xf32, #tpu.memory_space<vmem>> -> memref<125x128xf32, #tpu.memory_space<vmem>>
    %dma_start3A_58 = arith.constant 0 : i32
    %dma_start3A_59 = tpu.memref_slice %arg8[%dma_start3A_52, %dma_start3A_53, %dma_start3A_58] : memref<2x16x125xi32, #tpu.memory_space<vmem>> -> memref<1x1x125xi32, #tpu.memory_space<vmem>>
    %dma_start3A_60 = tpu.memref_squeeze %dma_start3A_59 : memref<1x1x125xi32, #tpu.memory_space<vmem>> -> memref<125xi32, #tpu.memory_space<vmem>>
    %dma_start3A_61 = arith.constant 0 : i32
    %dma_start3A_62 = arith.constant 0 : i32
    %dma_start3A_63 = tpu.memref_slice %arg11[%dma_start3A_61, %dma_start3A_62] : memref<10000x128xf32, #tpu.memory_space<vmem_shared>> -> memref<10000x128xf32, #tpu.memory_space<vmem_shared>>
    tpu.enqueue_indirect_dma source(%dma_start3A_57 : memref<125x128xf32, #tpu.memory_space<vmem>>) target(%dma_start3A_63 : memref<10000x128xf32, #tpu.memory_space<vmem_shared>>) offsets(%dma_start3A_60 : memref<125xi32, #tpu.memory_space<vmem>>) semaphore(%arg13 : memref<!tpu.dma_semaphore, #tpu.memory_space<semaphore_mem>>) {add = true}
    %scan3A_64 = arith.constant 0 : i32
    %scan3A_65 = arith.constant 0 : i32
    %scan3A_66 = arith.constant 4 : i32
    %scan3A_67 = arith.addi %scan3A_65, %scan3A_66 : i32
    %scan3A_68 = arith.constant 1 : i32
    scf.for %scan3A_139 = %scan3A_65 to %scan3A_67 step %scan3A_68  : i32 {
      %mul3A_140 = arith.constant 16 : i32
      %mul3A_141 = arith.muli %scan3A_139, %mul3A_140 : i32
      %add3A_142 = arith.constant 2 : i32
      %add3A_143 = arith.addi %mul3A_141, %add3A_142 : i32
      %while3A_144 = arith.constant 0 : i32
      %while3A_145 = arith.subi %add3A_143, %mul3A_141 : i32
      %while3A_146 = arith.addi %mul3A_141, %while3A_145 : i32
      %while3A_147 = arith.constant 1 : i32
      %while3A_148 = arith.divsi %while3A_145, %while3A_147 : i32
      %while3A_149 = arith.muli %while3A_148, %while3A_147 : i32
      %while3A_150 = arith.addi %mul3A_141, %while3A_149 : i32
      %while3A_151 = arith.constant 1 : i32
      scf.for %while3A_240 = %mul3A_141 to %while3A_150 step %while3A_151  : i32 {
        %jit3A_241 = arith.constant 2 : i32
        %eq3A_242 = arith.constant 0 : i32
        %eq3A_243 = arith.cmpi eq, %jit3A_241, %eq3A_242 : i32
        %jit3A_244 = arith.constant 1 : i32
        %select_n3A_245 = arith.select %eq3A_243, %jit3A_244, %jit3A_241 : i32
        %rem3A_246 = arith.remsi %while3A_240, %select_n3A_245 : i32
        %ne3A_247 = arith.constant 0 : i32
        %ne3A_248 = arith.cmpi ne, %rem3A_246, %ne3A_247 : i32
        %lt3A_249 = arith.constant 0 : i32
        %lt3A_250 = arith.cmpi slt, %rem3A_246, %lt3A_249 : i32
        %lt3A_251 = arith.constant 0 : i32
        %lt3A_252 = arith.cmpi slt, %select_n3A_245, %lt3A_251 : i32
        %ne3A_253 = arith.xori %lt3A_250, %lt3A_252 : i1
        %and3A_254 = arith.andi %ne3A_253, %ne3A_248 : i1
        %add3A_255 = arith.addi %rem3A_246, %select_n3A_245 : i32
        %select_n3A_256 = arith.select %and3A_254, %add3A_255, %rem3A_246 : i32
        %jit3A_257 = arith.constant 16 : i32
        %eq3A_258 = arith.constant 0 : i32
        %eq3A_259 = arith.cmpi eq, %jit3A_257, %eq3A_258 : i32
        %jit3A_260 = arith.constant 1 : i32
        %select_n3A_261 = arith.select %eq3A_259, %jit3A_260, %jit3A_257 : i32
        %rem3A_262 = arith.remsi %while3A_240, %select_n3A_261 : i32
        %ne3A_263 = arith.constant 0 : i32
        %ne3A_264 = arith.cmpi ne, %rem3A_262, %ne3A_263 : i32
        %lt3A_265 = arith.constant 0 : i32
        %lt3A_266 = arith.cmpi slt, %rem3A_262, %lt3A_265 : i32
        %lt3A_267 = arith.constant 0 : i32
        %lt3A_268 = arith.cmpi slt, %select_n3A_261, %lt3A_267 : i32
        %ne3A_269 = arith.xori %lt3A_266, %lt3A_268 : i1
        %and3A_270 = arith.andi %ne3A_269, %ne3A_264 : i1
        %add3A_271 = arith.addi %rem3A_262, %select_n3A_261 : i32
        %select_n3A_272 = arith.select %and3A_270, %add3A_271, %rem3A_262 : i32
        %jit3A_273 = arith.constant 16 : i32
        %div3A_274 = arith.divsi %while3A_240, %jit3A_273 : i32
        %sign3A_275 = arith.constant 0 : i32
        %sign3A_276 = arith.cmpi sgt, %while3A_240, %sign3A_275 : i32
        %sign3A_277 = arith.extui %sign3A_276 : i1 to i32
        %sign3A_278 = arith.constant 0 : i32
        %sign3A_279 = arith.cmpi slt, %while3A_240, %sign3A_278 : i32
        %sign3A_280 = arith.extui %sign3A_279 : i1 to i32
        %sign3A_281 = arith.subi %sign3A_277, %sign3A_280 : i32
        %sign3A_282 = arith.constant 0 : i32
        %sign3A_283 = arith.cmpi sgt, %jit3A_273, %sign3A_282 : i32
        %sign3A_284 = arith.extui %sign3A_283 : i1 to i32
        %sign3A_285 = arith.constant 0 : i32
        %sign3A_286 = arith.cmpi slt, %jit3A_273, %sign3A_285 : i32
        %sign3A_287 = arith.extui %sign3A_286 : i1 to i32
        %sign3A_288 = arith.subi %sign3A_284, %sign3A_287 : i32
        %ne3A_289 = arith.cmpi ne, %sign3A_281, %sign3A_288 : i32
        %rem3A_290 = arith.remsi %while3A_240, %jit3A_273 : i32
        %ne3A_291 = arith.constant 0 : i32
        %ne3A_292 = arith.cmpi ne, %rem3A_290, %ne3A_291 : i32
        %and3A_293 = arith.andi %ne3A_289, %ne3A_292 : i1
        %sub3A_294 = arith.constant 1 : i32
        %sub3A_295 = arith.subi %div3A_274, %sub3A_294 : i32
        %select_n3A_296 = arith.select %and3A_293, %sub3A_295, %div3A_274 : i32
        %jit3A_297 = arith.constant 2 : i32
        %eq3A_298 = arith.constant 0 : i32
        %eq3A_299 = arith.cmpi eq, %jit3A_297, %eq3A_298 : i32
        %jit3A_300 = arith.constant 1 : i32
        %select_n3A_301 = arith.select %eq3A_299, %jit3A_300, %jit3A_297 : i32
        %rem3A_302 = arith.remsi %select_n3A_296, %select_n3A_301 : i32
        %ne3A_303 = arith.constant 0 : i32
        %ne3A_304 = arith.cmpi ne, %rem3A_302, %ne3A_303 : i32
        %lt3A_305 = arith.constant 0 : i32
        %lt3A_306 = arith.cmpi slt, %rem3A_302, %lt3A_305 : i32
        %lt3A_307 = arith.constant 0 : i32
        %lt3A_308 = arith.cmpi slt, %select_n3A_301, %lt3A_307 : i32
        %ne3A_309 = arith.xori %lt3A_306, %lt3A_308 : i1
        %and3A_310 = arith.andi %ne3A_309, %ne3A_304 : i1
        %add3A_311 = arith.addi %rem3A_302, %select_n3A_301 : i32
        %select_n3A_312 = arith.select %and3A_310, %add3A_311, %rem3A_302 : i32
        %dma_wait3A_313 = arith.constant 0 : i32
        %dma_wait3A_314 = arith.constant 0 : i32
        %dma_wait3A_315 = tpu.memref_slice %arg10[%select_n3A_256, %dma_wait3A_313, %dma_wait3A_314] : memref<2x125x128xf32, #tpu.memory_space<vmem>> -> memref<1x125x128xf32, #tpu.memory_space<vmem>>
        %dma_wait3A_316 = tpu.memref_squeeze %dma_wait3A_315 : memref<1x125x128xf32, #tpu.memory_space<vmem>> -> memref<125x128xf32, #tpu.memory_space<vmem>>
        %dma_wait3A_317 = arith.constant 0 : i32
        %dma_wait3A_318 = tpu.memref_slice %arg7[%while3A_240, %dma_wait3A_317] : memref<80x125xi32, #tpu.memory_space<vmem>> -> memref<1x125xi32, #tpu.memory_space<vmem>>
        %dma_wait3A_319 = tpu.memref_squeeze %dma_wait3A_318 : memref<1x125xi32, #tpu.memory_space<vmem>> -> memref<125xi32, #tpu.memory_space<vmem>>
        %dma_wait3A_320 = arith.constant 0 : i32
        %dma_wait3A_321 = arith.constant 0 : i32
        %dma_wait3A_322 = tpu.memref_slice %arg2[%dma_wait3A_320, %dma_wait3A_321] : memref<20000x128xf32, #tpu.memory_space<hbm>> -> memref<20000x128xf32, #tpu.memory_space<hbm>>
        tpu.wait_indirect_dma semaphore(%arg12 : memref<!tpu.dma_semaphore, #tpu.memory_space<semaphore_mem>>) src(%dma_wait3A_322 : memref<20000x128xf32, #tpu.memory_space<hbm>>) dst(%dma_wait3A_316 : memref<125x128xf32, #tpu.memory_space<vmem>>)
        %sub3A_323 = arith.constant 1 : i32
        %sub3A_324 = arith.subi %sub3A_323, %select_n3A_256 : i32
        %dma_wait3A_325 = arith.constant 0 : i32
        %dma_wait3A_326 = arith.constant 0 : i32
        %dma_wait3A_327 = tpu.memref_slice %arg10[%sub3A_324, %dma_wait3A_325, %dma_wait3A_326] : memref<2x125x128xf32, #tpu.memory_space<vmem>> -> memref<1x125x128xf32, #tpu.memory_space<vmem>>
        %dma_wait3A_328 = tpu.memref_squeeze %dma_wait3A_327 : memref<1x125x128xf32, #tpu.memory_space<vmem>> -> memref<125x128xf32, #tpu.memory_space<vmem>>
        %dma_wait3A_329 = arith.constant 0 : i32
        %dma_wait3A_330 = tpu.memref_slice %arg8[%select_n3A_312, %select_n3A_272, %dma_wait3A_329] : memref<2x16x125xi32, #tpu.memory_space<vmem>> -> memref<1x1x125xi32, #tpu.memory_space<vmem>>
        %dma_wait3A_331 = tpu.memref_squeeze %dma_wait3A_330 : memref<1x1x125xi32, #tpu.memory_space<vmem>> -> memref<125xi32, #tpu.memory_space<vmem>>
        %dma_wait3A_332 = arith.constant 0 : i32
        %dma_wait3A_333 = arith.constant 0 : i32
        %dma_wait3A_334 = tpu.memref_slice %arg11[%dma_wait3A_332, %dma_wait3A_333] : memref<10000x128xf32, #tpu.memory_space<vmem_shared>> -> memref<10000x128xf32, #tpu.memory_space<vmem_shared>>
        tpu.wait_indirect_dma semaphore(%arg13 : memref<!tpu.dma_semaphore, #tpu.memory_space<semaphore_mem>>) src(%dma_wait3A_328 : memref<125x128xf32, #tpu.memory_space<vmem>>) dst(%dma_wait3A_334 : memref<10000x128xf32, #tpu.memory_space<vmem_shared>>)
        %add3A_335 = arith.constant 1 : i32
        %add3A_336 = arith.addi %while3A_240, %add3A_335 : i32
        %sub3A_337 = arith.constant 1 : i32
        %sub3A_338 = arith.subi %sub3A_337, %select_n3A_256 : i32
        %dma_start3A_339 = arith.constant 0 : i32
        %dma_start3A_340 = arith.constant 0 : i32
        %dma_start3A_341 = tpu.memref_slice %arg10[%sub3A_338, %dma_start3A_339, %dma_start3A_340] : memref<2x125x128xf32, #tpu.memory_space<vmem>> -> memref<1x125x128xf32, #tpu.memory_space<vmem>>
        %dma_start3A_342 = tpu.memref_squeeze %dma_start3A_341 : memref<1x125x128xf32, #tpu.memory_space<vmem>> -> memref<125x128xf32, #tpu.memory_space<vmem>>
        %dma_start3A_343 = arith.constant 0 : i32
        %dma_start3A_344 = tpu.memref_slice %arg7[%add3A_336, %dma_start3A_343] : memref<80x125xi32, #tpu.memory_space<vmem>> -> memref<1x125xi32, #tpu.memory_space<vmem>>
        %dma_start3A_345 = tpu.memref_squeeze %dma_start3A_344 : memref<1x125xi32, #tpu.memory_space<vmem>> -> memref<125xi32, #tpu.memory_space<vmem>>
        %dma_start3A_346 = arith.constant 0 : i32
        %dma_start3A_347 = arith.constant 0 : i32
        %dma_start3A_348 = tpu.memref_slice %arg2[%dma_start3A_346, %dma_start3A_347] : memref<20000x128xf32, #tpu.memory_space<hbm>> -> memref<20000x128xf32, #tpu.memory_space<hbm>>
        tpu.enqueue_indirect_dma source(%dma_start3A_348 : memref<20000x128xf32, #tpu.memory_space<hbm>>) target(%dma_start3A_342 : memref<125x128xf32, #tpu.memory_space<vmem>>) offsets(%dma_start3A_345 : memref<125xi32, #tpu.memory_space<vmem>>) semaphore(%arg12 : memref<!tpu.dma_semaphore, #tpu.memory_space<semaphore_mem>>)
        %parallel_loop3A_349 = arith.constant 0 : i32
        %parallel_loop3A_350 = arith.constant 125 : i32
        %parallel_loop3A_351 = arith.constant 1 : i32
        scf.for %parallel_loop3A_362 = %parallel_loop3A_349 to %parallel_loop3A_350 step %parallel_loop3A_351  : i32 {
          %parallel_loop3A_363 = arith.constant 125 : i32
          %parallel_loop3A_364 = arith.muli %select_n3A_272, %parallel_loop3A_363 : i32
          %parallel_loop3A_365 = arith.addi %parallel_loop3A_364, %parallel_loop3A_362 : i32
          %parallel_loop3A_366 = arith.constant 16 : i32
          %parallel_loop3A_367 = arith.divsi %parallel_loop3A_365, %parallel_loop3A_366 : i32
          %parallel_loop3A_368 = arith.constant 0 : i32
          %parallel_loop3A_369 = arith.cmpi sgt, %parallel_loop3A_365, %parallel_loop3A_368 : i32
          %parallel_loop3A_370 = arith.extui %parallel_loop3A_369 : i1 to i32
          %parallel_loop3A_371 = arith.constant 0 : i32
          %parallel_loop3A_372 = arith.cmpi slt, %parallel_loop3A_365, %parallel_loop3A_371 : i32
          %parallel_loop3A_373 = arith.extui %parallel_loop3A_372 : i1 to i32
          %parallel_loop3A_374 = arith.subi %parallel_loop3A_370, %parallel_loop3A_373 : i32
          %parallel_loop3A_375 = arith.constant 0 : i32
          %parallel_loop3A_376 = arith.cmpi sgt, %parallel_loop3A_366, %parallel_loop3A_375 : i32
          %parallel_loop3A_377 = arith.extui %parallel_loop3A_376 : i1 to i32
          %parallel_loop3A_378 = arith.constant 0 : i32
          %parallel_loop3A_379 = arith.cmpi slt, %parallel_loop3A_366, %parallel_loop3A_378 : i32
          %parallel_loop3A_380 = arith.extui %parallel_loop3A_379 : i1 to i32
          %parallel_loop3A_381 = arith.subi %parallel_loop3A_377, %parallel_loop3A_380 : i32
          %parallel_loop3A_382 = arith.cmpi ne, %parallel_loop3A_374, %parallel_loop3A_381 : i32
          %parallel_loop3A_383 = arith.remsi %parallel_loop3A_365, %parallel_loop3A_366 : i32
          %parallel_loop3A_384 = arith.constant 0 : i32
          %parallel_loop3A_385 = arith.cmpi ne, %parallel_loop3A_383, %parallel_loop3A_384 : i32
          %parallel_loop3A_386 = arith.andi %parallel_loop3A_382, %parallel_loop3A_385 : i1
          %parallel_loop3A_387 = arith.constant 1 : i32
          %parallel_loop3A_388 = arith.subi %parallel_loop3A_367, %parallel_loop3A_387 : i32
          %parallel_loop3A_389 = arith.select %parallel_loop3A_386, %parallel_loop3A_388, %parallel_loop3A_367 : i32
          %parallel_loop3A_390 = arith.constant 16 : i32
          %parallel_loop3A_391 = arith.muli %parallel_loop3A_389, %parallel_loop3A_390 : i32
          %parallel_loop3A_392 = arith.index_cast %parallel_loop3A_391 : i32 to index
          %parallel_loop3A_393 = tpu.vector_load %arg9[%parallel_loop3A_392] {strides = array<i32>} : memref<2000xf32, #tpu.memory_space<vmem>>, vector<16xf32>,
          %parallel_loop3A_394 = vector.shape_cast %parallel_loop3A_393 : vector<16xf32> to vector<16xf32>
          %parallel_loop3A_395 = arith.subi %parallel_loop3A_365, %parallel_loop3A_391 : i32
          %parallel_loop3A_396 = vector.broadcast %parallel_loop3A_395 : i32 to vector<16xi32>
          %parallel_loop3A_397 = arith.constant 0 : i32
          %parallel_loop3A_398 = vector.broadcast %parallel_loop3A_397 : i32 to vector<16xi32>
          %parallel_loop3A_399 = arith.cmpi slt, %parallel_loop3A_396, %parallel_loop3A_398 : vector<16xi32>
          %parallel_loop3A_400 = arith.constant 16 : i32
          %parallel_loop3A_401 = vector.broadcast %parallel_loop3A_400 : i32 to vector<16xi32>
          %parallel_loop3A_402 = arith.addi %parallel_loop3A_396, %parallel_loop3A_401 : vector<16xi32>
          %parallel_loop3A_403 = arith.select %parallel_loop3A_399, %parallel_loop3A_402, %parallel_loop3A_396 : vector<16xi1>, vector<16xi32>
          %parallel_loop3A_404 = vector.shape_cast %parallel_loop3A_403 : vector<16xi32> to vector<16x1xi32>
          %parallel_loop3A_405 = vector.shape_cast %parallel_loop3A_404 : vector<16x1xi32> to vector<16xi32>
          %parallel_loop3A_406 = tpu.dynamic_gather %parallel_loop3A_394[%parallel_loop3A_405] in [0] : vector<16xf32>, vector<16xi32> -> vector<16xf32>
          %parallel_loop3A_407 = arith.index_cast %select_n3A_256 : i32 to index
          %parallel_loop3A_408 = arith.index_cast %parallel_loop3A_362 : i32 to index
          %parallel_loop3A_409 = arith.constant 0 : index
          %parallel_loop3A_410 = tpu.vector_load %arg10[%parallel_loop3A_407, %parallel_loop3A_408, %parallel_loop3A_409] {strides = array<i32>} : memref<2x125x128xf32, #tpu.memory_space<vmem>>, vector<1x1x16xf32>,
          %parallel_loop3A_411 = vector.shape_cast %parallel_loop3A_410 : vector<1x1x16xf32> to vector<16xf32>
          %parallel_loop3A_412 = arith.mulf %parallel_loop3A_411, %parallel_loop3A_406 : vector<16xf32>
          %parallel_loop3A_413 = arith.index_cast %select_n3A_256 : i32 to index
          %parallel_loop3A_414 = arith.index_cast %parallel_loop3A_362 : i32 to index
          %parallel_loop3A_415 = arith.constant 0 : index
          %parallel_loop3A_416 = tpu.vector_load %arg10[%parallel_loop3A_413, %parallel_loop3A_414, %parallel_loop3A_415] {strides = array<i32>} : memref<2x125x128xf32, #tpu.memory_space<vmem>>, vector<1x1x16xf32>,
          %parallel_loop3A_417 = vector.shape_cast %parallel_loop3A_416 : vector<1x1x16xf32> to vector<16xf32>
          %parallel_loop3A_418 = vector.shape_cast %parallel_loop3A_412 : vector<16xf32> to vector<1x1x16xf32>
          tpu.vector_store %arg10[%parallel_loop3A_413, %parallel_loop3A_414, %parallel_loop3A_415], %parallel_loop3A_418 {strides = array<i32>} : memref<2x125x128xf32, #tpu.memory_space<vmem>>, vector<1x1x16xf32>,
          %parallel_loop3A_419 = arith.index_cast %select_n3A_256 : i32 to index
          %parallel_loop3A_420 = arith.index_cast %parallel_loop3A_362 : i32 to index
          %parallel_loop3A_421 = arith.constant 16 : index
          %parallel_loop3A_422 = tpu.vector_load %arg10[%parallel_loop3A_419, %parallel_loop3A_420, %parallel_loop3A_421] {strides = array<i32>} : memref<2x125x128xf32, #tpu.memory_space<vmem>>, vector<1x1x16xf32>,
          %parallel_loop3A_423 = vector.shape_cast %parallel_loop3A_422 : vector<1x1x16xf32> to vector<16xf32>
          %parallel_loop3A_424 = arith.mulf %parallel_loop3A_423, %parallel_loop3A_406 : vector<16xf32>
          %parallel_loop3A_425 = arith.index_cast %select_n3A_256 : i32 to index
          %parallel_loop3A_426 = arith.index_cast %parallel_loop3A_362 : i32 to index
          %parallel_loop3A_427 = arith.constant 16 : index
          %parallel_loop3A_428 = tpu.vector_load %arg10[%parallel_loop3A_425, %parallel_loop3A_426, %parallel_loop3A_427] {strides = array<i32>} : memref<2x125x128xf32, #tpu.memory_space<vmem>>, vector<1x1x16xf32>,
          %parallel_loop3A_429 = vector.shape_cast %parallel_loop3A_428 : vector<1x1x16xf32> to vector<16xf32>
          %parallel_loop3A_430 = vector.shape_cast %parallel_loop3A_424 : vector<16xf32> to vector<1x1x16xf32>
          tpu.vector_store %arg10[%parallel_loop3A_425, %parallel_loop3A_426, %parallel_loop3A_427], %parallel_loop3A_430 {strides = array<i32>} : memref<2x125x128xf32, #tpu.memory_space<vmem>>, vector<1x1x16xf32>,
          %parallel_loop3A_431 = arith.index_cast %select_n3A_256 : i32 to index
          %parallel_loop3A_432 = arith.index_cast %parallel_loop3A_362 : i32 to index
          %parallel_loop3A_433 = arith.constant 32 : index
          %parallel_loop3A_434 = tpu.vector_load %arg10[%parallel_loop3A_431, %parallel_loop3A_432, %parallel_loop3A_433] {strides = array<i32>} : memref<2x125x128xf32, #tpu.memory_space<vmem>>, vector<1x1x16xf32>,
          %parallel_loop3A_435 = vector.shape_cast %parallel_loop3A_434 : vector<1x1x16xf32> to vector<16xf32>
          %parallel_loop3A_436 = arith.mulf %parallel_loop3A_435, %parallel_loop3A_406 : vector<16xf32>
          %parallel_loop3A_437 = arith.index_cast %select_n3A_256 : i32 to index
          %parallel_loop3A_438 = arith.index_cast %parallel_loop3A_362 : i32 to index
          %parallel_loop3A_439 = arith.constant 32 : index
          %parallel_loop3A_440 = tpu.vector_load %arg10[%parallel_loop3A_437, %parallel_loop3A_438, %parallel_loop3A_439] {strides = array<i32>} : memref<2x125x128xf32, #tpu.memory_space<vmem>>, vector<1x1x16xf32>,
          %parallel_loop3A_441 = vector.shape_cast %parallel_loop3A_440 : vector<1x1x16xf32> to vector<16xf32>
          %parallel_loop3A_442 = vector.shape_cast %parallel_loop3A_436 : vector<16xf32> to vector<1x1x16xf32>
          tpu.vector_store %arg10[%parallel_loop3A_437, %parallel_loop3A_438, %parallel_loop3A_439], %parallel_loop3A_442 {strides = array<i32>} : memref<2x125x128xf32, #tpu.memory_space<vmem>>, vector<1x1x16xf32>,
          %parallel_loop3A_443 = arith.index_cast %select_n3A_256 : i32 to index
          %parallel_loop3A_444 = arith.index_cast %parallel_loop3A_362 : i32 to index
          %parallel_loop3A_445 = arith.constant 48 : index
          %parallel_loop3A_446 = tpu.vector_load %arg10[%parallel_loop3A_443, %parallel_loop3A_444, %parallel_loop3A_445] {strides = array<i32>} : memref<2x125x128xf32, #tpu.memory_space<vmem>>, vector<1x1x16xf32>,
          %parallel_loop3A_447 = vector.shape_cast %parallel_loop3A_446 : vector<1x1x16xf32> to vector<16xf32>
          %parallel_loop3A_448 = arith.mulf %parallel_loop3A_447, %parallel_loop3A_406 : vector<16xf32>
          %parallel_loop3A_449 = arith.index_cast %select_n3A_256 : i32 to index
          %parallel_loop3A_450 = arith.index_cast %parallel_loop3A_362 : i32 to index
          %parallel_loop3A_451 = arith.constant 48 : index
          %parallel_loop3A_452 = tpu.vector_load %arg10[%parallel_loop3A_449, %parallel_loop3A_450, %parallel_loop3A_451] {strides = array<i32>} : memref<2x125x128xf32, #tpu.memory_space<vmem>>, vector<1x1x16xf32>,
          %parallel_loop3A_453 = vector.shape_cast %parallel_loop3A_452 : vector<1x1x16xf32> to vector<16xf32>
          %parallel_loop3A_454 = vector.shape_cast %parallel_loop3A_448 : vector<16xf32> to vector<1x1x16xf32>
          tpu.vector_store %arg10[%parallel_loop3A_449, %parallel_loop3A_450, %parallel_loop3A_451], %parallel_loop3A_454 {strides = array<i32>} : memref<2x125x128xf32, #tpu.memory_space<vmem>>, vector<1x1x16xf32>,
          %parallel_loop3A_455 = arith.index_cast %select_n3A_256 : i32 to index
          %parallel_loop3A_456 = arith.index_cast %parallel_loop3A_362 : i32 to index
          %parallel_loop3A_457 = arith.constant 64 : index
          %parallel_loop3A_458 = tpu.vector_load %arg10[%parallel_loop3A_455, %parallel_loop3A_456, %parallel_loop3A_457] {strides = array<i32>} : memref<2x125x128xf32, #tpu.memory_space<vmem>>, vector<1x1x16xf32>,
          %parallel_loop3A_459 = vector.shape_cast %parallel_loop3A_458 : vector<1x1x16xf32> to vector<16xf32>
          %parallel_loop3A_460 = arith.mulf %parallel_loop3A_459, %parallel_loop3A_406 : vector<16xf32>
          %parallel_loop3A_461 = arith.index_cast %select_n3A_256 : i32 to index
          %parallel_loop3A_462 = arith.index_cast %parallel_loop3A_362 : i32 to index
          %parallel_loop3A_463 = arith.constant 64 : index
          %parallel_loop3A_464 = tpu.vector_load %arg10[%parallel_loop3A_461, %parallel_loop3A_462, %parallel_loop3A_463] {strides = array<i32>} : memref<2x125x128xf32, #tpu.memory_space<vmem>>, vector<1x1x16xf32>,
          %parallel_loop3A_465 = vector.shape_cast %parallel_loop3A_464 : vector<1x1x16xf32> to vector<16xf32>
          %parallel_loop3A_466 = vector.shape_cast %parallel_loop3A_460 : vector<16xf32> to vector<1x1x16xf32>
          tpu.vector_store %arg10[%parallel_loop3A_461, %parallel_loop3A_462, %parallel_loop3A_463], %parallel_loop3A_466 {strides = array<i32>} : memref<2x125x128xf32, #tpu.memory_space<vmem>>, vector<1x1x16xf32>,
          %parallel_loop3A_467 = arith.index_cast %select_n3A_256 : i32 to index
          %parallel_loop3A_468 = arith.index_cast %parallel_loop3A_362 : i32 to index
          %parallel_loop3A_469 = arith.constant 80 : index
          %parallel_loop3A_470 = tpu.vector_load %arg10[%parallel_loop3A_467, %parallel_loop3A_468, %parallel_loop3A_469] {strides = array<i32>} : memref<2x125x128xf32, #tpu.memory_space<vmem>>, vector<1x1x16xf32>,
          %parallel_loop3A_471 = vector.shape_cast %parallel_loop3A_470 : vector<1x1x16xf32> to vector<16xf32>
          %parallel_loop3A_472 = arith.mulf %parallel_loop3A_471, %parallel_loop3A_406 : vector<16xf32>
          %parallel_loop3A_473 = arith.index_cast %select_n3A_256 : i32 to index
          %parallel_loop3A_474 = arith.index_cast %parallel_loop3A_362 : i32 to index
          %parallel_loop3A_475 = arith.constant 80 : index
          %parallel_loop3A_476 = tpu.vector_load %arg10[%parallel_loop3A_473, %parallel_loop3A_474, %parallel_loop3A_475] {strides = array<i32>} : memref<2x125x128xf32, #tpu.memory_space<vmem>>, vector<1x1x16xf32>,
          %parallel_loop3A_477 = vector.shape_cast %parallel_loop3A_476 : vector<1x1x16xf32> to vector<16xf32>
          %parallel_loop3A_478 = vector.shape_cast %parallel_loop3A_472 : vector<16xf32> to vector<1x1x16xf32>
          tpu.vector_store %arg10[%parallel_loop3A_473, %parallel_loop3A_474, %parallel_loop3A_475], %parallel_loop3A_478 {strides = array<i32>} : memref<2x125x128xf32, #tpu.memory_space<vmem>>, vector<1x1x16xf32>,
          %parallel_loop3A_479 = arith.index_cast %select_n3A_256 : i32 to index
          %parallel_loop3A_480 = arith.index_cast %parallel_loop3A_362 : i32 to index
          %parallel_loop3A_481 = arith.constant 96 : index
          %parallel_loop3A_482 = tpu.vector_load %arg10[%parallel_loop3A_479, %parallel_loop3A_480, %parallel_loop3A_481] {strides = array<i32>} : memref<2x125x128xf32, #tpu.memory_space<vmem>>, vector<1x1x16xf32>,
          %parallel_loop3A_483 = vector.shape_cast %parallel_loop3A_482 : vector<1x1x16xf32> to vector<16xf32>
          %parallel_loop3A_484 = arith.mulf %parallel_loop3A_483, %parallel_loop3A_406 : vector<16xf32>
          %parallel_loop3A_485 = arith.index_cast %select_n3A_256 : i32 to index
          %parallel_loop3A_486 = arith.index_cast %parallel_loop3A_362 : i32 to index
          %parallel_loop3A_487 = arith.constant 96 : index
          %parallel_loop3A_488 = tpu.vector_load %arg10[%parallel_loop3A_485, %parallel_loop3A_486, %parallel_loop3A_487] {strides = array<i32>} : memref<2x125x128xf32, #tpu.memory_space<vmem>>, vector<1x1x16xf32>,
          %parallel_loop3A_489 = vector.shape_cast %parallel_loop3A_488 : vector<1x1x16xf32> to vector<16xf32>
          %parallel_loop3A_490 = vector.shape_cast %parallel_loop3A_484 : vector<16xf32> to vector<1x1x16xf32>
          tpu.vector_store %arg10[%parallel_loop3A_485, %parallel_loop3A_486, %parallel_loop3A_487], %parallel_loop3A_490 {strides = array<i32>} : memref<2x125x128xf32, #tpu.memory_space<vmem>>, vector<1x1x16xf32>,
          %parallel_loop3A_491 = arith.index_cast %select_n3A_256 : i32 to index
          %parallel_loop3A_492 = arith.index_cast %parallel_loop3A_362 : i32 to index
          %parallel_loop3A_493 = arith.constant 112 : index
          %parallel_loop3A_494 = tpu.vector_load %arg10[%parallel_loop3A_491, %parallel_loop3A_492, %parallel_loop3A_493] {strides = array<i32>} : memref<2x125x128xf32, #tpu.memory_space<vmem>>, vector<1x1x16xf32>,
          %parallel_loop3A_495 = vector.shape_cast %parallel_loop3A_494 : vector<1x1x16xf32> to vector<16xf32>
          %parallel_loop3A_496 = arith.mulf %parallel_loop3A_495, %parallel_loop3A_406 : vector<16xf32>
          %parallel_loop3A_497 = arith.index_cast %select_n3A_256 : i32 to index
          %parallel_loop3A_498 = arith.index_cast %parallel_loop3A_362 : i32 to index
          %parallel_loop3A_499 = arith.constant 112 : index
          %parallel_loop3A_500 = tpu.vector_load %arg10[%parallel_loop3A_497, %parallel_loop3A_498, %parallel_loop3A_499] {strides = array<i32>} : memref<2x125x128xf32, #tpu.memory_space<vmem>>, vector<1x1x16xf32>,
          %parallel_loop3A_501 = vector.shape_cast %parallel_loop3A_500 : vector<1x1x16xf32> to vector<16xf32>
          %parallel_loop3A_502 = vector.shape_cast %parallel_loop3A_496 : vector<16xf32> to vector<1x1x16xf32>
          tpu.vector_store %arg10[%parallel_loop3A_497, %parallel_loop3A_498, %parallel_loop3A_499], %parallel_loop3A_502 {strides = array<i32>} : memref<2x125x128xf32, #tpu.memory_space<vmem>>, vector<1x1x16xf32>,
        } {sc.loop_unroll_factor = 2 : i64, sc.parallel_access}
        %dma_start3A_352 = arith.constant 0 : i32
        %dma_start3A_353 = arith.constant 0 : i32
        %dma_start3A_354 = tpu.memref_slice %arg10[%select_n3A_256, %dma_start3A_352, %dma_start3A_353] : memref<2x125x128xf32, #tpu.memory_space<vmem>> -> memref<1x125x128xf32, #tpu.memory_space<vmem>>
        %dma_start3A_355 = tpu.memref_squeeze %dma_start3A_354 : memref<1x125x128xf32, #tpu.memory_space<vmem>> -> memref<125x128xf32, #tpu.memory_space<vmem>>
        %dma_start3A_356 = arith.constant 0 : i32
        %dma_start3A_357 = tpu.memref_slice %arg8[%select_n3A_312, %select_n3A_272, %dma_start3A_356] : memref<2x16x125xi32, #tpu.memory_space<vmem>> -> memref<1x1x125xi32, #tpu.memory_space<vmem>>
        %dma_start3A_358 = tpu.memref_squeeze %dma_start3A_357 : memref<1x1x125xi32, #tpu.memory_space<vmem>> -> memref<125xi32, #tpu.memory_space<vmem>>
        %dma_start3A_359 = arith.constant 0 : i32
        %dma_start3A_360 = arith.constant 0 : i32
        %dma_start3A_361 = tpu.memref_slice %arg11[%dma_start3A_359, %dma_start3A_360] : memref<10000x128xf32, #tpu.memory_space<vmem_shared>> -> memref<10000x128xf32, #tpu.memory_space<vmem_shared>>
        tpu.enqueue_indirect_dma source(%dma_start3A_355 : memref<125x128xf32, #tpu.memory_space<vmem>>) target(%dma_start3A_361 : memref<10000x128xf32, #tpu.memory_space<vmem_shared>>) offsets(%dma_start3A_358 : memref<125xi32, #tpu.memory_space<vmem>>) semaphore(%arg13 : memref<!tpu.dma_semaphore, #tpu.memory_space<semaphore_mem>>) {add = true}
      }
      %while3A_152 = arith.constant 1 : i32
      scf.for %while3A_240 = %while3A_150 to %while3A_146 step %while3A_152  : i32 {
        %jit3A_241 = arith.constant 2 : i32
        %eq3A_242 = arith.constant 0 : i32
        %eq3A_243 = arith.cmpi eq, %jit3A_241, %eq3A_242 : i32
        %jit3A_244 = arith.constant 1 : i32
        %select_n3A_245 = arith.select %eq3A_243, %jit3A_244, %jit3A_241 : i32
        %rem3A_246 = arith.remsi %while3A_240, %select_n3A_245 : i32
        %ne3A_247 = arith.constant 0 : i32
        %ne3A_248 = arith.cmpi ne, %rem3A_246, %ne3A_247 : i32
        %lt3A_249 = arith.constant 0 : i32
        %lt3A_250 = arith.cmpi slt, %rem3A_246, %lt3A_249 : i32
        %lt3A_251 = arith.constant 0 : i32
        %lt3A_252 = arith.cmpi slt, %select_n3A_245, %lt3A_251 : i32
        %ne3A_253 = arith.xori %lt3A_250, %lt3A_252 : i1
        %and3A_254 = arith.andi %ne3A_253, %ne3A_248 : i1
        %add3A_255 = arith.addi %rem3A_246, %select_n3A_245 : i32
        %select_n3A_256 = arith.select %and3A_254, %add3A_255, %rem3A_246 : i32
        %jit3A_257 = arith.constant 16 : i32
        %eq3A_258 = arith.constant 0 : i32
        %eq3A_259 = arith.cmpi eq, %jit3A_257, %eq3A_258 : i32
        %jit3A_260 = arith.constant 1 : i32
        %select_n3A_261 = arith.select %eq3A_259, %jit3A_260, %jit3A_257 : i32
        %rem3A_262 = arith.remsi %while3A_240, %select_n3A_261 : i32
        %ne3A_263 = arith.constant 0 : i32
        %ne3A_264 = arith.cmpi ne, %rem3A_262, %ne3A_263 : i32
        %lt3A_265 = arith.constant 0 : i32
        %lt3A_266 = arith.cmpi slt, %rem3A_262, %lt3A_265 : i32
        %lt3A_267 = arith.constant 0 : i32
        %lt3A_268 = arith.cmpi slt, %select_n3A_261, %lt3A_267 : i32
        %ne3A_269 = arith.xori %lt3A_266, %lt3A_268 : i1
        %and3A_270 = arith.andi %ne3A_269, %ne3A_264 : i1
        %add3A_271 = arith.addi %rem3A_262, %select_n3A_261 : i32
        %select_n3A_272 = arith.select %and3A_270, %add3A_271, %rem3A_262 : i32
        %jit3A_273 = arith.constant 16 : i32
        %div3A_274 = arith.divsi %while3A_240, %jit3A_273 : i32
        %sign3A_275 = arith.constant 0 : i32
        %sign3A_276 = arith.cmpi sgt, %while3A_240, %sign3A_275 : i32
        %sign3A_277 = arith.extui %sign3A_276 : i1 to i32
        %sign3A_278 = arith.constant 0 : i32
        %sign3A_279 = arith.cmpi slt, %while3A_240, %sign3A_278 : i32
        %sign3A_280 = arith.extui %sign3A_279 : i1 to i32
        %sign3A_281 = arith.subi %sign3A_277, %sign3A_280 : i32
        %sign3A_282 = arith.constant 0 : i32
        %sign3A_283 = arith.cmpi sgt, %jit3A_273, %sign3A_282 : i32
        %sign3A_284 = arith.extui %sign3A_283 : i1 to i32
        %sign3A_285 = arith.constant 0 : i32
        %sign3A_286 = arith.cmpi slt, %jit3A_273, %sign3A_285 : i32
        %sign3A_287 = arith.extui %sign3A_286 : i1 to i32
        %sign3A_288 = arith.subi %sign3A_284, %sign3A_287 : i32
        %ne3A_289 = arith.cmpi ne, %sign3A_281, %sign3A_288 : i32
        %rem3A_290 = arith.remsi %while3A_240, %jit3A_273 : i32
        %ne3A_291 = arith.constant 0 : i32
        %ne3A_292 = arith.cmpi ne, %rem3A_290, %ne3A_291 : i32
        %and3A_293 = arith.andi %ne3A_289, %ne3A_292 : i1
        %sub3A_294 = arith.constant 1 : i32
        %sub3A_295 = arith.subi %div3A_274, %sub3A_294 : i32
        %select_n3A_296 = arith.select %and3A_293, %sub3A_295, %div3A_274 : i32
        %jit3A_297 = arith.constant 2 : i32
        %eq3A_298 = arith.constant 0 : i32
        %eq3A_299 = arith.cmpi eq, %jit3A_297, %eq3A_298 : i32
        %jit3A_300 = arith.constant 1 : i32
        %select_n3A_301 = arith.select %eq3A_299, %jit3A_300, %jit3A_297 : i32
        %rem3A_302 = arith.remsi %select_n3A_296, %select_n3A_301 : i32
        %ne3A_303 = arith.constant 0 : i32
        %ne3A_304 = arith.cmpi ne, %rem3A_302, %ne3A_303 : i32
        %lt3A_305 = arith.constant 0 : i32
        %lt3A_306 = arith.cmpi slt, %rem3A_302, %lt3A_305 : i32
        %lt3A_307 = arith.constant 0 : i32
        %lt3A_308 = arith.cmpi slt, %select_n3A_301, %lt3A_307 : i32
        %ne3A_309 = arith.xori %lt3A_306, %lt3A_308 : i1
        %and3A_310 = arith.andi %ne3A_309, %ne3A_304 : i1
        %add3A_311 = arith.addi %rem3A_302, %select_n3A_301 : i32
        %select_n3A_312 = arith.select %and3A_310, %add3A_311, %rem3A_302 : i32
        %dma_wait3A_313 = arith.constant 0 : i32
        %dma_wait3A_314 = arith.constant 0 : i32
        %dma_wait3A_315 = tpu.memref_slice %arg10[%select_n3A_256, %dma_wait3A_313, %dma_wait3A_314] : memref<2x125x128xf32, #tpu.memory_space<vmem>> -> memref<1x125x128xf32, #tpu.memory_space<vmem>>
        %dma_wait3A_316 = tpu.memref_squeeze %dma_wait3A_315 : memref<1x125x128xf32, #tpu.memory_space<vmem>> -> memref<125x128xf32, #tpu.memory_space<vmem>>
        %dma_wait3A_317 = arith.constant 0 : i32
        %dma_wait3A_318 = tpu.memref_slice %arg7[%while3A_240, %dma_wait3A_317] : memref<80x125xi32, #tpu.memory_space<vmem>> -> memref<1x125xi32, #tpu.memory_space<vmem>>
        %dma_wait3A_319 = tpu.memref_squeeze %dma_wait3A_318 : memref<1x125xi32, #tpu.memory_space<vmem>> -> memref<125xi32, #tpu.memory_space<vmem>>
        %dma_wait3A_320 = arith.constant 0 : i32
        %dma_wait3A_321 = arith.constant 0 : i32
        %dma_wait3A_322 = tpu.memref_slice %arg2[%dma_wait3A_320, %dma_wait3A_321] : memref<20000x128xf32, #tpu.memory_space<hbm>> -> memref<20000x128xf32, #tpu.memory_space<hbm>>
        tpu.wait_indirect_dma semaphore(%arg12 : memref<!tpu.dma_semaphore, #tpu.memory_space<semaphore_mem>>) src(%dma_wait3A_322 : memref<20000x128xf32, #tpu.memory_space<hbm>>) dst(%dma_wait3A_316 : memref<125x128xf32, #tpu.memory_space<vmem>>)
        %sub3A_323 = arith.constant 1 : i32
        %sub3A_324 = arith.subi %sub3A_323, %select_n3A_256 : i32
        %dma_wait3A_325 = arith.constant 0 : i32
        %dma_wait3A_326 = arith.constant 0 : i32
        %dma_wait3A_327 = tpu.memref_slice %arg10[%sub3A_324, %dma_wait3A_325, %dma_wait3A_326] : memref<2x125x128xf32, #tpu.memory_space<vmem>> -> memref<1x125x128xf32, #tpu.memory_space<vmem>>
        %dma_wait3A_328 = tpu.memref_squeeze %dma_wait3A_327 : memref<1x125x128xf32, #tpu.memory_space<vmem>> -> memref<125x128xf32, #tpu.memory_space<vmem>>
        %dma_wait3A_329 = arith.constant 0 : i32
        %dma_wait3A_330 = tpu.memref_slice %arg8[%select_n3A_312, %select_n3A_272, %dma_wait3A_329] : memref<2x16x125xi32, #tpu.memory_space<vmem>> -> memref<1x1x125xi32, #tpu.memory_space<vmem>>
        %dma_wait3A_331 = tpu.memref_squeeze %dma_wait3A_330 : memref<1x1x125xi32, #tpu.memory_space<vmem>> -> memref<125xi32, #tpu.memory_space<vmem>>
        %dma_wait3A_332 = arith.constant 0 : i32
        %dma_wait3A_333 = arith.constant 0 : i32
        %dma_wait3A_334 = tpu.memref_slice %arg11[%dma_wait3A_332, %dma_wait3A_333] : memref<10000x128xf32, #tpu.memory_space<vmem_shared>> -> memref<10000x128xf32, #tpu.memory_space<vmem_shared>>
        tpu.wait_indirect_dma semaphore(%arg13 : memref<!tpu.dma_semaphore, #tpu.memory_space<semaphore_mem>>) src(%dma_wait3A_328 : memref<125x128xf32, #tpu.memory_space<vmem>>) dst(%dma_wait3A_334 : memref<10000x128xf32, #tpu.memory_space<vmem_shared>>)
        %add3A_335 = arith.constant 1 : i32
        %add3A_336 = arith.addi %while3A_240, %add3A_335 : i32
        %sub3A_337 = arith.constant 1 : i32
        %sub3A_338 = arith.subi %sub3A_337, %select_n3A_256 : i32
        %dma_start3A_339 = arith.constant 0 : i32
        %dma_start3A_340 = arith.constant 0 : i32
        %dma_start3A_341 = tpu.memref_slice %arg10[%sub3A_338, %dma_start3A_339, %dma_start3A_340] : memref<2x125x128xf32, #tpu.memory_space<vmem>> -> memref<1x125x128xf32, #tpu.memory_space<vmem>>
        %dma_start3A_342 = tpu.memref_squeeze %dma_start3A_341 : memref<1x125x128xf32, #tpu.memory_space<vmem>> -> memref<125x128xf32, #tpu.memory_space<vmem>>
        %dma_start3A_343 = arith.constant 0 : i32
        %dma_start3A_344 = tpu.memref_slice %arg7[%add3A_336, %dma_start3A_343] : memref<80x125xi32, #tpu.memory_space<vmem>> -> memref<1x125xi32, #tpu.memory_space<vmem>>
        %dma_start3A_345 = tpu.memref_squeeze %dma_start3A_344 : memref<1x125xi32, #tpu.memory_space<vmem>> -> memref<125xi32, #tpu.memory_space<vmem>>
        %dma_start3A_346 = arith.constant 0 : i32
        %dma_start3A_347 = arith.constant 0 : i32
        %dma_start3A_348 = tpu.memref_slice %arg2[%dma_start3A_346, %dma_start3A_347] : memref<20000x128xf32, #tpu.memory_space<hbm>> -> memref<20000x128xf32, #tpu.memory_space<hbm>>
        tpu.enqueue_indirect_dma source(%dma_start3A_348 : memref<20000x128xf32, #tpu.memory_space<hbm>>) target(%dma_start3A_342 : memref<125x128xf32, #tpu.memory_space<vmem>>) offsets(%dma_start3A_345 : memref<125xi32, #tpu.memory_space<vmem>>) semaphore(%arg12 : memref<!tpu.dma_semaphore, #tpu.memory_space<semaphore_mem>>)
        %parallel_loop3A_349 = arith.constant 0 : i32
        %parallel_loop3A_350 = arith.constant 125 : i32
        %parallel_loop3A_351 = arith.constant 1 : i32
        scf.for %parallel_loop3A_362 = %parallel_loop3A_349 to %parallel_loop3A_350 step %parallel_loop3A_351  : i32 {
          %parallel_loop3A_363 = arith.constant 125 : i32
          %parallel_loop3A_364 = arith.muli %select_n3A_272, %parallel_loop3A_363 : i32
          %parallel_loop3A_365 = arith.addi %parallel_loop3A_364, %parallel_loop3A_362 : i32
          %parallel_loop3A_366 = arith.constant 16 : i32
          %parallel_loop3A_367 = arith.divsi %parallel_loop3A_365, %parallel_loop3A_366 : i32
          %parallel_loop3A_368 = arith.constant 0 : i32
          %parallel_loop3A_369 = arith.cmpi sgt, %parallel_loop3A_365, %parallel_loop3A_368 : i32
          %parallel_loop3A_370 = arith.extui %parallel_loop3A_369 : i1 to i32
          %parallel_loop3A_371 = arith.constant 0 : i32
          %parallel_loop3A_372 = arith.cmpi slt, %parallel_loop3A_365, %parallel_loop3A_371 : i32
          %parallel_loop3A_373 = arith.extui %parallel_loop3A_372 : i1 to i32
          %parallel_loop3A_374 = arith.subi %parallel_loop3A_370, %parallel_loop3A_373 : i32
          %parallel_loop3A_375 = arith.constant 0 : i32
          %parallel_loop3A_376 = arith.cmpi sgt, %parallel_loop3A_366, %parallel_loop3A_375 : i32
          %parallel_loop3A_377 = arith.extui %parallel_loop3A_376 : i1 to i32
          %parallel_loop3A_378 = arith.constant 0 : i32
          %parallel_loop3A_379 = arith.cmpi slt, %parallel_loop3A_366, %parallel_loop3A_378 : i32
          %parallel_loop3A_380 = arith.extui %parallel_loop3A_379 : i1 to i32
          %parallel_loop3A_381 = arith.subi %parallel_loop3A_377, %parallel_loop3A_380 : i32
          %parallel_loop3A_382 = arith.cmpi ne, %parallel_loop3A_374, %parallel_loop3A_381 : i32
          %parallel_loop3A_383 = arith.remsi %parallel_loop3A_365, %parallel_loop3A_366 : i32
          %parallel_loop3A_384 = arith.constant 0 : i32
          %parallel_loop3A_385 = arith.cmpi ne, %parallel_loop3A_383, %parallel_loop3A_384 : i32
          %parallel_loop3A_386 = arith.andi %parallel_loop3A_382, %parallel_loop3A_385 : i1
          %parallel_loop3A_387 = arith.constant 1 : i32
          %parallel_loop3A_388 = arith.subi %parallel_loop3A_367, %parallel_loop3A_387 : i32
          %parallel_loop3A_389 = arith.select %parallel_loop3A_386, %parallel_loop3A_388, %parallel_loop3A_367 : i32
          %parallel_loop3A_390 = arith.constant 16 : i32
          %parallel_loop3A_391 = arith.muli %parallel_loop3A_389, %parallel_loop3A_390 : i32
          %parallel_loop3A_392 = arith.index_cast %parallel_loop3A_391 : i32 to index
          %parallel_loop3A_393 = tpu.vector_load %arg9[%parallel_loop3A_392] {strides = array<i32>} : memref<2000xf32, #tpu.memory_space<vmem>>, vector<16xf32>,
          %parallel_loop3A_394 = vector.shape_cast %parallel_loop3A_393 : vector<16xf32> to vector<16xf32>
          %parallel_loop3A_395 = arith.subi %parallel_loop3A_365, %parallel_loop3A_391 : i32
          %parallel_loop3A_396 = vector.broadcast %parallel_loop3A_395 : i32 to vector<16xi32>
          %parallel_loop3A_397 = arith.constant 0 : i32
          %parallel_loop3A_398 = vector.broadcast %parallel_loop3A_397 : i32 to vector<16xi32>
          %parallel_loop3A_399 = arith.cmpi slt, %parallel_loop3A_396, %parallel_loop3A_398 : vector<16xi32>
          %parallel_loop3A_400 = arith.constant 16 : i32
          %parallel_loop3A_401 = vector.broadcast %parallel_loop3A_400 : i32 to vector<16xi32>
          %parallel_loop3A_402 = arith.addi %parallel_loop3A_396, %parallel_loop3A_401 : vector<16xi32>
          %parallel_loop3A_403 = arith.select %parallel_loop3A_399, %parallel_loop3A_402, %parallel_loop3A_396 : vector<16xi1>, vector<16xi32>
          %parallel_loop3A_404 = vector.shape_cast %parallel_loop3A_403 : vector<16xi32> to vector<16x1xi32>
          %parallel_loop3A_405 = vector.shape_cast %parallel_loop3A_404 : vector<16x1xi32> to vector<16xi32>
          %parallel_loop3A_406 = tpu.dynamic_gather %parallel_loop3A_394[%parallel_loop3A_405] in [0] : vector<16xf32>, vector<16xi32> -> vector<16xf32>
          %parallel_loop3A_407 = arith.index_cast %select_n3A_256 : i32 to index
          %parallel_loop3A_408 = arith.index_cast %parallel_loop3A_362 : i32 to index
          %parallel_loop3A_409 = arith.constant 0 : index
          %parallel_loop3A_410 = tpu.vector_load %arg10[%parallel_loop3A_407, %parallel_loop3A_408, %parallel_loop3A_409] {strides = array<i32>} : memref<2x125x128xf32, #tpu.memory_space<vmem>>, vector<1x1x16xf32>,
          %parallel_loop3A_411 = vector.shape_cast %parallel_loop3A_410 : vector<1x1x16xf32> to vector<16xf32>
          %parallel_loop3A_412 = arith.mulf %parallel_loop3A_411, %parallel_loop3A_406 : vector<16xf32>
          %parallel_loop3A_413 = arith.index_cast %select_n3A_256 : i32 to index
          %parallel_loop3A_414 = arith.index_cast %parallel_loop3A_362 : i32 to index
          %parallel_loop3A_415 = arith.constant 0 : index
          %parallel_loop3A_416 = tpu.vector_load %arg10[%parallel_loop3A_413, %parallel_loop3A_414, %parallel_loop3A_415] {strides = array<i32>} : memref<2x125x128xf32, #tpu.memory_space<vmem>>, vector<1x1x16xf32>,
          %parallel_loop3A_417 = vector.shape_cast %parallel_loop3A_416 : vector<1x1x16xf32> to vector<16xf32>
          %parallel_loop3A_418 = vector.shape_cast %parallel_loop3A_412 : vector<16xf32> to vector<1x1x16xf32>
          tpu.vector_store %arg10[%parallel_loop3A_413, %parallel_loop3A_414, %parallel_loop3A_415], %parallel_loop3A_418 {strides = array<i32>} : memref<2x125x128xf32, #tpu.memory_space<vmem>>, vector<1x1x16xf32>,
          %parallel_loop3A_419 = arith.index_cast %select_n3A_256 : i32 to index
          %parallel_loop3A_420 = arith.index_cast %parallel_loop3A_362 : i32 to index
          %parallel_loop3A_421 = arith.constant 16 : index
          %parallel_loop3A_422 = tpu.vector_load %arg10[%parallel_loop3A_419, %parallel_loop3A_420, %parallel_loop3A_421] {strides = array<i32>} : memref<2x125x128xf32, #tpu.memory_space<vmem>>, vector<1x1x16xf32>,
          %parallel_loop3A_423 = vector.shape_cast %parallel_loop3A_422 : vector<1x1x16xf32> to vector<16xf32>
          %parallel_loop3A_424 = arith.mulf %parallel_loop3A_423, %parallel_loop3A_406 : vector<16xf32>
          %parallel_loop3A_425 = arith.index_cast %select_n3A_256 : i32 to index
          %parallel_loop3A_426 = arith.index_cast %parallel_loop3A_362 : i32 to index
          %parallel_loop3A_427 = arith.constant 16 : index
          %parallel_loop3A_428 = tpu.vector_load %arg10[%parallel_loop3A_425, %parallel_loop3A_426, %parallel_loop3A_427] {strides = array<i32>} : memref<2x125x128xf32, #tpu.memory_space<vmem>>, vector<1x1x16xf32>,
          %parallel_loop3A_429 = vector.shape_cast %parallel_loop3A_428 : vector<1x1x16xf32> to vector<16xf32>
          %parallel_loop3A_430 = vector.shape_cast %parallel_loop3A_424 : vector<16xf32> to vector<1x1x16xf32>
          tpu.vector_store %arg10[%parallel_loop3A_425, %parallel_loop3A_426, %parallel_loop3A_427], %parallel_loop3A_430 {strides = array<i32>} : memref<2x125x128xf32, #tpu.memory_space<vmem>>, vector<1x1x16xf32>,
          %parallel_loop3A_431 = arith.index_cast %select_n3A_256 : i32 to index
          %parallel_loop3A_432 = arith.index_cast %parallel_loop3A_362 : i32 to index
          %parallel_loop3A_433 = arith.constant 32 : index
          %parallel_loop3A_434 = tpu.vector_load %arg10[%parallel_loop3A_431, %parallel_loop3A_432, %parallel_loop3A_433] {strides = array<i32>} : memref<2x125x128xf32, #tpu.memory_space<vmem>>, vector<1x1x16xf32>,
          %parallel_loop3A_435 = vector.shape_cast %parallel_loop3A_434 : vector<1x1x16xf32> to vector<16xf32>
          %parallel_loop3A_436 = arith.mulf %parallel_loop3A_435, %parallel_loop3A_406 : vector<16xf32>
          %parallel_loop3A_437 = arith.index_cast %select_n3A_256 : i32 to index
          %parallel_loop3A_438 = arith.index_cast %parallel_loop3A_362 : i32 to index
          %parallel_loop3A_439 = arith.constant 32 : index
          %parallel_loop3A_440 = tpu.vector_load %arg10[%parallel_loop3A_437, %parallel_loop3A_438, %parallel_loop3A_439] {strides = array<i32>} : memref<2x125x128xf32, #tpu.memory_space<vmem>>, vector<1x1x16xf32>,
          %parallel_loop3A_441 = vector.shape_cast %parallel_loop3A_440 : vector<1x1x16xf32> to vector<16xf32>
          %parallel_loop3A_442 = vector.shape_cast %parallel_loop3A_436 : vector<16xf32> to vector<1x1x16xf32>
          tpu.vector_store %arg10[%parallel_loop3A_437, %parallel_loop3A_438, %parallel_loop3A_439], %parallel_loop3A_442 {strides = array<i32>} : memref<2x125x128xf32, #tpu.memory_space<vmem>>, vector<1x1x16xf32>,
          %parallel_loop3A_443 = arith.index_cast %select_n3A_256 : i32 to index
          %parallel_loop3A_444 = arith.index_cast %parallel_loop3A_362 : i32 to index
          %parallel_loop3A_445 = arith.constant 48 : index
          %parallel_loop3A_446 = tpu.vector_load %arg10[%parallel_loop3A_443, %parallel_loop3A_444, %parallel_loop3A_445] {strides = array<i32>} : memref<2x125x128xf32, #tpu.memory_space<vmem>>, vector<1x1x16xf32>,
          %parallel_loop3A_447 = vector.shape_cast %parallel_loop3A_446 : vector<1x1x16xf32> to vector<16xf32>
          %parallel_loop3A_448 = arith.mulf %parallel_loop3A_447, %parallel_loop3A_406 : vector<16xf32>
          %parallel_loop3A_449 = arith.index_cast %select_n3A_256 : i32 to index
          %parallel_loop3A_450 = arith.index_cast %parallel_loop3A_362 : i32 to index
          %parallel_loop3A_451 = arith.constant 48 : index
          %parallel_loop3A_452 = tpu.vector_load %arg10[%parallel_loop3A_449, %parallel_loop3A_450, %parallel_loop3A_451] {strides = array<i32>} : memref<2x125x128xf32, #tpu.memory_space<vmem>>, vector<1x1x16xf32>,
          %parallel_loop3A_453 = vector.shape_cast %parallel_loop3A_452 : vector<1x1x16xf32> to vector<16xf32>
          %parallel_loop3A_454 = vector.shape_cast %parallel_loop3A_448 : vector<16xf32> to vector<1x1x16xf32>
          tpu.vector_store %arg10[%parallel_loop3A_449, %parallel_loop3A_450, %parallel_loop3A_451], %parallel_loop3A_454 {strides = array<i32>} : memref<2x125x128xf32, #tpu.memory_space<vmem>>, vector<1x1x16xf32>,
          %parallel_loop3A_455 = arith.index_cast %select_n3A_256 : i32 to index
          %parallel_loop3A_456 = arith.index_cast %parallel_loop3A_362 : i32 to index
          %parallel_loop3A_457 = arith.constant 64 : index
          %parallel_loop3A_458 = tpu.vector_load %arg10[%parallel_loop3A_455, %parallel_loop3A_456, %parallel_loop3A_457] {strides = array<i32>} : memref<2x125x128xf32, #tpu.memory_space<vmem>>, vector<1x1x16xf32>,
          %parallel_loop3A_459 = vector.shape_cast %parallel_loop3A_458 : vector<1x1x16xf32> to vector<16xf32>
          %parallel_loop3A_460 = arith.mulf %parallel_loop3A_459, %parallel_loop3A_406 : vector<16xf32>
          %parallel_loop3A_461 = arith.index_cast %select_n3A_256 : i32 to index
          %parallel_loop3A_462 = arith.index_cast %parallel_loop3A_362 : i32 to index
          %parallel_loop3A_463 = arith.constant 64 : index
          %parallel_loop3A_464 = tpu.vector_load %arg10[%parallel_loop3A_461, %parallel_loop3A_462, %parallel_loop3A_463] {strides = array<i32>} : memref<2x125x128xf32, #tpu.memory_space<vmem>>, vector<1x1x16xf32>,
          %parallel_loop3A_465 = vector.shape_cast %parallel_loop3A_464 : vector<1x1x16xf32> to vector<16xf32>
          %parallel_loop3A_466 = vector.shape_cast %parallel_loop3A_460 : vector<16xf32> to vector<1x1x16xf32>
          tpu.vector_store %arg10[%parallel_loop3A_461, %parallel_loop3A_462, %parallel_loop3A_463], %parallel_loop3A_466 {strides = array<i32>} : memref<2x125x128xf32, #tpu.memory_space<vmem>>, vector<1x1x16xf32>,
          %parallel_loop3A_467 = arith.index_cast %select_n3A_256 : i32 to index
          %parallel_loop3A_468 = arith.index_cast %parallel_loop3A_362 : i32 to index
          %parallel_loop3A_469 = arith.constant 80 : index
          %parallel_loop3A_470 = tpu.vector_load %arg10[%parallel_loop3A_467, %parallel_loop3A_468, %parallel_loop3A_469] {strides = array<i32>} : memref<2x125x128xf32, #tpu.memory_space<vmem>>, vector<1x1x16xf32>,
          %parallel_loop3A_471 = vector.shape_cast %parallel_loop3A_470 : vector<1x1x16xf32> to vector<16xf32>
          %parallel_loop3A_472 = arith.mulf %parallel_loop3A_471, %parallel_loop3A_406 : vector<16xf32>
          %parallel_loop3A_473 = arith.index_cast %select_n3A_256 : i32 to index
          %parallel_loop3A_474 = arith.index_cast %parallel_loop3A_362 : i32 to index
          %parallel_loop3A_475 = arith.constant 80 : index
          %parallel_loop3A_476 = tpu.vector_load %arg10[%parallel_loop3A_473, %parallel_loop3A_474, %parallel_loop3A_475] {strides = array<i32>} : memref<2x125x128xf32, #tpu.memory_space<vmem>>, vector<1x1x16xf32>,
          %parallel_loop3A_477 = vector.shape_cast %parallel_loop3A_476 : vector<1x1x16xf32> to vector<16xf32>
          %parallel_loop3A_478 = vector.shape_cast %parallel_loop3A_472 : vector<16xf32> to vector<1x1x16xf32>
          tpu.vector_store %arg10[%parallel_loop3A_473, %parallel_loop3A_474, %parallel_loop3A_475], %parallel_loop3A_478 {strides = array<i32>} : memref<2x125x128xf32, #tpu.memory_space<vmem>>, vector<1x1x16xf32>,
          %parallel_loop3A_479 = arith.index_cast %select_n3A_256 : i32 to index
          %parallel_loop3A_480 = arith.index_cast %parallel_loop3A_362 : i32 to index
          %parallel_loop3A_481 = arith.constant 96 : index
          %parallel_loop3A_482 = tpu.vector_load %arg10[%parallel_loop3A_479, %parallel_loop3A_480, %parallel_loop3A_481] {strides = array<i32>} : memref<2x125x128xf32, #tpu.memory_space<vmem>>, vector<1x1x16xf32>,
          %parallel_loop3A_483 = vector.shape_cast %parallel_loop3A_482 : vector<1x1x16xf32> to vector<16xf32>
          %parallel_loop3A_484 = arith.mulf %parallel_loop3A_483, %parallel_loop3A_406 : vector<16xf32>
          %parallel_loop3A_485 = arith.index_cast %select_n3A_256 : i32 to index
          %parallel_loop3A_486 = arith.index_cast %parallel_loop3A_362 : i32 to index
          %parallel_loop3A_487 = arith.constant 96 : index
          %parallel_loop3A_488 = tpu.vector_load %arg10[%parallel_loop3A_485, %parallel_loop3A_486, %parallel_loop3A_487] {strides = array<i32>} : memref<2x125x128xf32, #tpu.memory_space<vmem>>, vector<1x1x16xf32>,
          %parallel_loop3A_489 = vector.shape_cast %parallel_loop3A_488 : vector<1x1x16xf32> to vector<16xf32>
          %parallel_loop3A_490 = vector.shape_cast %parallel_loop3A_484 : vector<16xf32> to vector<1x1x16xf32>
          tpu.vector_store %arg10[%parallel_loop3A_485, %parallel_loop3A_486, %parallel_loop3A_487], %parallel_loop3A_490 {strides = array<i32>} : memref<2x125x128xf32, #tpu.memory_space<vmem>>, vector<1x1x16xf32>,
          %parallel_loop3A_491 = arith.index_cast %select_n3A_256 : i32 to index
          %parallel_loop3A_492 = arith.index_cast %parallel_loop3A_362 : i32 to index
          %parallel_loop3A_493 = arith.constant 112 : index
          %parallel_loop3A_494 = tpu.vector_load %arg10[%parallel_loop3A_491, %parallel_loop3A_492, %parallel_loop3A_493] {strides = array<i32>} : memref<2x125x128xf32, #tpu.memory_space<vmem>>, vector<1x1x16xf32>,
          %parallel_loop3A_495 = vector.shape_cast %parallel_loop3A_494 : vector<1x1x16xf32> to vector<16xf32>
          %parallel_loop3A_496 = arith.mulf %parallel_loop3A_495, %parallel_loop3A_406 : vector<16xf32>
          %parallel_loop3A_497 = arith.index_cast %select_n3A_256 : i32 to index
          %parallel_loop3A_498 = arith.index_cast %parallel_loop3A_362 : i32 to index
          %parallel_loop3A_499 = arith.constant 112 : index
          %parallel_loop3A_500 = tpu.vector_load %arg10[%parallel_loop3A_497, %parallel_loop3A_498, %parallel_loop3A_499] {strides = array<i32>} : memref<2x125x128xf32, #tpu.memory_space<vmem>>, vector<1x1x16xf32>,
          %parallel_loop3A_501 = vector.shape_cast %parallel_loop3A_500 : vector<1x1x16xf32> to vector<16xf32>
          %parallel_loop3A_502 = vector.shape_cast %parallel_loop3A_496 : vector<16xf32> to vector<1x1x16xf32>
          tpu.vector_store %arg10[%parallel_loop3A_497, %parallel_loop3A_498, %parallel_loop3A_499], %parallel_loop3A_502 {strides = array<i32>} : memref<2x125x128xf32, #tpu.memory_space<vmem>>, vector<1x1x16xf32>,
        } {sc.loop_unroll_factor = 2 : i64, sc.parallel_access}
        %dma_start3A_352 = arith.constant 0 : i32
        %dma_start3A_353 = arith.constant 0 : i32
        %dma_start3A_354 = tpu.memref_slice %arg10[%select_n3A_256, %dma_start3A_352, %dma_start3A_353] : memref<2x125x128xf32, #tpu.memory_space<vmem>> -> memref<1x125x128xf32, #tpu.memory_space<vmem>>
        %dma_start3A_355 = tpu.memref_squeeze %dma_start3A_354 : memref<1x125x128xf32, #tpu.memory_space<vmem>> -> memref<125x128xf32, #tpu.memory_space<vmem>>
        %dma_start3A_356 = arith.constant 0 : i32
        %dma_start3A_357 = tpu.memref_slice %arg8[%select_n3A_312, %select_n3A_272, %dma_start3A_356] : memref<2x16x125xi32, #tpu.memory_space<vmem>> -> memref<1x1x125xi32, #tpu.memory_space<vmem>>
        %dma_start3A_358 = tpu.memref_squeeze %dma_start3A_357 : memref<1x1x125xi32, #tpu.memory_space<vmem>> -> memref<125xi32, #tpu.memory_space<vmem>>
        %dma_start3A_359 = arith.constant 0 : i32
        %dma_start3A_360 = arith.constant 0 : i32
        %dma_start3A_361 = tpu.memref_slice %arg11[%dma_start3A_359, %dma_start3A_360] : memref<10000x128xf32, #tpu.memory_space<vmem_shared>> -> memref<10000x128xf32, #tpu.memory_space<vmem_shared>>
        tpu.enqueue_indirect_dma source(%dma_start3A_355 : memref<125x128xf32, #tpu.memory_space<vmem>>) target(%dma_start3A_361 : memref<10000x128xf32, #tpu.memory_space<vmem_shared>>) offsets(%dma_start3A_358 : memref<125xi32, #tpu.memory_space<vmem>>) semaphore(%arg13 : memref<!tpu.dma_semaphore, #tpu.memory_space<semaphore_mem>>) {add = true}
      }
      %add3A_153 = arith.constant 1 : i32
      %add3A_154 = arith.addi %scan3A_139, %add3A_153 : i32
      %mul3A_155 = arith.constant 16 : i32
      %mul3A_156 = arith.muli %add3A_154, %mul3A_155 : i32
      %add3A_157 = arith.addi %multiple_of3A, %mul3A_156 : i32
      %multiple_of3A_158 = tpu.assume_multiple %add3A_157, 8 : i32
      %add3A_159 = arith.constant 1 : i32
      %add3A_160 = arith.addi %scan3A_139, %add3A_159 : i32
      %jit3A_161 = arith.constant 2 : i32
      %eq3A_162 = arith.constant 0 : i32
      %eq3A_163 = arith.cmpi eq, %jit3A_161, %eq3A_162 : i32
      %jit3A_164 = arith.constant 1 : i32
      %select_n3A_165 = arith.select %eq3A_163, %jit3A_164, %jit3A_161 : i32
      %rem3A_166 = arith.remsi %add3A_160, %select_n3A_165 : i32
      %ne3A_167 = arith.constant 0 : i32
      %ne3A_168 = arith.cmpi ne, %rem3A_166, %ne3A_167 : i32
      %lt3A = arith.constant 0 : i32
      %lt3A_169 = arith.cmpi slt, %rem3A_166, %lt3A : i32
      %lt3A_170 = arith.constant 0 : i32
      %lt3A_171 = arith.cmpi slt, %select_n3A_165, %lt3A_170 : i32
      %ne3A_172 = arith.xori %lt3A_169, %lt3A_171 : i1
      %and3A_173 = arith.andi %ne3A_172, %ne3A_168 : i1
      %add3A_174 = arith.addi %rem3A_166, %select_n3A_165 : i32
      %select_n3A_175 = arith.select %and3A_173, %add3A_174, %rem3A_166 : i32
      %dma_start3A_176 = arith.constant 0 : i32
      %dma_start3A_177 = arith.constant 0 : i32
      %dma_start3A_178 = tpu.memref_slice %arg8[%select_n3A_175, %dma_start3A_176, %dma_start3A_177] : memref<2x16x125xi32, #tpu.memory_space<vmem>> -> memref<1x16x125xi32, #tpu.memory_space<vmem>>
      %dma_start3A_179 = tpu.memref_squeeze %dma_start3A_178 : memref<1x16x125xi32, #tpu.memory_space<vmem>> -> memref<16x125xi32, #tpu.memory_space<vmem>>
      %dma_start3A_180 = arith.constant 0 : i32
      %dma_start3A_181 = tpu.memref_slice %arg4[%multiple_of3A_158, %dma_start3A_180] : memref<2560x125xi32, #tpu.memory_space<hbm>> -> memref<16x125xi32, #tpu.memory_space<hbm>>
      %dma_start3A_182 = arith.constant 0 : i32
      %dma_start3A_183 = arith.constant 0 : i32
      %dma_start3A_184 = tpu.memref_slice %arg8[%select_n3A_175, %dma_start3A_182, %dma_start3A_183] : memref<2x16x125xi32, #tpu.memory_space<vmem>> -> memref<1x16x125xi32, #tpu.memory_space<vmem>>
      %dma_start3A_185 = tpu.memref_squeeze %dma_start3A_184 : memref<1x16x125xi32, #tpu.memory_space<vmem>> -> memref<16x125xi32, #tpu.memory_space<vmem>>
      %dma_start3A_186 = arith.constant 0 : i32
      %dma_start3A_187 = tpu.memref_slice %arg4[%multiple_of3A_158, %dma_start3A_186] : memref<2560x125xi32, #tpu.memory_space<hbm>> -> memref<16x125xi32, #tpu.memory_space<hbm>>
      tpu.enqueue_dma source(%dma_start3A_187 : memref<16x125xi32, #tpu.memory_space<hbm>>) target(%dma_start3A_185 : memref<16x125xi32, #tpu.memory_space<vmem>>) target_semaphore(%arg14 : memref<!tpu.dma_semaphore, #tpu.memory_space<semaphore_mem>>)
      %add3A_188 = arith.constant 2 : i32
      %add3A_189 = arith.addi %mul3A_141, %add3A_188 : i32
      %add3A_190 = arith.constant 16 : i32
      %add3A_191 = arith.addi %mul3A_141, %add3A_190 : i32
      %while3A_192 = arith.constant 0 : i32
      %while3A_193 = arith.subi %add3A_191, %add3A_189 : i32
      %while3A_194 = arith.addi %add3A_189, %while3A_193 : i32
      %while3A_195 = arith.constant 1 : i32
      %while3A_196 = arith.divsi %while3A_193, %while3A_195 : i32
      %while3A_197 = arith.muli %while3A_196, %while3A_195 : i32
      %while3A_198 = arith.addi %add3A_189, %while3A_197 : i32
      %while3A_199 = arith.constant 1 : i32
      scf.for %while3A_240 = %add3A_189 to %while3A_198 step %while3A_199  : i32 {
        %jit3A_241 = arith.constant 2 : i32
        %eq3A_242 = arith.constant 0 : i32
        %eq3A_243 = arith.cmpi eq, %jit3A_241, %eq3A_242 : i32
        %jit3A_244 = arith.constant 1 : i32
        %select_n3A_245 = arith.select %eq3A_243, %jit3A_244, %jit3A_241 : i32
        %rem3A_246 = arith.remsi %while3A_240, %select_n3A_245 : i32
        %ne3A_247 = arith.constant 0 : i32
        %ne3A_248 = arith.cmpi ne, %rem3A_246, %ne3A_247 : i32
        %lt3A_249 = arith.constant 0 : i32
        %lt3A_250 = arith.cmpi slt, %rem3A_246, %lt3A_249 : i32
        %lt3A_251 = arith.constant 0 : i32
        %lt3A_252 = arith.cmpi slt, %select_n3A_245, %lt3A_251 : i32
        %ne3A_253 = arith.xori %lt3A_250, %lt3A_252 : i1
        %and3A_254 = arith.andi %ne3A_253, %ne3A_248 : i1
        %add3A_255 = arith.addi %rem3A_246, %select_n3A_245 : i32
        %select_n3A_256 = arith.select %and3A_254, %add3A_255, %rem3A_246 : i32
        %jit3A_257 = arith.constant 16 : i32
        %eq3A_258 = arith.constant 0 : i32
        %eq3A_259 = arith.cmpi eq, %jit3A_257, %eq3A_258 : i32
        %jit3A_260 = arith.constant 1 : i32
        %select_n3A_261 = arith.select %eq3A_259, %jit3A_260, %jit3A_257 : i32
        %rem3A_262 = arith.remsi %while3A_240, %select_n3A_261 : i32
        %ne3A_263 = arith.constant 0 : i32
        %ne3A_264 = arith.cmpi ne, %rem3A_262, %ne3A_263 : i32
        %lt3A_265 = arith.constant 0 : i32
        %lt3A_266 = arith.cmpi slt, %rem3A_262, %lt3A_265 : i32
        %lt3A_267 = arith.constant 0 : i32
        %lt3A_268 = arith.cmpi slt, %select_n3A_261, %lt3A_267 : i32
        %ne3A_269 = arith.xori %lt3A_266, %lt3A_268 : i1
        %and3A_270 = arith.andi %ne3A_269, %ne3A_264 : i1
        %add3A_271 = arith.addi %rem3A_262, %select_n3A_261 : i32
        %select_n3A_272 = arith.select %and3A_270, %add3A_271, %rem3A_262 : i32
        %jit3A_273 = arith.constant 16 : i32
        %div3A_274 = arith.divsi %while3A_240, %jit3A_273 : i32
        %sign3A_275 = arith.constant 0 : i32
        %sign3A_276 = arith.cmpi sgt, %while3A_240, %sign3A_275 : i32
        %sign3A_277 = arith.extui %sign3A_276 : i1 to i32
        %sign3A_278 = arith.constant 0 : i32
        %sign3A_279 = arith.cmpi slt, %while3A_240, %sign3A_278 : i32
        %sign3A_280 = arith.extui %sign3A_279 : i1 to i32
        %sign3A_281 = arith.subi %sign3A_277, %sign3A_280 : i32
        %sign3A_282 = arith.constant 0 : i32
        %sign3A_283 = arith.cmpi sgt, %jit3A_273, %sign3A_282 : i32
        %sign3A_284 = arith.extui %sign3A_283 : i1 to i32
        %sign3A_285 = arith.constant 0 : i32
        %sign3A_286 = arith.cmpi slt, %jit3A_273, %sign3A_285 : i32
        %sign3A_287 = arith.extui %sign3A_286 : i1 to i32
        %sign3A_288 = arith.subi %sign3A_284, %sign3A_287 : i32
        %ne3A_289 = arith.cmpi ne, %sign3A_281, %sign3A_288 : i32
        %rem3A_290 = arith.remsi %while3A_240, %jit3A_273 : i32
        %ne3A_291 = arith.constant 0 : i32
        %ne3A_292 = arith.cmpi ne, %rem3A_290, %ne3A_291 : i32
        %and3A_293 = arith.andi %ne3A_289, %ne3A_292 : i1
        %sub3A_294 = arith.constant 1 : i32
        %sub3A_295 = arith.subi %div3A_274, %sub3A_294 : i32
        %select_n3A_296 = arith.select %and3A_293, %sub3A_295, %div3A_274 : i32
        %jit3A_297 = arith.constant 2 : i32
        %eq3A_298 = arith.constant 0 : i32
        %eq3A_299 = arith.cmpi eq, %jit3A_297, %eq3A_298 : i32
        %jit3A_300 = arith.constant 1 : i32
        %select_n3A_301 = arith.select %eq3A_299, %jit3A_300, %jit3A_297 : i32
        %rem3A_302 = arith.remsi %select_n3A_296, %select_n3A_301 : i32
        %ne3A_303 = arith.constant 0 : i32
        %ne3A_304 = arith.cmpi ne, %rem3A_302, %ne3A_303 : i32
        %lt3A_305 = arith.constant 0 : i32
        %lt3A_306 = arith.cmpi slt, %rem3A_302, %lt3A_305 : i32
        %lt3A_307 = arith.constant 0 : i32
        %lt3A_308 = arith.cmpi slt, %select_n3A_301, %lt3A_307 : i32
        %ne3A_309 = arith.xori %lt3A_306, %lt3A_308 : i1
        %and3A_310 = arith.andi %ne3A_309, %ne3A_304 : i1
        %add3A_311 = arith.addi %rem3A_302, %select_n3A_301 : i32
        %select_n3A_312 = arith.select %and3A_310, %add3A_311, %rem3A_302 : i32
        %dma_wait3A_313 = arith.constant 0 : i32
        %dma_wait3A_314 = arith.constant 0 : i32
        %dma_wait3A_315 = tpu.memref_slice %arg10[%select_n3A_256, %dma_wait3A_313, %dma_wait3A_314] : memref<2x125x128xf32, #tpu.memory_space<vmem>> -> memref<1x125x128xf32, #tpu.memory_space<vmem>>
        %dma_wait3A_316 = tpu.memref_squeeze %dma_wait3A_315 : memref<1x125x128xf32, #tpu.memory_space<vmem>> -> memref<125x128xf32, #tpu.memory_space<vmem>>
        %dma_wait3A_317 = arith.constant 0 : i32
        %dma_wait3A_318 = tpu.memref_slice %arg7[%while3A_240, %dma_wait3A_317] : memref<80x125xi32, #tpu.memory_space<vmem>> -> memref<1x125xi32, #tpu.memory_space<vmem>>
        %dma_wait3A_319 = tpu.memref_squeeze %dma_wait3A_318 : memref<1x125xi32, #tpu.memory_space<vmem>> -> memref<125xi32, #tpu.memory_space<vmem>>
        %dma_wait3A_320 = arith.constant 0 : i32
        %dma_wait3A_321 = arith.constant 0 : i32
        %dma_wait3A_322 = tpu.memref_slice %arg2[%dma_wait3A_320, %dma_wait3A_321] : memref<20000x128xf32, #tpu.memory_space<hbm>> -> memref<20000x128xf32, #tpu.memory_space<hbm>>
        tpu.wait_indirect_dma semaphore(%arg12 : memref<!tpu.dma_semaphore, #tpu.memory_space<semaphore_mem>>) src(%dma_wait3A_322 : memref<20000x128xf32, #tpu.memory_space<hbm>>) dst(%dma_wait3A_316 : memref<125x128xf32, #tpu.memory_space<vmem>>)
        %sub3A_323 = arith.constant 1 : i32
        %sub3A_324 = arith.subi %sub3A_323, %select_n3A_256 : i32
        %dma_wait3A_325 = arith.constant 0 : i32
        %dma_wait3A_326 = arith.constant 0 : i32
        %dma_wait3A_327 = tpu.memref_slice %arg10[%sub3A_324, %dma_wait3A_325, %dma_wait3A_326] : memref<2x125x128xf32, #tpu.memory_space<vmem>> -> memref<1x125x128xf32, #tpu.memory_space<vmem>>
        %dma_wait3A_328 = tpu.memref_squeeze %dma_wait3A_327 : memref<1x125x128xf32, #tpu.memory_space<vmem>> -> memref<125x128xf32, #tpu.memory_space<vmem>>
        %dma_wait3A_329 = arith.constant 0 : i32
        %dma_wait3A_330 = tpu.memref_slice %arg8[%select_n3A_312, %select_n3A_272, %dma_wait3A_329] : memref<2x16x125xi32, #tpu.memory_space<vmem>> -> memref<1x1x125xi32, #tpu.memory_space<vmem>>
        %dma_wait3A_331 = tpu.memref_squeeze %dma_wait3A_330 : memref<1x1x125xi32, #tpu.memory_space<vmem>> -> memref<125xi32, #tpu.memory_space<vmem>>
        %dma_wait3A_332 = arith.constant 0 : i32
        %dma_wait3A_333 = arith.constant 0 : i32
        %dma_wait3A_334 = tpu.memref_slice %arg11[%dma_wait3A_332, %dma_wait3A_333] : memref<10000x128xf32, #tpu.memory_space<vmem_shared>> -> memref<10000x128xf32, #tpu.memory_space<vmem_shared>>
        tpu.wait_indirect_dma semaphore(%arg13 : memref<!tpu.dma_semaphore, #tpu.memory_space<semaphore_mem>>) src(%dma_wait3A_328 : memref<125x128xf32, #tpu.memory_space<vmem>>) dst(%dma_wait3A_334 : memref<10000x128xf32, #tpu.memory_space<vmem_shared>>)
        %add3A_335 = arith.constant 1 : i32
        %add3A_336 = arith.addi %while3A_240, %add3A_335 : i32
        %sub3A_337 = arith.constant 1 : i32
        %sub3A_338 = arith.subi %sub3A_337, %select_n3A_256 : i32
        %dma_start3A_339 = arith.constant 0 : i32
        %dma_start3A_340 = arith.constant 0 : i32
        %dma_start3A_341 = tpu.memref_slice %arg10[%sub3A_338, %dma_start3A_339, %dma_start3A_340] : memref<2x125x128xf32, #tpu.memory_space<vmem>> -> memref<1x125x128xf32, #tpu.memory_space<vmem>>
        %dma_start3A_342 = tpu.memref_squeeze %dma_start3A_341 : memref<1x125x128xf32, #tpu.memory_space<vmem>> -> memref<125x128xf32, #tpu.memory_space<vmem>>
        %dma_start3A_343 = arith.constant 0 : i32
        %dma_start3A_344 = tpu.memref_slice %arg7[%add3A_336, %dma_start3A_343] : memref<80x125xi32, #tpu.memory_space<vmem>> -> memref<1x125xi32, #tpu.memory_space<vmem>>
        %dma_start3A_345 = tpu.memref_squeeze %dma_start3A_344 : memref<1x125xi32, #tpu.memory_space<vmem>> -> memref<125xi32, #tpu.memory_space<vmem>>
        %dma_start3A_346 = arith.constant 0 : i32
        %dma_start3A_347 = arith.constant 0 : i32
        %dma_start3A_348 = tpu.memref_slice %arg2[%dma_start3A_346, %dma_start3A_347] : memref<20000x128xf32, #tpu.memory_space<hbm>> -> memref<20000x128xf32, #tpu.memory_space<hbm>>
        tpu.enqueue_indirect_dma source(%dma_start3A_348 : memref<20000x128xf32, #tpu.memory_space<hbm>>) target(%dma_start3A_342 : memref<125x128xf32, #tpu.memory_space<vmem>>) offsets(%dma_start3A_345 : memref<125xi32, #tpu.memory_space<vmem>>) semaphore(%arg12 : memref<!tpu.dma_semaphore, #tpu.memory_space<semaphore_mem>>)
        %parallel_loop3A_349 = arith.constant 0 : i32
        %parallel_loop3A_350 = arith.constant 125 : i32
        %parallel_loop3A_351 = arith.constant 1 : i32
        scf.for %parallel_loop3A_362 = %parallel_loop3A_349 to %parallel_loop3A_350 step %parallel_loop3A_351  : i32 {
          %parallel_loop3A_363 = arith.constant 125 : i32
          %parallel_loop3A_364 = arith.muli %select_n3A_272, %parallel_loop3A_363 : i32
          %parallel_loop3A_365 = arith.addi %parallel_loop3A_364, %parallel_loop3A_362 : i32
          %parallel_loop3A_366 = arith.constant 16 : i32
          %parallel_loop3A_367 = arith.divsi %parallel_loop3A_365, %parallel_loop3A_366 : i32
          %parallel_loop3A_368 = arith.constant 0 : i32
          %parallel_loop3A_369 = arith.cmpi sgt, %parallel_loop3A_365, %parallel_loop3A_368 : i32
          %parallel_loop3A_370 = arith.extui %parallel_loop3A_369 : i1 to i32
          %parallel_loop3A_371 = arith.constant 0 : i32
          %parallel_loop3A_372 = arith.cmpi slt, %parallel_loop3A_365, %parallel_loop3A_371 : i32
          %parallel_loop3A_373 = arith.extui %parallel_loop3A_372 : i1 to i32
          %parallel_loop3A_374 = arith.subi %parallel_loop3A_370, %parallel_loop3A_373 : i32
          %parallel_loop3A_375 = arith.constant 0 : i32
          %parallel_loop3A_376 = arith.cmpi sgt, %parallel_loop3A_366, %parallel_loop3A_375 : i32
          %parallel_loop3A_377 = arith.extui %parallel_loop3A_376 : i1 to i32
          %parallel_loop3A_378 = arith.constant 0 : i32
          %parallel_loop3A_379 = arith.cmpi slt, %parallel_loop3A_366, %parallel_loop3A_378 : i32
          %parallel_loop3A_380 = arith.extui %parallel_loop3A_379 : i1 to i32
          %parallel_loop3A_381 = arith.subi %parallel_loop3A_377, %parallel_loop3A_380 : i32
          %parallel_loop3A_382 = arith.cmpi ne, %parallel_loop3A_374, %parallel_loop3A_381 : i32
          %parallel_loop3A_383 = arith.remsi %parallel_loop3A_365, %parallel_loop3A_366 : i32
          %parallel_loop3A_384 = arith.constant 0 : i32
          %parallel_loop3A_385 = arith.cmpi ne, %parallel_loop3A_383, %parallel_loop3A_384 : i32
          %parallel_loop3A_386 = arith.andi %parallel_loop3A_382, %parallel_loop3A_385 : i1
          %parallel_loop3A_387 = arith.constant 1 : i32
          %parallel_loop3A_388 = arith.subi %parallel_loop3A_367, %parallel_loop3A_387 : i32
          %parallel_loop3A_389 = arith.select %parallel_loop3A_386, %parallel_loop3A_388, %parallel_loop3A_367 : i32
          %parallel_loop3A_390 = arith.constant 16 : i32
          %parallel_loop3A_391 = arith.muli %parallel_loop3A_389, %parallel_loop3A_390 : i32
          %parallel_loop3A_392 = arith.index_cast %parallel_loop3A_391 : i32 to index
          %parallel_loop3A_393 = tpu.vector_load %arg9[%parallel_loop3A_392] {strides = array<i32>} : memref<2000xf32, #tpu.memory_space<vmem>>, vector<16xf32>,
          %parallel_loop3A_394 = vector.shape_cast %parallel_loop3A_393 : vector<16xf32> to vector<16xf32>
          %parallel_loop3A_395 = arith.subi %parallel_loop3A_365, %parallel_loop3A_391 : i32
          %parallel_loop3A_396 = vector.broadcast %parallel_loop3A_395 : i32 to vector<16xi32>
          %parallel_loop3A_397 = arith.constant 0 : i32
          %parallel_loop3A_398 = vector.broadcast %parallel_loop3A_397 : i32 to vector<16xi32>
          %parallel_loop3A_399 = arith.cmpi slt, %parallel_loop3A_396, %parallel_loop3A_398 : vector<16xi32>
          %parallel_loop3A_400 = arith.constant 16 : i32
          %parallel_loop3A_401 = vector.broadcast %parallel_loop3A_400 : i32 to vector<16xi32>
          %parallel_loop3A_402 = arith.addi %parallel_loop3A_396, %parallel_loop3A_401 : vector<16xi32>
          %parallel_loop3A_403 = arith.select %parallel_loop3A_399, %parallel_loop3A_402, %parallel_loop3A_396 : vector<16xi1>, vector<16xi32>
          %parallel_loop3A_404 = vector.shape_cast %parallel_loop3A_403 : vector<16xi32> to vector<16x1xi32>
          %parallel_loop3A_405 = vector.shape_cast %parallel_loop3A_404 : vector<16x1xi32> to vector<16xi32>
          %parallel_loop3A_406 = tpu.dynamic_gather %parallel_loop3A_394[%parallel_loop3A_405] in [0] : vector<16xf32>, vector<16xi32> -> vector<16xf32>
          %parallel_loop3A_407 = arith.index_cast %select_n3A_256 : i32 to index
          %parallel_loop3A_408 = arith.index_cast %parallel_loop3A_362 : i32 to index
          %parallel_loop3A_409 = arith.constant 0 : index
          %parallel_loop3A_410 = tpu.vector_load %arg10[%parallel_loop3A_407, %parallel_loop3A_408, %parallel_loop3A_409] {strides = array<i32>} : memref<2x125x128xf32, #tpu.memory_space<vmem>>, vector<1x1x16xf32>,
          %parallel_loop3A_411 = vector.shape_cast %parallel_loop3A_410 : vector<1x1x16xf32> to vector<16xf32>
          %parallel_loop3A_412 = arith.mulf %parallel_loop3A_411, %parallel_loop3A_406 : vector<16xf32>
          %parallel_loop3A_413 = arith.index_cast %select_n3A_256 : i32 to index
          %parallel_loop3A_414 = arith.index_cast %parallel_loop3A_362 : i32 to index
          %parallel_loop3A_415 = arith.constant 0 : index
          %parallel_loop3A_416 = tpu.vector_load %arg10[%parallel_loop3A_413, %parallel_loop3A_414, %parallel_loop3A_415] {strides = array<i32>} : memref<2x125x128xf32, #tpu.memory_space<vmem>>, vector<1x1x16xf32>,
          %parallel_loop3A_417 = vector.shape_cast %parallel_loop3A_416 : vector<1x1x16xf32> to vector<16xf32>
          %parallel_loop3A_418 = vector.shape_cast %parallel_loop3A_412 : vector<16xf32> to vector<1x1x16xf32>
          tpu.vector_store %arg10[%parallel_loop3A_413, %parallel_loop3A_414, %parallel_loop3A_415], %parallel_loop3A_418 {strides = array<i32>} : memref<2x125x128xf32, #tpu.memory_space<vmem>>, vector<1x1x16xf32>,
          %parallel_loop3A_419 = arith.index_cast %select_n3A_256 : i32 to index
          %parallel_loop3A_420 = arith.index_cast %parallel_loop3A_362 : i32 to index
          %parallel_loop3A_421 = arith.constant 16 : index
          %parallel_loop3A_422 = tpu.vector_load %arg10[%parallel_loop3A_419, %parallel_loop3A_420, %parallel_loop3A_421] {strides = array<i32>} : memref<2x125x128xf32, #tpu.memory_space<vmem>>, vector<1x1x16xf32>,
          %parallel_loop3A_423 = vector.shape_cast %parallel_loop3A_422 : vector<1x1x16xf32> to vector<16xf32>
          %parallel_loop3A_424 = arith.mulf %parallel_loop3A_423, %parallel_loop3A_406 : vector<16xf32>
          %parallel_loop3A_425 = arith.index_cast %select_n3A_256 : i32 to index
          %parallel_loop3A_426 = arith.index_cast %parallel_loop3A_362 : i32 to index
          %parallel_loop3A_427 = arith.constant 16 : index
          %parallel_loop3A_428 = tpu.vector_load %arg10[%parallel_loop3A_425, %parallel_loop3A_426, %parallel_loop3A_427] {strides = array<i32>} : memref<2x125x128xf32, #tpu.memory_space<vmem>>, vector<1x1x16xf32>,
          %parallel_loop3A_429 = vector.shape_cast %parallel_loop3A_428 : vector<1x1x16xf32> to vector<16xf32>
          %parallel_loop3A_430 = vector.shape_cast %parallel_loop3A_424 : vector<16xf32> to vector<1x1x16xf32>
          tpu.vector_store %arg10[%parallel_loop3A_425, %parallel_loop3A_426, %parallel_loop3A_427], %parallel_loop3A_430 {strides = array<i32>} : memref<2x125x128xf32, #tpu.memory_space<vmem>>, vector<1x1x16xf32>,
          %parallel_loop3A_431 = arith.index_cast %select_n3A_256 : i32 to index
          %parallel_loop3A_432 = arith.index_cast %parallel_loop3A_362 : i32 to index
          %parallel_loop3A_433 = arith.constant 32 : index
          %parallel_loop3A_434 = tpu.vector_load %arg10[%parallel_loop3A_431, %parallel_loop3A_432, %parallel_loop3A_433] {strides = array<i32>} : memref<2x125x128xf32, #tpu.memory_space<vmem>>, vector<1x1x16xf32>,
          %parallel_loop3A_435 = vector.shape_cast %parallel_loop3A_434 : vector<1x1x16xf32> to vector<16xf32>
          %parallel_loop3A_436 = arith.mulf %parallel_loop3A_435, %parallel_loop3A_406 : vector<16xf32>
          %parallel_loop3A_437 = arith.index_cast %select_n3A_256 : i32 to index
          %parallel_loop3A_438 = arith.index_cast %parallel_loop3A_362 : i32 to index
          %parallel_loop3A_439 = arith.constant 32 : index
          %parallel_loop3A_440 = tpu.vector_load %arg10[%parallel_loop3A_437, %parallel_loop3A_438, %parallel_loop3A_439] {strides = array<i32>} : memref<2x125x128xf32, #tpu.memory_space<vmem>>, vector<1x1x16xf32>,
          %parallel_loop3A_441 = vector.shape_cast %parallel_loop3A_440 : vector<1x1x16xf32> to vector<16xf32>
          %parallel_loop3A_442 = vector.shape_cast %parallel_loop3A_436 : vector<16xf32> to vector<1x1x16xf32>
          tpu.vector_store %arg10[%parallel_loop3A_437, %parallel_loop3A_438, %parallel_loop3A_439], %parallel_loop3A_442 {strides = array<i32>} : memref<2x125x128xf32, #tpu.memory_space<vmem>>, vector<1x1x16xf32>,
          %parallel_loop3A_443 = arith.index_cast %select_n3A_256 : i32 to index
          %parallel_loop3A_444 = arith.index_cast %parallel_loop3A_362 : i32 to index
          %parallel_loop3A_445 = arith.constant 48 : index
          %parallel_loop3A_446 = tpu.vector_load %arg10[%parallel_loop3A_443, %parallel_loop3A_444, %parallel_loop3A_445] {strides = array<i32>} : memref<2x125x128xf32, #tpu.memory_space<vmem>>, vector<1x1x16xf32>,
          %parallel_loop3A_447 = vector.shape_cast %parallel_loop3A_446 : vector<1x1x16xf32> to vector<16xf32>
          %parallel_loop3A_448 = arith.mulf %parallel_loop3A_447, %parallel_loop3A_406 : vector<16xf32>
          %parallel_loop3A_449 = arith.index_cast %select_n3A_256 : i32 to index
          %parallel_loop3A_450 = arith.index_cast %parallel_loop3A_362 : i32 to index
          %parallel_loop3A_451 = arith.constant 48 : index
          %parallel_loop3A_452 = tpu.vector_load %arg10[%parallel_loop3A_449, %parallel_loop3A_450, %parallel_loop3A_451] {strides = array<i32>} : memref<2x125x128xf32, #tpu.memory_space<vmem>>, vector<1x1x16xf32>,
          %parallel_loop3A_453 = vector.shape_cast %parallel_loop3A_452 : vector<1x1x16xf32> to vector<16xf32>
          %parallel_loop3A_454 = vector.shape_cast %parallel_loop3A_448 : vector<16xf32> to vector<1x1x16xf32>
          tpu.vector_store %arg10[%parallel_loop3A_449, %parallel_loop3A_450, %parallel_loop3A_451], %parallel_loop3A_454 {strides = array<i32>} : memref<2x125x128xf32, #tpu.memory_space<vmem>>, vector<1x1x16xf32>,
          %parallel_loop3A_455 = arith.index_cast %select_n3A_256 : i32 to index
          %parallel_loop3A_456 = arith.index_cast %parallel_loop3A_362 : i32 to index
          %parallel_loop3A_457 = arith.constant 64 : index
          %parallel_loop3A_458 = tpu.vector_load %arg10[%parallel_loop3A_455, %parallel_loop3A_456, %parallel_loop3A_457] {strides = array<i32>} : memref<2x125x128xf32, #tpu.memory_space<vmem>>, vector<1x1x16xf32>,
          %parallel_loop3A_459 = vector.shape_cast %parallel_loop3A_458 : vector<1x1x16xf32> to vector<16xf32>
          %parallel_loop3A_460 = arith.mulf %parallel_loop3A_459, %parallel_loop3A_406 : vector<16xf32>
          %parallel_loop3A_461 = arith.index_cast %select_n3A_256 : i32 to index
          %parallel_loop3A_462 = arith.index_cast %parallel_loop3A_362 : i32 to index
          %parallel_loop3A_463 = arith.constant 64 : index
          %parallel_loop3A_464 = tpu.vector_load %arg10[%parallel_loop3A_461, %parallel_loop3A_462, %parallel_loop3A_463] {strides = array<i32>} : memref<2x125x128xf32, #tpu.memory_space<vmem>>, vector<1x1x16xf32>,
          %parallel_loop3A_465 = vector.shape_cast %parallel_loop3A_464 : vector<1x1x16xf32> to vector<16xf32>
          %parallel_loop3A_466 = vector.shape_cast %parallel_loop3A_460 : vector<16xf32> to vector<1x1x16xf32>
          tpu.vector_store %arg10[%parallel_loop3A_461, %parallel_loop3A_462, %parallel_loop3A_463], %parallel_loop3A_466 {strides = array<i32>} : memref<2x125x128xf32, #tpu.memory_space<vmem>>, vector<1x1x16xf32>,
          %parallel_loop3A_467 = arith.index_cast %select_n3A_256 : i32 to index
          %parallel_loop3A_468 = arith.index_cast %parallel_loop3A_362 : i32 to index
          %parallel_loop3A_469 = arith.constant 80 : index
          %parallel_loop3A_470 = tpu.vector_load %arg10[%parallel_loop3A_467, %parallel_loop3A_468, %parallel_loop3A_469] {strides = array<i32>} : memref<2x125x128xf32, #tpu.memory_space<vmem>>, vector<1x1x16xf32>,
          %parallel_loop3A_471 = vector.shape_cast %parallel_loop3A_470 : vector<1x1x16xf32> to vector<16xf32>
          %parallel_loop3A_472 = arith.mulf %parallel_loop3A_471, %parallel_loop3A_406 : vector<16xf32>
          %parallel_loop3A_473 = arith.index_cast %select_n3A_256 : i32 to index
          %parallel_loop3A_474 = arith.index_cast %parallel_loop3A_362 : i32 to index
          %parallel_loop3A_475 = arith.constant 80 : index
          %parallel_loop3A_476 = tpu.vector_load %arg10[%parallel_loop3A_473, %parallel_loop3A_474, %parallel_loop3A_475] {strides = array<i32>} : memref<2x125x128xf32, #tpu.memory_space<vmem>>, vector<1x1x16xf32>,
          %parallel_loop3A_477 = vector.shape_cast %parallel_loop3A_476 : vector<1x1x16xf32> to vector<16xf32>
          %parallel_loop3A_478 = vector.shape_cast %parallel_loop3A_472 : vector<16xf32> to vector<1x1x16xf32>
          tpu.vector_store %arg10[%parallel_loop3A_473, %parallel_loop3A_474, %parallel_loop3A_475], %parallel_loop3A_478 {strides = array<i32>} : memref<2x125x128xf32, #tpu.memory_space<vmem>>, vector<1x1x16xf32>,
          %parallel_loop3A_479 = arith.index_cast %select_n3A_256 : i32 to index
          %parallel_loop3A_480 = arith.index_cast %parallel_loop3A_362 : i32 to index
          %parallel_loop3A_481 = arith.constant 96 : index
          %parallel_loop3A_482 = tpu.vector_load %arg10[%parallel_loop3A_479, %parallel_loop3A_480, %parallel_loop3A_481] {strides = array<i32>} : memref<2x125x128xf32, #tpu.memory_space<vmem>>, vector<1x1x16xf32>,
          %parallel_loop3A_483 = vector.shape_cast %parallel_loop3A_482 : vector<1x1x16xf32> to vector<16xf32>
          %parallel_loop3A_484 = arith.mulf %parallel_loop3A_483, %parallel_loop3A_406 : vector<16xf32>
          %parallel_loop3A_485 = arith.index_cast %select_n3A_256 : i32 to index
          %parallel_loop3A_486 = arith.index_cast %parallel_loop3A_362 : i32 to index
          %parallel_loop3A_487 = arith.constant 96 : index
          %parallel_loop3A_488 = tpu.vector_load %arg10[%parallel_loop3A_485, %parallel_loop3A_486, %parallel_loop3A_487] {strides = array<i32>} : memref<2x125x128xf32, #tpu.memory_space<vmem>>, vector<1x1x16xf32>,
          %parallel_loop3A_489 = vector.shape_cast %parallel_loop3A_488 : vector<1x1x16xf32> to vector<16xf32>
          %parallel_loop3A_490 = vector.shape_cast %parallel_loop3A_484 : vector<16xf32> to vector<1x1x16xf32>
          tpu.vector_store %arg10[%parallel_loop3A_485, %parallel_loop3A_486, %parallel_loop3A_487], %parallel_loop3A_490 {strides = array<i32>} : memref<2x125x128xf32, #tpu.memory_space<vmem>>, vector<1x1x16xf32>,
          %parallel_loop3A_491 = arith.index_cast %select_n3A_256 : i32 to index
          %parallel_loop3A_492 = arith.index_cast %parallel_loop3A_362 : i32 to index
          %parallel_loop3A_493 = arith.constant 112 : index
          %parallel_loop3A_494 = tpu.vector_load %arg10[%parallel_loop3A_491, %parallel_loop3A_492, %parallel_loop3A_493] {strides = array<i32>} : memref<2x125x128xf32, #tpu.memory_space<vmem>>, vector<1x1x16xf32>,
          %parallel_loop3A_495 = vector.shape_cast %parallel_loop3A_494 : vector<1x1x16xf32> to vector<16xf32>
          %parallel_loop3A_496 = arith.mulf %parallel_loop3A_495, %parallel_loop3A_406 : vector<16xf32>
          %parallel_loop3A_497 = arith.index_cast %select_n3A_256 : i32 to index
          %parallel_loop3A_498 = arith.index_cast %parallel_loop3A_362 : i32 to index
          %parallel_loop3A_499 = arith.constant 112 : index
          %parallel_loop3A_500 = tpu.vector_load %arg10[%parallel_loop3A_497, %parallel_loop3A_498, %parallel_loop3A_499] {strides = array<i32>} : memref<2x125x128xf32, #tpu.memory_space<vmem>>, vector<1x1x16xf32>,
          %parallel_loop3A_501 = vector.shape_cast %parallel_loop3A_500 : vector<1x1x16xf32> to vector<16xf32>
          %parallel_loop3A_502 = vector.shape_cast %parallel_loop3A_496 : vector<16xf32> to vector<1x1x16xf32>
          tpu.vector_store %arg10[%parallel_loop3A_497, %parallel_loop3A_498, %parallel_loop3A_499], %parallel_loop3A_502 {strides = array<i32>} : memref<2x125x128xf32, #tpu.memory_space<vmem>>, vector<1x1x16xf32>,
        } {sc.loop_unroll_factor = 2 : i64, sc.parallel_access}
        %dma_start3A_352 = arith.constant 0 : i32
        %dma_start3A_353 = arith.constant 0 : i32
        %dma_start3A_354 = tpu.memref_slice %arg10[%select_n3A_256, %dma_start3A_352, %dma_start3A_353] : memref<2x125x128xf32, #tpu.memory_space<vmem>> -> memref<1x125x128xf32, #tpu.memory_space<vmem>>
        %dma_start3A_355 = tpu.memref_squeeze %dma_start3A_354 : memref<1x125x128xf32, #tpu.memory_space<vmem>> -> memref<125x128xf32, #tpu.memory_space<vmem>>
        %dma_start3A_356 = arith.constant 0 : i32
        %dma_start3A_357 = tpu.memref_slice %arg8[%select_n3A_312, %select_n3A_272, %dma_start3A_356] : memref<2x16x125xi32, #tpu.memory_space<vmem>> -> memref<1x1x125xi32, #tpu.memory_space<vmem>>
        %dma_start3A_358 = tpu.memref_squeeze %dma_start3A_357 : memref<1x1x125xi32, #tpu.memory_space<vmem>> -> memref<125xi32, #tpu.memory_space<vmem>>
        %dma_start3A_359 = arith.constant 0 : i32
        %dma_start3A_360 = arith.constant 0 : i32
        %dma_start3A_361 = tpu.memref_slice %arg11[%dma_start3A_359, %dma_start3A_360] : memref<10000x128xf32, #tpu.memory_space<vmem_shared>> -> memref<10000x128xf32, #tpu.memory_space<vmem_shared>>
        tpu.enqueue_indirect_dma source(%dma_start3A_355 : memref<125x128xf32, #tpu.memory_space<vmem>>) target(%dma_start3A_361 : memref<10000x128xf32, #tpu.memory_space<vmem_shared>>) offsets(%dma_start3A_358 : memref<125xi32, #tpu.memory_space<vmem>>) semaphore(%arg13 : memref<!tpu.dma_semaphore, #tpu.memory_space<semaphore_mem>>) {add = true}
      }
      %while3A_200 = arith.constant 1 : i32
      scf.for %while3A_240 = %while3A_198 to %while3A_194 step %while3A_200  : i32 {
        %jit3A_241 = arith.constant 2 : i32
        %eq3A_242 = arith.constant 0 : i32
        %eq3A_243 = arith.cmpi eq, %jit3A_241, %eq3A_242 : i32
        %jit3A_244 = arith.constant 1 : i32
        %select_n3A_245 = arith.select %eq3A_243, %jit3A_244, %jit3A_241 : i32
        %rem3A_246 = arith.remsi %while3A_240, %select_n3A_245 : i32
        %ne3A_247 = arith.constant 0 : i32
        %ne3A_248 = arith.cmpi ne, %rem3A_246, %ne3A_247 : i32
        %lt3A_249 = arith.constant 0 : i32
        %lt3A_250 = arith.cmpi slt, %rem3A_246, %lt3A_249 : i32
        %lt3A_251 = arith.constant 0 : i32
        %lt3A_252 = arith.cmpi slt, %select_n3A_245, %lt3A_251 : i32
        %ne3A_253 = arith.xori %lt3A_250, %lt3A_252 : i1
        %and3A_254 = arith.andi %ne3A_253, %ne3A_248 : i1
        %add3A_255 = arith.addi %rem3A_246, %select_n3A_245 : i32
        %select_n3A_256 = arith.select %and3A_254, %add3A_255, %rem3A_246 : i32
        %jit3A_257 = arith.constant 16 : i32
        %eq3A_258 = arith.constant 0 : i32
        %eq3A_259 = arith.cmpi eq, %jit3A_257, %eq3A_258 : i32
        %jit3A_260 = arith.constant 1 : i32
        %select_n3A_261 = arith.select %eq3A_259, %jit3A_260, %jit3A_257 : i32
        %rem3A_262 = arith.remsi %while3A_240, %select_n3A_261 : i32
        %ne3A_263 = arith.constant 0 : i32
        %ne3A_264 = arith.cmpi ne, %rem3A_262, %ne3A_263 : i32
        %lt3A_265 = arith.constant 0 : i32
        %lt3A_266 = arith.cmpi slt, %rem3A_262, %lt3A_265 : i32
        %lt3A_267 = arith.constant 0 : i32
        %lt3A_268 = arith.cmpi slt, %select_n3A_261, %lt3A_267 : i32
        %ne3A_269 = arith.xori %lt3A_266, %lt3A_268 : i1
        %and3A_270 = arith.andi %ne3A_269, %ne3A_264 : i1
        %add3A_271 = arith.addi %rem3A_262, %select_n3A_261 : i32
        %select_n3A_272 = arith.select %and3A_270, %add3A_271, %rem3A_262 : i32
        %jit3A_273 = arith.constant 16 : i32
        %div3A_274 = arith.divsi %while3A_240, %jit3A_273 : i32
        %sign3A_275 = arith.constant 0 : i32
        %sign3A_276 = arith.cmpi sgt, %while3A_240, %sign3A_275 : i32
        %sign3A_277 = arith.extui %sign3A_276 : i1 to i32
        %sign3A_278 = arith.constant 0 : i32
        %sign3A_279 = arith.cmpi slt, %while3A_240, %sign3A_278 : i32
        %sign3A_280 = arith.extui %sign3A_279 : i1 to i32
        %sign3A_281 = arith.subi %sign3A_277, %sign3A_280 : i32
        %sign3A_282 = arith.constant 0 : i32
        %sign3A_283 = arith.cmpi sgt, %jit3A_273, %sign3A_282 : i32
        %sign3A_284 = arith.extui %sign3A_283 : i1 to i32
        %sign3A_285 = arith.constant 0 : i32
        %sign3A_286 = arith.cmpi slt, %jit3A_273, %sign3A_285 : i32
        %sign3A_287 = arith.extui %sign3A_286 : i1 to i32
        %sign3A_288 = arith.subi %sign3A_284, %sign3A_287 : i32
        %ne3A_289 = arith.cmpi ne, %sign3A_281, %sign3A_288 : i32
        %rem3A_290 = arith.remsi %while3A_240, %jit3A_273 : i32
        %ne3A_291 = arith.constant 0 : i32
        %ne3A_292 = arith.cmpi ne, %rem3A_290, %ne3A_291 : i32
        %and3A_293 = arith.andi %ne3A_289, %ne3A_292 : i1
        %sub3A_294 = arith.constant 1 : i32
        %sub3A_295 = arith.subi %div3A_274, %sub3A_294 : i32
        %select_n3A_296 = arith.select %and3A_293, %sub3A_295, %div3A_274 : i32
        %jit3A_297 = arith.constant 2 : i32
        %eq3A_298 = arith.constant 0 : i32
        %eq3A_299 = arith.cmpi eq, %jit3A_297, %eq3A_298 : i32
        %jit3A_300 = arith.constant 1 : i32
        %select_n3A_301 = arith.select %eq3A_299, %jit3A_300, %jit3A_297 : i32
        %rem3A_302 = arith.remsi %select_n3A_296, %select_n3A_301 : i32
        %ne3A_303 = arith.constant 0 : i32
        %ne3A_304 = arith.cmpi ne, %rem3A_302, %ne3A_303 : i32
        %lt3A_305 = arith.constant 0 : i32
        %lt3A_306 = arith.cmpi slt, %rem3A_302, %lt3A_305 : i32
        %lt3A_307 = arith.constant 0 : i32
        %lt3A_308 = arith.cmpi slt, %select_n3A_301, %lt3A_307 : i32
        %ne3A_309 = arith.xori %lt3A_306, %lt3A_308 : i1
        %and3A_310 = arith.andi %ne3A_309, %ne3A_304 : i1
        %add3A_311 = arith.addi %rem3A_302, %select_n3A_301 : i32
        %select_n3A_312 = arith.select %and3A_310, %add3A_311, %rem3A_302 : i32
        %dma_wait3A_313 = arith.constant 0 : i32
        %dma_wait3A_314 = arith.constant 0 : i32
        %dma_wait3A_315 = tpu.memref_slice %arg10[%select_n3A_256, %dma_wait3A_313, %dma_wait3A_314] : memref<2x125x128xf32, #tpu.memory_space<vmem>> -> memref<1x125x128xf32, #tpu.memory_space<vmem>>
        %dma_wait3A_316 = tpu.memref_squeeze %dma_wait3A_315 : memref<1x125x128xf32, #tpu.memory_space<vmem>> -> memref<125x128xf32, #tpu.memory_space<vmem>>
        %dma_wait3A_317 = arith.constant 0 : i32
        %dma_wait3A_318 = tpu.memref_slice %arg7[%while3A_240, %dma_wait3A_317] : memref<80x125xi32, #tpu.memory_space<vmem>> -> memref<1x125xi32, #tpu.memory_space<vmem>>
        %dma_wait3A_319 = tpu.memref_squeeze %dma_wait3A_318 : memref<1x125xi32, #tpu.memory_space<vmem>> -> memref<125xi32, #tpu.memory_space<vmem>>
        %dma_wait3A_320 = arith.constant 0 : i32
        %dma_wait3A_321 = arith.constant 0 : i32
        %dma_wait3A_322 = tpu.memref_slice %arg2[%dma_wait3A_320, %dma_wait3A_321] : memref<20000x128xf32, #tpu.memory_space<hbm>> -> memref<20000x128xf32, #tpu.memory_space<hbm>>
        tpu.wait_indirect_dma semaphore(%arg12 : memref<!tpu.dma_semaphore, #tpu.memory_space<semaphore_mem>>) src(%dma_wait3A_322 : memref<20000x128xf32, #tpu.memory_space<hbm>>) dst(%dma_wait3A_316 : memref<125x128xf32, #tpu.memory_space<vmem>>)
        %sub3A_323 = arith.constant 1 : i32
        %sub3A_324 = arith.subi %sub3A_323, %select_n3A_256 : i32
        %dma_wait3A_325 = arith.constant 0 : i32
        %dma_wait3A_326 = arith.constant 0 : i32
        %dma_wait3A_327 = tpu.memref_slice %arg10[%sub3A_324, %dma_wait3A_325, %dma_wait3A_326] : memref<2x125x128xf32, #tpu.memory_space<vmem>> -> memref<1x125x128xf32, #tpu.memory_space<vmem>>
        %dma_wait3A_328 = tpu.memref_squeeze %dma_wait3A_327 : memref<1x125x128xf32, #tpu.memory_space<vmem>> -> memref<125x128xf32, #tpu.memory_space<vmem>>
        %dma_wait3A_329 = arith.constant 0 : i32
        %dma_wait3A_330 = tpu.memref_slice %arg8[%select_n3A_312, %select_n3A_272, %dma_wait3A_329] : memref<2x16x125xi32, #tpu.memory_space<vmem>> -> memref<1x1x125xi32, #tpu.memory_space<vmem>>
        %dma_wait3A_331 = tpu.memref_squeeze %dma_wait3A_330 : memref<1x1x125xi32, #tpu.memory_space<vmem>> -> memref<125xi32, #tpu.memory_space<vmem>>
        %dma_wait3A_332 = arith.constant 0 : i32
        %dma_wait3A_333 = arith.constant 0 : i32
        %dma_wait3A_334 = tpu.memref_slice %arg11[%dma_wait3A_332, %dma_wait3A_333] : memref<10000x128xf32, #tpu.memory_space<vmem_shared>> -> memref<10000x128xf32, #tpu.memory_space<vmem_shared>>
        tpu.wait_indirect_dma semaphore(%arg13 : memref<!tpu.dma_semaphore, #tpu.memory_space<semaphore_mem>>) src(%dma_wait3A_328 : memref<125x128xf32, #tpu.memory_space<vmem>>) dst(%dma_wait3A_334 : memref<10000x128xf32, #tpu.memory_space<vmem_shared>>)
        %add3A_335 = arith.constant 1 : i32
        %add3A_336 = arith.addi %while3A_240, %add3A_335 : i32
        %sub3A_337 = arith.constant 1 : i32
        %sub3A_338 = arith.subi %sub3A_337, %select_n3A_256 : i32
        %dma_start3A_339 = arith.constant 0 : i32
        %dma_start3A_340 = arith.constant 0 : i32
        %dma_start3A_341 = tpu.memref_slice %arg10[%sub3A_338, %dma_start3A_339, %dma_start3A_340] : memref<2x125x128xf32, #tpu.memory_space<vmem>> -> memref<1x125x128xf32, #tpu.memory_space<vmem>>
        %dma_start3A_342 = tpu.memref_squeeze %dma_start3A_341 : memref<1x125x128xf32, #tpu.memory_space<vmem>> -> memref<125x128xf32, #tpu.memory_space<vmem>>
        %dma_start3A_343 = arith.constant 0 : i32
        %dma_start3A_344 = tpu.memref_slice %arg7[%add3A_336, %dma_start3A_343] : memref<80x125xi32, #tpu.memory_space<vmem>> -> memref<1x125xi32, #tpu.memory_space<vmem>>
        %dma_start3A_345 = tpu.memref_squeeze %dma_start3A_344 : memref<1x125xi32, #tpu.memory_space<vmem>> -> memref<125xi32, #tpu.memory_space<vmem>>
        %dma_start3A_346 = arith.constant 0 : i32
        %dma_start3A_347 = arith.constant 0 : i32
        %dma_start3A_348 = tpu.memref_slice %arg2[%dma_start3A_346, %dma_start3A_347] : memref<20000x128xf32, #tpu.memory_space<hbm>> -> memref<20000x128xf32, #tpu.memory_space<hbm>>
        tpu.enqueue_indirect_dma source(%dma_start3A_348 : memref<20000x128xf32, #tpu.memory_space<hbm>>) target(%dma_start3A_342 : memref<125x128xf32, #tpu.memory_space<vmem>>) offsets(%dma_start3A_345 : memref<125xi32, #tpu.memory_space<vmem>>) semaphore(%arg12 : memref<!tpu.dma_semaphore, #tpu.memory_space<semaphore_mem>>)
        %parallel_loop3A_349 = arith.constant 0 : i32
        %parallel_loop3A_350 = arith.constant 125 : i32
        %parallel_loop3A_351 = arith.constant 1 : i32
        scf.for %parallel_loop3A_362 = %parallel_loop3A_349 to %parallel_loop3A_350 step %parallel_loop3A_351  : i32 {
          %parallel_loop3A_363 = arith.constant 125 : i32
          %parallel_loop3A_364 = arith.muli %select_n3A_272, %parallel_loop3A_363 : i32
          %parallel_loop3A_365 = arith.addi %parallel_loop3A_364, %parallel_loop3A_362 : i32
          %parallel_loop3A_366 = arith.constant 16 : i32
          %parallel_loop3A_367 = arith.divsi %parallel_loop3A_365, %parallel_loop3A_366 : i32
          %parallel_loop3A_368 = arith.constant 0 : i32
          %parallel_loop3A_369 = arith.cmpi sgt, %parallel_loop3A_365, %parallel_loop3A_368 : i32
          %parallel_loop3A_370 = arith.extui %parallel_loop3A_369 : i1 to i32
          %parallel_loop3A_371 = arith.constant 0 : i32
          %parallel_loop3A_372 = arith.cmpi slt, %parallel_loop3A_365, %parallel_loop3A_371 : i32
          %parallel_loop3A_373 = arith.extui %parallel_loop3A_372 : i1 to i32
          %parallel_loop3A_374 = arith.subi %parallel_loop3A_370, %parallel_loop3A_373 : i32
          %parallel_loop3A_375 = arith.constant 0 : i32
          %parallel_loop3A_376 = arith.cmpi sgt, %parallel_loop3A_366, %parallel_loop3A_375 : i32
          %parallel_loop3A_377 = arith.extui %parallel_loop3A_376 : i1 to i32
          %parallel_loop3A_378 = arith.constant 0 : i32
          %parallel_loop3A_379 = arith.cmpi slt, %parallel_loop3A_366, %parallel_loop3A_378 : i32
          %parallel_loop3A_380 = arith.extui %parallel_loop3A_379 : i1 to i32
          %parallel_loop3A_381 = arith.subi %parallel_loop3A_377, %parallel_loop3A_380 : i32
          %parallel_loop3A_382 = arith.cmpi ne, %parallel_loop3A_374, %parallel_loop3A_381 : i32
          %parallel_loop3A_383 = arith.remsi %parallel_loop3A_365, %parallel_loop3A_366 : i32
          %parallel_loop3A_384 = arith.constant 0 : i32
          %parallel_loop3A_385 = arith.cmpi ne, %parallel_loop3A_383, %parallel_loop3A_384 : i32
          %parallel_loop3A_386 = arith.andi %parallel_loop3A_382, %parallel_loop3A_385 : i1
          %parallel_loop3A_387 = arith.constant 1 : i32
          %parallel_loop3A_388 = arith.subi %parallel_loop3A_367, %parallel_loop3A_387 : i32
          %parallel_loop3A_389 = arith.select %parallel_loop3A_386, %parallel_loop3A_388, %parallel_loop3A_367 : i32
          %parallel_loop3A_390 = arith.constant 16 : i32
          %parallel_loop3A_391 = arith.muli %parallel_loop3A_389, %parallel_loop3A_390 : i32
          %parallel_loop3A_392 = arith.index_cast %parallel_loop3A_391 : i32 to index
          %parallel_loop3A_393 = tpu.vector_load %arg9[%parallel_loop3A_392] {strides = array<i32>} : memref<2000xf32, #tpu.memory_space<vmem>>, vector<16xf32>,
          %parallel_loop3A_394 = vector.shape_cast %parallel_loop3A_393 : vector<16xf32> to vector<16xf32>
          %parallel_loop3A_395 = arith.subi %parallel_loop3A_365, %parallel_loop3A_391 : i32
          %parallel_loop3A_396 = vector.broadcast %parallel_loop3A_395 : i32 to vector<16xi32>
          %parallel_loop3A_397 = arith.constant 0 : i32
          %parallel_loop3A_398 = vector.broadcast %parallel_loop3A_397 : i32 to vector<16xi32>
          %parallel_loop3A_399 = arith.cmpi slt, %parallel_loop3A_396, %parallel_loop3A_398 : vector<16xi32>
          %parallel_loop3A_400 = arith.constant 16 : i32
          %parallel_loop3A_401 = vector.broadcast %parallel_loop3A_400 : i32 to vector<16xi32>
          %parallel_loop3A_402 = arith.addi %parallel_loop3A_396, %parallel_loop3A_401 : vector<16xi32>
          %parallel_loop3A_403 = arith.select %parallel_loop3A_399, %parallel_loop3A_402, %parallel_loop3A_396 : vector<16xi1>, vector<16xi32>
          %parallel_loop3A_404 = vector.shape_cast %parallel_loop3A_403 : vector<16xi32> to vector<16x1xi32>
          %parallel_loop3A_405 = vector.shape_cast %parallel_loop3A_404 : vector<16x1xi32> to vector<16xi32>
          %parallel_loop3A_406 = tpu.dynamic_gather %parallel_loop3A_394[%parallel_loop3A_405] in [0] : vector<16xf32>, vector<16xi32> -> vector<16xf32>
          %parallel_loop3A_407 = arith.index_cast %select_n3A_256 : i32 to index
          %parallel_loop3A_408 = arith.index_cast %parallel_loop3A_362 : i32 to index
          %parallel_loop3A_409 = arith.constant 0 : index
          %parallel_loop3A_410 = tpu.vector_load %arg10[%parallel_loop3A_407, %parallel_loop3A_408, %parallel_loop3A_409] {strides = array<i32>} : memref<2x125x128xf32, #tpu.memory_space<vmem>>, vector<1x1x16xf32>,
          %parallel_loop3A_411 = vector.shape_cast %parallel_loop3A_410 : vector<1x1x16xf32> to vector<16xf32>
          %parallel_loop3A_412 = arith.mulf %parallel_loop3A_411, %parallel_loop3A_406 : vector<16xf32>
          %parallel_loop3A_413 = arith.index_cast %select_n3A_256 : i32 to index
          %parallel_loop3A_414 = arith.index_cast %parallel_loop3A_362 : i32 to index
          %parallel_loop3A_415 = arith.constant 0 : index
          %parallel_loop3A_416 = tpu.vector_load %arg10[%parallel_loop3A_413, %parallel_loop3A_414, %parallel_loop3A_415] {strides = array<i32>} : memref<2x125x128xf32, #tpu.memory_space<vmem>>, vector<1x1x16xf32>,
          %parallel_loop3A_417 = vector.shape_cast %parallel_loop3A_416 : vector<1x1x16xf32> to vector<16xf32>
          %parallel_loop3A_418 = vector.shape_cast %parallel_loop3A_412 : vector<16xf32> to vector<1x1x16xf32>
          tpu.vector_store %arg10[%parallel_loop3A_413, %parallel_loop3A_414, %parallel_loop3A_415], %parallel_loop3A_418 {strides = array<i32>} : memref<2x125x128xf32, #tpu.memory_space<vmem>>, vector<1x1x16xf32>,
          %parallel_loop3A_419 = arith.index_cast %select_n3A_256 : i32 to index
          %parallel_loop3A_420 = arith.index_cast %parallel_loop3A_362 : i32 to index
          %parallel_loop3A_421 = arith.constant 16 : index
          %parallel_loop3A_422 = tpu.vector_load %arg10[%parallel_loop3A_419, %parallel_loop3A_420, %parallel_loop3A_421] {strides = array<i32>} : memref<2x125x128xf32, #tpu.memory_space<vmem>>, vector<1x1x16xf32>,
          %parallel_loop3A_423 = vector.shape_cast %parallel_loop3A_422 : vector<1x1x16xf32> to vector<16xf32>
          %parallel_loop3A_424 = arith.mulf %parallel_loop3A_423, %parallel_loop3A_406 : vector<16xf32>
          %parallel_loop3A_425 = arith.index_cast %select_n3A_256 : i32 to index
          %parallel_loop3A_426 = arith.index_cast %parallel_loop3A_362 : i32 to index
          %parallel_loop3A_427 = arith.constant 16 : index
          %parallel_loop3A_428 = tpu.vector_load %arg10[%parallel_loop3A_425, %parallel_loop3A_426, %parallel_loop3A_427] {strides = array<i32>} : memref<2x125x128xf32, #tpu.memory_space<vmem>>, vector<1x1x16xf32>,
          %parallel_loop3A_429 = vector.shape_cast %parallel_loop3A_428 : vector<1x1x16xf32> to vector<16xf32>
          %parallel_loop3A_430 = vector.shape_cast %parallel_loop3A_424 : vector<16xf32> to vector<1x1x16xf32>
          tpu.vector_store %arg10[%parallel_loop3A_425, %parallel_loop3A_426, %parallel_loop3A_427], %parallel_loop3A_430 {strides = array<i32>} : memref<2x125x128xf32, #tpu.memory_space<vmem>>, vector<1x1x16xf32>,
          %parallel_loop3A_431 = arith.index_cast %select_n3A_256 : i32 to index
          %parallel_loop3A_432 = arith.index_cast %parallel_loop3A_362 : i32 to index
          %parallel_loop3A_433 = arith.constant 32 : index
          %parallel_loop3A_434 = tpu.vector_load %arg10[%parallel_loop3A_431, %parallel_loop3A_432, %parallel_loop3A_433] {strides = array<i32>} : memref<2x125x128xf32, #tpu.memory_space<vmem>>, vector<1x1x16xf32>,
          %parallel_loop3A_435 = vector.shape_cast %parallel_loop3A_434 : vector<1x1x16xf32> to vector<16xf32>
          %parallel_loop3A_436 = arith.mulf %parallel_loop3A_435, %parallel_loop3A_406 : vector<16xf32>
          %parallel_loop3A_437 = arith.index_cast %select_n3A_256 : i32 to index
          %parallel_loop3A_438 = arith.index_cast %parallel_loop3A_362 : i32 to index
          %parallel_loop3A_439 = arith.constant 32 : index
          %parallel_loop3A_440 = tpu.vector_load %arg10[%parallel_loop3A_437, %parallel_loop3A_438, %parallel_loop3A_439] {strides = array<i32>} : memref<2x125x128xf32, #tpu.memory_space<vmem>>, vector<1x1x16xf32>,
          %parallel_loop3A_441 = vector.shape_cast %parallel_loop3A_440 : vector<1x1x16xf32> to vector<16xf32>
          %parallel_loop3A_442 = vector.shape_cast %parallel_loop3A_436 : vector<16xf32> to vector<1x1x16xf32>
          tpu.vector_store %arg10[%parallel_loop3A_437, %parallel_loop3A_438, %parallel_loop3A_439], %parallel_loop3A_442 {strides = array<i32>} : memref<2x125x128xf32, #tpu.memory_space<vmem>>, vector<1x1x16xf32>,
          %parallel_loop3A_443 = arith.index_cast %select_n3A_256 : i32 to index
          %parallel_loop3A_444 = arith.index_cast %parallel_loop3A_362 : i32 to index
          %parallel_loop3A_445 = arith.constant 48 : index
          %parallel_loop3A_446 = tpu.vector_load %arg10[%parallel_loop3A_443, %parallel_loop3A_444, %parallel_loop3A_445] {strides = array<i32>} : memref<2x125x128xf32, #tpu.memory_space<vmem>>, vector<1x1x16xf32>,
          %parallel_loop3A_447 = vector.shape_cast %parallel_loop3A_446 : vector<1x1x16xf32> to vector<16xf32>
          %parallel_loop3A_448 = arith.mulf %parallel_loop3A_447, %parallel_loop3A_406 : vector<16xf32>
          %parallel_loop3A_449 = arith.index_cast %select_n3A_256 : i32 to index
          %parallel_loop3A_450 = arith.index_cast %parallel_loop3A_362 : i32 to index
          %parallel_loop3A_451 = arith.constant 48 : index
          %parallel_loop3A_452 = tpu.vector_load %arg10[%parallel_loop3A_449, %parallel_loop3A_450, %parallel_loop3A_451] {strides = array<i32>} : memref<2x125x128xf32, #tpu.memory_space<vmem>>, vector<1x1x16xf32>,
          %parallel_loop3A_453 = vector.shape_cast %parallel_loop3A_452 : vector<1x1x16xf32> to vector<16xf32>
          %parallel_loop3A_454 = vector.shape_cast %parallel_loop3A_448 : vector<16xf32> to vector<1x1x16xf32>
          tpu.vector_store %arg10[%parallel_loop3A_449, %parallel_loop3A_450, %parallel_loop3A_451], %parallel_loop3A_454 {strides = array<i32>} : memref<2x125x128xf32, #tpu.memory_space<vmem>>, vector<1x1x16xf32>,
          %parallel_loop3A_455 = arith.index_cast %select_n3A_256 : i32 to index
          %parallel_loop3A_456 = arith.index_cast %parallel_loop3A_362 : i32 to index
          %parallel_loop3A_457 = arith.constant 64 : index
          %parallel_loop3A_458 = tpu.vector_load %arg10[%parallel_loop3A_455, %parallel_loop3A_456, %parallel_loop3A_457] {strides = array<i32>} : memref<2x125x128xf32, #tpu.memory_space<vmem>>, vector<1x1x16xf32>,
          %parallel_loop3A_459 = vector.shape_cast %parallel_loop3A_458 : vector<1x1x16xf32> to vector<16xf32>
          %parallel_loop3A_460 = arith.mulf %parallel_loop3A_459, %parallel_loop3A_406 : vector<16xf32>
          %parallel_loop3A_461 = arith.index_cast %select_n3A_256 : i32 to index
          %parallel_loop3A_462 = arith.index_cast %parallel_loop3A_362 : i32 to index
          %parallel_loop3A_463 = arith.constant 64 : index
          %parallel_loop3A_464 = tpu.vector_load %arg10[%parallel_loop3A_461, %parallel_loop3A_462, %parallel_loop3A_463] {strides = array<i32>} : memref<2x125x128xf32, #tpu.memory_space<vmem>>, vector<1x1x16xf32>,
          %parallel_loop3A_465 = vector.shape_cast %parallel_loop3A_464 : vector<1x1x16xf32> to vector<16xf32>
          %parallel_loop3A_466 = vector.shape_cast %parallel_loop3A_460 : vector<16xf32> to vector<1x1x16xf32>
          tpu.vector_store %arg10[%parallel_loop3A_461, %parallel_loop3A_462, %parallel_loop3A_463], %parallel_loop3A_466 {strides = array<i32>} : memref<2x125x128xf32, #tpu.memory_space<vmem>>, vector<1x1x16xf32>,
          %parallel_loop3A_467 = arith.index_cast %select_n3A_256 : i32 to index
          %parallel_loop3A_468 = arith.index_cast %parallel_loop3A_362 : i32 to index
          %parallel_loop3A_469 = arith.constant 80 : index
          %parallel_loop3A_470 = tpu.vector_load %arg10[%parallel_loop3A_467, %parallel_loop3A_468, %parallel_loop3A_469] {strides = array<i32>} : memref<2x125x128xf32, #tpu.memory_space<vmem>>, vector<1x1x16xf32>,
          %parallel_loop3A_471 = vector.shape_cast %parallel_loop3A_470 : vector<1x1x16xf32> to vector<16xf32>
          %parallel_loop3A_472 = arith.mulf %parallel_loop3A_471, %parallel_loop3A_406 : vector<16xf32>
          %parallel_loop3A_473 = arith.index_cast %select_n3A_256 : i32 to index
          %parallel_loop3A_474 = arith.index_cast %parallel_loop3A_362 : i32 to index
          %parallel_loop3A_475 = arith.constant 80 : index
          %parallel_loop3A_476 = tpu.vector_load %arg10[%parallel_loop3A_473, %parallel_loop3A_474, %parallel_loop3A_475] {strides = array<i32>} : memref<2x125x128xf32, #tpu.memory_space<vmem>>, vector<1x1x16xf32>,
          %parallel_loop3A_477 = vector.shape_cast %parallel_loop3A_476 : vector<1x1x16xf32> to vector<16xf32>
          %parallel_loop3A_478 = vector.shape_cast %parallel_loop3A_472 : vector<16xf32> to vector<1x1x16xf32>
          tpu.vector_store %arg10[%parallel_loop3A_473, %parallel_loop3A_474, %parallel_loop3A_475], %parallel_loop3A_478 {strides = array<i32>} : memref<2x125x128xf32, #tpu.memory_space<vmem>>, vector<1x1x16xf32>,
          %parallel_loop3A_479 = arith.index_cast %select_n3A_256 : i32 to index
          %parallel_loop3A_480 = arith.index_cast %parallel_loop3A_362 : i32 to index
          %parallel_loop3A_481 = arith.constant 96 : index
          %parallel_loop3A_482 = tpu.vector_load %arg10[%parallel_loop3A_479, %parallel_loop3A_480, %parallel_loop3A_481] {strides = array<i32>} : memref<2x125x128xf32, #tpu.memory_space<vmem>>, vector<1x1x16xf32>,
          %parallel_loop3A_483 = vector.shape_cast %parallel_loop3A_482 : vector<1x1x16xf32> to vector<16xf32>
          %parallel_loop3A_484 = arith.mulf %parallel_loop3A_483, %parallel_loop3A_406 : vector<16xf32>
          %parallel_loop3A_485 = arith.index_cast %select_n3A_256 : i32 to index
          %parallel_loop3A_486 = arith.index_cast %parallel_loop3A_362 : i32 to index
          %parallel_loop3A_487 = arith.constant 96 : index
          %parallel_loop3A_488 = tpu.vector_load %arg10[%parallel_loop3A_485, %parallel_loop3A_486, %parallel_loop3A_487] {strides = array<i32>} : memref<2x125x128xf32, #tpu.memory_space<vmem>>, vector<1x1x16xf32>,
          %parallel_loop3A_489 = vector.shape_cast %parallel_loop3A_488 : vector<1x1x16xf32> to vector<16xf32>
          %parallel_loop3A_490 = vector.shape_cast %parallel_loop3A_484 : vector<16xf32> to vector<1x1x16xf32>
          tpu.vector_store %arg10[%parallel_loop3A_485, %parallel_loop3A_486, %parallel_loop3A_487], %parallel_loop3A_490 {strides = array<i32>} : memref<2x125x128xf32, #tpu.memory_space<vmem>>, vector<1x1x16xf32>,
          %parallel_loop3A_491 = arith.index_cast %select_n3A_256 : i32 to index
          %parallel_loop3A_492 = arith.index_cast %parallel_loop3A_362 : i32 to index
          %parallel_loop3A_493 = arith.constant 112 : index
          %parallel_loop3A_494 = tpu.vector_load %arg10[%parallel_loop3A_491, %parallel_loop3A_492, %parallel_loop3A_493] {strides = array<i32>} : memref<2x125x128xf32, #tpu.memory_space<vmem>>, vector<1x1x16xf32>,
          %parallel_loop3A_495 = vector.shape_cast %parallel_loop3A_494 : vector<1x1x16xf32> to vector<16xf32>
          %parallel_loop3A_496 = arith.mulf %parallel_loop3A_495, %parallel_loop3A_406 : vector<16xf32>
          %parallel_loop3A_497 = arith.index_cast %select_n3A_256 : i32 to index
          %parallel_loop3A_498 = arith.index_cast %parallel_loop3A_362 : i32 to index
          %parallel_loop3A_499 = arith.constant 112 : index
          %parallel_loop3A_500 = tpu.vector_load %arg10[%parallel_loop3A_497, %parallel_loop3A_498, %parallel_loop3A_499] {strides = array<i32>} : memref<2x125x128xf32, #tpu.memory_space<vmem>>, vector<1x1x16xf32>,
          %parallel_loop3A_501 = vector.shape_cast %parallel_loop3A_500 : vector<1x1x16xf32> to vector<16xf32>
          %parallel_loop3A_502 = vector.shape_cast %parallel_loop3A_496 : vector<16xf32> to vector<1x1x16xf32>
          tpu.vector_store %arg10[%parallel_loop3A_497, %parallel_loop3A_498, %parallel_loop3A_499], %parallel_loop3A_502 {strides = array<i32>} : memref<2x125x128xf32, #tpu.memory_space<vmem>>, vector<1x1x16xf32>,
        } {sc.loop_unroll_factor = 2 : i64, sc.parallel_access}
        %dma_start3A_352 = arith.constant 0 : i32
        %dma_start3A_353 = arith.constant 0 : i32
        %dma_start3A_354 = tpu.memref_slice %arg10[%select_n3A_256, %dma_start3A_352, %dma_start3A_353] : memref<2x125x128xf32, #tpu.memory_space<vmem>> -> memref<1x125x128xf32, #tpu.memory_space<vmem>>
        %dma_start3A_355 = tpu.memref_squeeze %dma_start3A_354 : memref<1x125x128xf32, #tpu.memory_space<vmem>> -> memref<125x128xf32, #tpu.memory_space<vmem>>
        %dma_start3A_356 = arith.constant 0 : i32
        %dma_start3A_357 = tpu.memref_slice %arg8[%select_n3A_312, %select_n3A_272, %dma_start3A_356] : memref<2x16x125xi32, #tpu.memory_space<vmem>> -> memref<1x1x125xi32, #tpu.memory_space<vmem>>
        %dma_start3A_358 = tpu.memref_squeeze %dma_start3A_357 : memref<1x1x125xi32, #tpu.memory_space<vmem>> -> memref<125xi32, #tpu.memory_space<vmem>>
        %dma_start3A_359 = arith.constant 0 : i32
        %dma_start3A_360 = arith.constant 0 : i32
        %dma_start3A_361 = tpu.memref_slice %arg11[%dma_start3A_359, %dma_start3A_360] : memref<10000x128xf32, #tpu.memory_space<vmem_shared>> -> memref<10000x128xf32, #tpu.memory_space<vmem_shared>>
        tpu.enqueue_indirect_dma source(%dma_start3A_355 : memref<125x128xf32, #tpu.memory_space<vmem>>) target(%dma_start3A_361 : memref<10000x128xf32, #tpu.memory_space<vmem_shared>>) offsets(%dma_start3A_358 : memref<125xi32, #tpu.memory_space<vmem>>) semaphore(%arg13 : memref<!tpu.dma_semaphore, #tpu.memory_space<semaphore_mem>>) {add = true}
      }
      %add3A_201 = arith.constant 1 : i32
      %add3A_202 = arith.addi %scan3A_139, %add3A_201 : i32
      %jit3A_203 = arith.constant 2 : i32
      %eq3A_204 = arith.constant 0 : i32
      %eq3A_205 = arith.cmpi eq, %jit3A_203, %eq3A_204 : i32
      %jit3A_206 = arith.constant 1 : i32
      %select_n3A_207 = arith.select %eq3A_205, %jit3A_206, %jit3A_203 : i32
      %rem3A_208 = arith.remsi %add3A_202, %select_n3A_207 : i32
      %ne3A_209 = arith.constant 0 : i32
      %ne3A_210 = arith.cmpi ne, %rem3A_208, %ne3A_209 : i32
      %lt3A_211 = arith.constant 0 : i32
      %lt3A_212 = arith.cmpi slt, %rem3A_208, %lt3A_211 : i32
      %lt3A_213 = arith.constant 0 : i32
      %lt3A_214 = arith.cmpi slt, %select_n3A_207, %lt3A_213 : i32
      %ne3A_215 = arith.xori %lt3A_212, %lt3A_214 : i1
      %and3A_216 = arith.andi %ne3A_215, %ne3A_210 : i1
      %add3A_217 = arith.addi %rem3A_208, %select_n3A_207 : i32
      %select_n3A_218 = arith.select %and3A_216, %add3A_217, %rem3A_208 : i32
      %dma_wait3A_219 = arith.constant 0 : i32
      %dma_wait3A_220 = arith.constant 0 : i32
      %dma_wait3A_221 = tpu.memref_slice %arg8[%select_n3A_218, %dma_wait3A_219, %dma_wait3A_220] : memref<2x16x125xi32, #tpu.memory_space<vmem>> -> memref<1x16x125xi32, #tpu.memory_space<vmem>>
      %dma_wait3A_222 = tpu.memref_squeeze %dma_wait3A_221 : memref<1x16x125xi32, #tpu.memory_space<vmem>> -> memref<16x125xi32, #tpu.memory_space<vmem>>
      %dma_wait3A_223 = arith.constant 0 : i32
      %dma_wait3A_224 = tpu.memref_slice %arg4[%multiple_of3A, %dma_wait3A_223] : memref<2560x125xi32, #tpu.memory_space<hbm>> -> memref<16x125xi32, #tpu.memory_space<hbm>>
      %dma_wait3A_225 = arith.constant 0 : i32
      %dma_wait3A_226 = arith.constant 0 : i32
      %dma_wait3A_227 = tpu.memref_slice %arg8[%select_n3A_218, %dma_wait3A_225, %dma_wait3A_226] : memref<2x16x125xi32, #tpu.memory_space<vmem>> -> memref<1x16x125xi32, #tpu.memory_space<vmem>>
      %dma_wait3A_228 = tpu.memref_squeeze %dma_wait3A_227 : memref<1x16x125xi32, #tpu.memory_space<vmem>> -> memref<16x125xi32, #tpu.memory_space<vmem>>
      %dma_wait3A_229 = arith.constant 0 : i32
      %dma_wait3A_230 = tpu.memref_slice %arg4[%multiple_of3A, %dma_wait3A_229] : memref<2560x125xi32, #tpu.memory_space<hbm>> -> memref<16x125xi32, #tpu.memory_space<hbm>>
      tpu.wait_dma2 semaphore(%arg14 : memref<!tpu.dma_semaphore, #tpu.memory_space<semaphore_mem>>) src(%dma_wait3A_230 : memref<16x125xi32, #tpu.memory_space<hbm>>) dst(%dma_wait3A_228 : memref<16x125xi32, #tpu.memory_space<vmem>>)
      %add3A_231 = arith.constant 1 : i32
      %add3A_232 = arith.addi %scan3A_139, %add3A_231 : i32
      %mul3A_233 = arith.constant 2000 : i32
      %mul3A_234 = arith.muli %add3A_232, %mul3A_233 : i32
      %add3A_235 = arith.addi %add3A, %mul3A_234 : i32
      %dma_start3A_236 = tpu.memref_slice %arg5[%add3A_235] : memref<320000xf32, #tpu.memory_space<hbm>> -> memref<2000xf32, #tpu.memory_space<hbm>>
      %dma_start3A_237 = tpu.memref_slice %arg5[%add3A_235] : memref<320000xf32, #tpu.memory_space<hbm>> -> memref<2000xf32, #tpu.memory_space<hbm>>
      tpu.enqueue_dma source(%dma_start3A_237 : memref<2000xf32, #tpu.memory_space<hbm>>) target(%arg9 : memref<2000xf32, #tpu.memory_space<vmem>>) target_semaphore(%arg14 : memref<!tpu.dma_semaphore, #tpu.memory_space<semaphore_mem>>)
      %dma_wait3A_238 = tpu.memref_slice %arg5[%add3A] : memref<320000xf32, #tpu.memory_space<hbm>> -> memref<2000xf32, #tpu.memory_space<hbm>>
      %dma_wait3A_239 = tpu.memref_slice %arg5[%add3A] : memref<320000xf32, #tpu.memory_space<hbm>> -> memref<2000xf32, #tpu.memory_space<hbm>>
      tpu.wait_dma2 semaphore(%arg14 : memref<!tpu.dma_semaphore, #tpu.memory_space<semaphore_mem>>) src(%dma_wait3A_239 : memref<2000xf32, #tpu.memory_space<hbm>>) dst(%arg9 : memref<2000xf32, #tpu.memory_space<vmem>>)
    }
    %scan3A_69 = arith.constant 4 : i32
    %scan3A_70 = arith.constant 0 : i32
    %scan3A_71 = arith.constant 64 : i32
    %scan3A_72 = arith.constant 15 : i32
    %scan3A_73 = arith.addi %scan3A_71, %scan3A_72 : i32
    %scan3A_74 = arith.constant 1 : i32
    scf.for %scan3A_139 = %scan3A_71 to %scan3A_73 step %scan3A_74  : i32 {
      %jit3A_140 = arith.constant 2 : i32
      %eq3A_141 = arith.constant 0 : i32
      %eq3A_142 = arith.cmpi eq, %jit3A_140, %eq3A_141 : i32
      %jit3A_143 = arith.constant 1 : i32
      %select_n3A_144 = arith.select %eq3A_142, %jit3A_143, %jit3A_140 : i32
      %rem3A_145 = arith.remsi %scan3A_139, %select_n3A_144 : i32
      %ne3A_146 = arith.constant 0 : i32
      %ne3A_147 = arith.cmpi ne, %rem3A_145, %ne3A_146 : i32
      %lt3A = arith.constant 0 : i32
      %lt3A_148 = arith.cmpi slt, %rem3A_145, %lt3A : i32
      %lt3A_149 = arith.constant 0 : i32
      %lt3A_150 = arith.cmpi slt, %select_n3A_144, %lt3A_149 : i32
      %ne3A_151 = arith.xori %lt3A_148, %lt3A_150 : i1
      %and3A_152 = arith.andi %ne3A_151, %ne3A_147 : i1
      %add3A_153 = arith.addi %rem3A_145, %select_n3A_144 : i32
      %select_n3A_154 = arith.select %and3A_152, %add3A_153, %rem3A_145 : i32
      %jit3A_155 = arith.constant 16 : i32
      %eq3A_156 = arith.constant 0 : i32
      %eq3A_157 = arith.cmpi eq, %jit3A_155, %eq3A_156 : i32
      %jit3A_158 = arith.constant 1 : i32
      %select_n3A_159 = arith.select %eq3A_157, %jit3A_158, %jit3A_155 : i32
      %rem3A_160 = arith.remsi %scan3A_139, %select_n3A_159 : i32
      %ne3A_161 = arith.constant 0 : i32
      %ne3A_162 = arith.cmpi ne, %rem3A_160, %ne3A_161 : i32
      %lt3A_163 = arith.constant 0 : i32
      %lt3A_164 = arith.cmpi slt, %rem3A_160, %lt3A_163 : i32
      %lt3A_165 = arith.constant 0 : i32
      %lt3A_166 = arith.cmpi slt, %select_n3A_159, %lt3A_165 : i32
      %ne3A_167 = arith.xori %lt3A_164, %lt3A_166 : i1
      %and3A_168 = arith.andi %ne3A_167, %ne3A_162 : i1
      %add3A_169 = arith.addi %rem3A_160, %select_n3A_159 : i32
      %select_n3A_170 = arith.select %and3A_168, %add3A_169, %rem3A_160 : i32
      %jit3A_171 = arith.constant 16 : i32
      %div3A_172 = arith.divsi %scan3A_139, %jit3A_171 : i32
      %sign3A_173 = arith.constant 0 : i32
      %sign3A_174 = arith.cmpi sgt, %scan3A_139, %sign3A_173 : i32
      %sign3A_175 = arith.extui %sign3A_174 : i1 to i32
      %sign3A_176 = arith.constant 0 : i32
      %sign3A_177 = arith.cmpi slt, %scan3A_139, %sign3A_176 : i32
      %sign3A_178 = arith.extui %sign3A_177 : i1 to i32
      %sign3A_179 = arith.subi %sign3A_175, %sign3A_178 : i32
      %sign3A_180 = arith.constant 0 : i32
      %sign3A_181 = arith.cmpi sgt, %jit3A_171, %sign3A_180 : i32
      %sign3A_182 = arith.extui %sign3A_181 : i1 to i32
      %sign3A_183 = arith.constant 0 : i32
      %sign3A_184 = arith.cmpi slt, %jit3A_171, %sign3A_183 : i32
      %sign3A_185 = arith.extui %sign3A_184 : i1 to i32
      %sign3A_186 = arith.subi %sign3A_182, %sign3A_185 : i32
      %ne3A_187 = arith.cmpi ne, %sign3A_179, %sign3A_186 : i32
      %rem3A_188 = arith.remsi %scan3A_139, %jit3A_171 : i32
      %ne3A_189 = arith.constant 0 : i32
      %ne3A_190 = arith.cmpi ne, %rem3A_188, %ne3A_189 : i32
      %and3A_191 = arith.andi %ne3A_187, %ne3A_190 : i1
      %sub3A_192 = arith.constant 1 : i32
      %sub3A_193 = arith.subi %div3A_172, %sub3A_192 : i32
      %select_n3A_194 = arith.select %and3A_191, %sub3A_193, %div3A_172 : i32
      %jit3A_195 = arith.constant 2 : i32
      %eq3A_196 = arith.constant 0 : i32
      %eq3A_197 = arith.cmpi eq, %jit3A_195, %eq3A_196 : i32
      %jit3A_198 = arith.constant 1 : i32
      %select_n3A_199 = arith.select %eq3A_197, %jit3A_198, %jit3A_195 : i32
      %rem3A_200 = arith.remsi %select_n3A_194, %select_n3A_199 : i32
      %ne3A_201 = arith.constant 0 : i32
      %ne3A_202 = arith.cmpi ne, %rem3A_200, %ne3A_201 : i32
      %lt3A_203 = arith.constant 0 : i32
      %lt3A_204 = arith.cmpi slt, %rem3A_200, %lt3A_203 : i32
      %lt3A_205 = arith.constant 0 : i32
      %lt3A_206 = arith.cmpi slt, %select_n3A_199, %lt3A_205 : i32
      %ne3A_207 = arith.xori %lt3A_204, %lt3A_206 : i1
      %and3A_208 = arith.andi %ne3A_207, %ne3A_202 : i1
      %add3A_209 = arith.addi %rem3A_200, %select_n3A_199 : i32
      %select_n3A_210 = arith.select %and3A_208, %add3A_209, %rem3A_200 : i32
      %dma_wait3A_211 = arith.constant 0 : i32
      %dma_wait3A_212 = arith.constant 0 : i32
      %dma_wait3A_213 = tpu.memref_slice %arg10[%select_n3A_154, %dma_wait3A_211, %dma_wait3A_212] : memref<2x125x128xf32, #tpu.memory_space<vmem>> -> memref<1x125x128xf32, #tpu.memory_space<vmem>>
      %dma_wait3A_214 = tpu.memref_squeeze %dma_wait3A_213 : memref<1x125x128xf32, #tpu.memory_space<vmem>> -> memref<125x128xf32, #tpu.memory_space<vmem>>
      %dma_wait3A_215 = arith.constant 0 : i32
      %dma_wait3A_216 = tpu.memref_slice %arg7[%scan3A_139, %dma_wait3A_215] : memref<80x125xi32, #tpu.memory_space<vmem>> -> memref<1x125xi32, #tpu.memory_space<vmem>>
      %dma_wait3A_217 = tpu.memref_squeeze %dma_wait3A_216 : memref<1x125xi32, #tpu.memory_space<vmem>> -> memref<125xi32, #tpu.memory_space<vmem>>
      %dma_wait3A_218 = arith.constant 0 : i32
      %dma_wait3A_219 = arith.constant 0 : i32
      %dma_wait3A_220 = tpu.memref_slice %arg2[%dma_wait3A_218, %dma_wait3A_219] : memref<20000x128xf32, #tpu.memory_space<hbm>> -> memref<20000x128xf32, #tpu.memory_space<hbm>>
      tpu.wait_indirect_dma semaphore(%arg12 : memref<!tpu.dma_semaphore, #tpu.memory_space<semaphore_mem>>) src(%dma_wait3A_220 : memref<20000x128xf32, #tpu.memory_space<hbm>>) dst(%dma_wait3A_214 : memref<125x128xf32, #tpu.memory_space<vmem>>)
      %sub3A_221 = arith.constant 1 : i32
      %sub3A_222 = arith.subi %sub3A_221, %select_n3A_154 : i32
      %dma_wait3A_223 = arith.constant 0 : i32
      %dma_wait3A_224 = arith.constant 0 : i32
      %dma_wait3A_225 = tpu.memref_slice %arg10[%sub3A_222, %dma_wait3A_223, %dma_wait3A_224] : memref<2x125x128xf32, #tpu.memory_space<vmem>> -> memref<1x125x128xf32, #tpu.memory_space<vmem>>
      %dma_wait3A_226 = tpu.memref_squeeze %dma_wait3A_225 : memref<1x125x128xf32, #tpu.memory_space<vmem>> -> memref<125x128xf32, #tpu.memory_space<vmem>>
      %dma_wait3A_227 = arith.constant 0 : i32
      %dma_wait3A_228 = tpu.memref_slice %arg8[%select_n3A_210, %select_n3A_170, %dma_wait3A_227] : memref<2x16x125xi32, #tpu.memory_space<vmem>> -> memref<1x1x125xi32, #tpu.memory_space<vmem>>
      %dma_wait3A_229 = tpu.memref_squeeze %dma_wait3A_228 : memref<1x1x125xi32, #tpu.memory_space<vmem>> -> memref<125xi32, #tpu.memory_space<vmem>>
      %dma_wait3A_230 = arith.constant 0 : i32
      %dma_wait3A_231 = arith.constant 0 : i32
      %dma_wait3A_232 = tpu.memref_slice %arg11[%dma_wait3A_230, %dma_wait3A_231] : memref<10000x128xf32, #tpu.memory_space<vmem_shared>> -> memref<10000x128xf32, #tpu.memory_space<vmem_shared>>
      tpu.wait_indirect_dma semaphore(%arg13 : memref<!tpu.dma_semaphore, #tpu.memory_space<semaphore_mem>>) src(%dma_wait3A_226 : memref<125x128xf32, #tpu.memory_space<vmem>>) dst(%dma_wait3A_232 : memref<10000x128xf32, #tpu.memory_space<vmem_shared>>)
      %add3A_233 = arith.constant 1 : i32
      %add3A_234 = arith.addi %scan3A_139, %add3A_233 : i32
      %sub3A_235 = arith.constant 1 : i32
      %sub3A_236 = arith.subi %sub3A_235, %select_n3A_154 : i32
      %dma_start3A_237 = arith.constant 0 : i32
      %dma_start3A_238 = arith.constant 0 : i32
      %dma_start3A_239 = tpu.memref_slice %arg10[%sub3A_236, %dma_start3A_237, %dma_start3A_238] : memref<2x125x128xf32, #tpu.memory_space<vmem>> -> memref<1x125x128xf32, #tpu.memory_space<vmem>>
      %dma_start3A_240 = tpu.memref_squeeze %dma_start3A_239 : memref<1x125x128xf32, #tpu.memory_space<vmem>> -> memref<125x128xf32, #tpu.memory_space<vmem>>
      %dma_start3A_241 = arith.constant 0 : i32
      %dma_start3A_242 = tpu.memref_slice %arg7[%add3A_234, %dma_start3A_241] : memref<80x125xi32, #tpu.memory_space<vmem>> -> memref<1x125xi32, #tpu.memory_space<vmem>>
      %dma_start3A_243 = tpu.memref_squeeze %dma_start3A_242 : memref<1x125xi32, #tpu.memory_space<vmem>> -> memref<125xi32, #tpu.memory_space<vmem>>
      %dma_start3A_244 = arith.constant 0 : i32
      %dma_start3A_245 = arith.constant 0 : i32
      %dma_start3A_246 = tpu.memref_slice %arg2[%dma_start3A_244, %dma_start3A_245] : memref<20000x128xf32, #tpu.memory_space<hbm>> -> memref<20000x128xf32, #tpu.memory_space<hbm>>
      tpu.enqueue_indirect_dma source(%dma_start3A_246 : memref<20000x128xf32, #tpu.memory_space<hbm>>) target(%dma_start3A_240 : memref<125x128xf32, #tpu.memory_space<vmem>>) offsets(%dma_start3A_243 : memref<125xi32, #tpu.memory_space<vmem>>) semaphore(%arg12 : memref<!tpu.dma_semaphore, #tpu.memory_space<semaphore_mem>>)
      %parallel_loop3A_247 = arith.constant 0 : i32
      %parallel_loop3A_248 = arith.constant 125 : i32
      %parallel_loop3A_249 = arith.constant 1 : i32
      scf.for %parallel_loop3A_260 = %parallel_loop3A_247 to %parallel_loop3A_248 step %parallel_loop3A_249  : i32 {
        %parallel_loop3A_261 = arith.constant 125 : i32
        %parallel_loop3A_262 = arith.muli %select_n3A_170, %parallel_loop3A_261 : i32
        %parallel_loop3A_263 = arith.addi %parallel_loop3A_262, %parallel_loop3A_260 : i32
        %parallel_loop3A_264 = arith.constant 16 : i32
        %parallel_loop3A_265 = arith.divsi %parallel_loop3A_263, %parallel_loop3A_264 : i32
        %parallel_loop3A_266 = arith.constant 0 : i32
        %parallel_loop3A_267 = arith.cmpi sgt, %parallel_loop3A_263, %parallel_loop3A_266 : i32
        %parallel_loop3A_268 = arith.extui %parallel_loop3A_267 : i1 to i32
        %parallel_loop3A_269 = arith.constant 0 : i32
        %parallel_loop3A_270 = arith.cmpi slt, %parallel_loop3A_263, %parallel_loop3A_269 : i32
        %parallel_loop3A_271 = arith.extui %parallel_loop3A_270 : i1 to i32
        %parallel_loop3A_272 = arith.subi %parallel_loop3A_268, %parallel_loop3A_271 : i32
        %parallel_loop3A_273 = arith.constant 0 : i32
        %parallel_loop3A_274 = arith.cmpi sgt, %parallel_loop3A_264, %parallel_loop3A_273 : i32
        %parallel_loop3A_275 = arith.extui %parallel_loop3A_274 : i1 to i32
        %parallel_loop3A_276 = arith.constant 0 : i32
        %parallel_loop3A_277 = arith.cmpi slt, %parallel_loop3A_264, %parallel_loop3A_276 : i32
        %parallel_loop3A_278 = arith.extui %parallel_loop3A_277 : i1 to i32
        %parallel_loop3A_279 = arith.subi %parallel_loop3A_275, %parallel_loop3A_278 : i32
        %parallel_loop3A_280 = arith.cmpi ne, %parallel_loop3A_272, %parallel_loop3A_279 : i32
        %parallel_loop3A_281 = arith.remsi %parallel_loop3A_263, %parallel_loop3A_264 : i32
        %parallel_loop3A_282 = arith.constant 0 : i32
        %parallel_loop3A_283 = arith.cmpi ne, %parallel_loop3A_281, %parallel_loop3A_282 : i32
        %parallel_loop3A_284 = arith.andi %parallel_loop3A_280, %parallel_loop3A_283 : i1
        %parallel_loop3A_285 = arith.constant 1 : i32
        %parallel_loop3A_286 = arith.subi %parallel_loop3A_265, %parallel_loop3A_285 : i32
        %parallel_loop3A_287 = arith.select %parallel_loop3A_284, %parallel_loop3A_286, %parallel_loop3A_265 : i32
        %parallel_loop3A_288 = arith.constant 16 : i32
        %parallel_loop3A_289 = arith.muli %parallel_loop3A_287, %parallel_loop3A_288 : i32
        %parallel_loop3A_290 = arith.index_cast %parallel_loop3A_289 : i32 to index
        %parallel_loop3A_291 = tpu.vector_load %arg9[%parallel_loop3A_290] {strides = array<i32>} : memref<2000xf32, #tpu.memory_space<vmem>>, vector<16xf32>,
        %parallel_loop3A_292 = vector.shape_cast %parallel_loop3A_291 : vector<16xf32> to vector<16xf32>
        %parallel_loop3A_293 = arith.subi %parallel_loop3A_263, %parallel_loop3A_289 : i32
        %parallel_loop3A_294 = vector.broadcast %parallel_loop3A_293 : i32 to vector<16xi32>
        %parallel_loop3A_295 = arith.constant 0 : i32
        %parallel_loop3A_296 = vector.broadcast %parallel_loop3A_295 : i32 to vector<16xi32>
        %parallel_loop3A_297 = arith.cmpi slt, %parallel_loop3A_294, %parallel_loop3A_296 : vector<16xi32>
        %parallel_loop3A_298 = arith.constant 16 : i32
        %parallel_loop3A_299 = vector.broadcast %parallel_loop3A_298 : i32 to vector<16xi32>
        %parallel_loop3A_300 = arith.addi %parallel_loop3A_294, %parallel_loop3A_299 : vector<16xi32>
        %parallel_loop3A_301 = arith.select %parallel_loop3A_297, %parallel_loop3A_300, %parallel_loop3A_294 : vector<16xi1>, vector<16xi32>
        %parallel_loop3A_302 = vector.shape_cast %parallel_loop3A_301 : vector<16xi32> to vector<16x1xi32>
        %parallel_loop3A_303 = vector.shape_cast %parallel_loop3A_302 : vector<16x1xi32> to vector<16xi32>
        %parallel_loop3A_304 = tpu.dynamic_gather %parallel_loop3A_292[%parallel_loop3A_303] in [0] : vector<16xf32>, vector<16xi32> -> vector<16xf32>
        %parallel_loop3A_305 = arith.index_cast %select_n3A_154 : i32 to index
        %parallel_loop3A_306 = arith.index_cast %parallel_loop3A_260 : i32 to index
        %parallel_loop3A_307 = arith.constant 0 : index
        %parallel_loop3A_308 = tpu.vector_load %arg10[%parallel_loop3A_305, %parallel_loop3A_306, %parallel_loop3A_307] {strides = array<i32>} : memref<2x125x128xf32, #tpu.memory_space<vmem>>, vector<1x1x16xf32>,
        %parallel_loop3A_309 = vector.shape_cast %parallel_loop3A_308 : vector<1x1x16xf32> to vector<16xf32>
        %parallel_loop3A_310 = arith.mulf %parallel_loop3A_309, %parallel_loop3A_304 : vector<16xf32>
        %parallel_loop3A_311 = arith.index_cast %select_n3A_154 : i32 to index
        %parallel_loop3A_312 = arith.index_cast %parallel_loop3A_260 : i32 to index
        %parallel_loop3A_313 = arith.constant 0 : index
        %parallel_loop3A_314 = tpu.vector_load %arg10[%parallel_loop3A_311, %parallel_loop3A_312, %parallel_loop3A_313] {strides = array<i32>} : memref<2x125x128xf32, #tpu.memory_space<vmem>>, vector<1x1x16xf32>,
        %parallel_loop3A_315 = vector.shape_cast %parallel_loop3A_314 : vector<1x1x16xf32> to vector<16xf32>
        %parallel_loop3A_316 = vector.shape_cast %parallel_loop3A_310 : vector<16xf32> to vector<1x1x16xf32>
        tpu.vector_store %arg10[%parallel_loop3A_311, %parallel_loop3A_312, %parallel_loop3A_313], %parallel_loop3A_316 {strides = array<i32>} : memref<2x125x128xf32, #tpu.memory_space<vmem>>, vector<1x1x16xf32>,
        %parallel_loop3A_317 = arith.index_cast %select_n3A_154 : i32 to index
        %parallel_loop3A_318 = arith.index_cast %parallel_loop3A_260 : i32 to index
        %parallel_loop3A_319 = arith.constant 16 : index
        %parallel_loop3A_320 = tpu.vector_load %arg10[%parallel_loop3A_317, %parallel_loop3A_318, %parallel_loop3A_319] {strides = array<i32>} : memref<2x125x128xf32, #tpu.memory_space<vmem>>, vector<1x1x16xf32>,
        %parallel_loop3A_321 = vector.shape_cast %parallel_loop3A_320 : vector<1x1x16xf32> to vector<16xf32>
        %parallel_loop3A_322 = arith.mulf %parallel_loop3A_321, %parallel_loop3A_304 : vector<16xf32>
        %parallel_loop3A_323 = arith.index_cast %select_n3A_154 : i32 to index
        %parallel_loop3A_324 = arith.index_cast %parallel_loop3A_260 : i32 to index
        %parallel_loop3A_325 = arith.constant 16 : index
        %parallel_loop3A_326 = tpu.vector_load %arg10[%parallel_loop3A_323, %parallel_loop3A_324, %parallel_loop3A_325] {strides = array<i32>} : memref<2x125x128xf32, #tpu.memory_space<vmem>>, vector<1x1x16xf32>,
        %parallel_loop3A_327 = vector.shape_cast %parallel_loop3A_326 : vector<1x1x16xf32> to vector<16xf32>
        %parallel_loop3A_328 = vector.shape_cast %parallel_loop3A_322 : vector<16xf32> to vector<1x1x16xf32>
        tpu.vector_store %arg10[%parallel_loop3A_323, %parallel_loop3A_324, %parallel_loop3A_325], %parallel_loop3A_328 {strides = array<i32>} : memref<2x125x128xf32, #tpu.memory_space<vmem>>, vector<1x1x16xf32>,
        %parallel_loop3A_329 = arith.index_cast %select_n3A_154 : i32 to index
        %parallel_loop3A_330 = arith.index_cast %parallel_loop3A_260 : i32 to index
        %parallel_loop3A_331 = arith.constant 32 : index
        %parallel_loop3A_332 = tpu.vector_load %arg10[%parallel_loop3A_329, %parallel_loop3A_330, %parallel_loop3A_331] {strides = array<i32>} : memref<2x125x128xf32, #tpu.memory_space<vmem>>, vector<1x1x16xf32>,
        %parallel_loop3A_333 = vector.shape_cast %parallel_loop3A_332 : vector<1x1x16xf32> to vector<16xf32>
        %parallel_loop3A_334 = arith.mulf %parallel_loop3A_333, %parallel_loop3A_304 : vector<16xf32>
        %parallel_loop3A_335 = arith.index_cast %select_n3A_154 : i32 to index
        %parallel_loop3A_336 = arith.index_cast %parallel_loop3A_260 : i32 to index
        %parallel_loop3A_337 = arith.constant 32 : index
        %parallel_loop3A_338 = tpu.vector_load %arg10[%parallel_loop3A_335, %parallel_loop3A_336, %parallel_loop3A_337] {strides = array<i32>} : memref<2x125x128xf32, #tpu.memory_space<vmem>>, vector<1x1x16xf32>,
        %parallel_loop3A_339 = vector.shape_cast %parallel_loop3A_338 : vector<1x1x16xf32> to vector<16xf32>
        %parallel_loop3A_340 = vector.shape_cast %parallel_loop3A_334 : vector<16xf32> to vector<1x1x16xf32>
        tpu.vector_store %arg10[%parallel_loop3A_335, %parallel_loop3A_336, %parallel_loop3A_337], %parallel_loop3A_340 {strides = array<i32>} : memref<2x125x128xf32, #tpu.memory_space<vmem>>, vector<1x1x16xf32>,
        %parallel_loop3A_341 = arith.index_cast %select_n3A_154 : i32 to index
        %parallel_loop3A_342 = arith.index_cast %parallel_loop3A_260 : i32 to index
        %parallel_loop3A_343 = arith.constant 48 : index
        %parallel_loop3A_344 = tpu.vector_load %arg10[%parallel_loop3A_341, %parallel_loop3A_342, %parallel_loop3A_343] {strides = array<i32>} : memref<2x125x128xf32, #tpu.memory_space<vmem>>, vector<1x1x16xf32>,
        %parallel_loop3A_345 = vector.shape_cast %parallel_loop3A_344 : vector<1x1x16xf32> to vector<16xf32>
        %parallel_loop3A_346 = arith.mulf %parallel_loop3A_345, %parallel_loop3A_304 : vector<16xf32>
        %parallel_loop3A_347 = arith.index_cast %select_n3A_154 : i32 to index
        %parallel_loop3A_348 = arith.index_cast %parallel_loop3A_260 : i32 to index
        %parallel_loop3A_349 = arith.constant 48 : index
        %parallel_loop3A_350 = tpu.vector_load %arg10[%parallel_loop3A_347, %parallel_loop3A_348, %parallel_loop3A_349] {strides = array<i32>} : memref<2x125x128xf32, #tpu.memory_space<vmem>>, vector<1x1x16xf32>,
        %parallel_loop3A_351 = vector.shape_cast %parallel_loop3A_350 : vector<1x1x16xf32> to vector<16xf32>
        %parallel_loop3A_352 = vector.shape_cast %parallel_loop3A_346 : vector<16xf32> to vector<1x1x16xf32>
        tpu.vector_store %arg10[%parallel_loop3A_347, %parallel_loop3A_348, %parallel_loop3A_349], %parallel_loop3A_352 {strides = array<i32>} : memref<2x125x128xf32, #tpu.memory_space<vmem>>, vector<1x1x16xf32>,
        %parallel_loop3A_353 = arith.index_cast %select_n3A_154 : i32 to index
        %parallel_loop3A_354 = arith.index_cast %parallel_loop3A_260 : i32 to index
        %parallel_loop3A_355 = arith.constant 64 : index
        %parallel_loop3A_356 = tpu.vector_load %arg10[%parallel_loop3A_353, %parallel_loop3A_354, %parallel_loop3A_355] {strides = array<i32>} : memref<2x125x128xf32, #tpu.memory_space<vmem>>, vector<1x1x16xf32>,
        %parallel_loop3A_357 = vector.shape_cast %parallel_loop3A_356 : vector<1x1x16xf32> to vector<16xf32>
        %parallel_loop3A_358 = arith.mulf %parallel_loop3A_357, %parallel_loop3A_304 : vector<16xf32>
        %parallel_loop3A_359 = arith.index_cast %select_n3A_154 : i32 to index
        %parallel_loop3A_360 = arith.index_cast %parallel_loop3A_260 : i32 to index
        %parallel_loop3A_361 = arith.constant 64 : index
        %parallel_loop3A_362 = tpu.vector_load %arg10[%parallel_loop3A_359, %parallel_loop3A_360, %parallel_loop3A_361] {strides = array<i32>} : memref<2x125x128xf32, #tpu.memory_space<vmem>>, vector<1x1x16xf32>,
        %parallel_loop3A_363 = vector.shape_cast %parallel_loop3A_362 : vector<1x1x16xf32> to vector<16xf32>
        %parallel_loop3A_364 = vector.shape_cast %parallel_loop3A_358 : vector<16xf32> to vector<1x1x16xf32>
        tpu.vector_store %arg10[%parallel_loop3A_359, %parallel_loop3A_360, %parallel_loop3A_361], %parallel_loop3A_364 {strides = array<i32>} : memref<2x125x128xf32, #tpu.memory_space<vmem>>, vector<1x1x16xf32>,
        %parallel_loop3A_365 = arith.index_cast %select_n3A_154 : i32 to index
        %parallel_loop3A_366 = arith.index_cast %parallel_loop3A_260 : i32 to index
        %parallel_loop3A_367 = arith.constant 80 : index
        %parallel_loop3A_368 = tpu.vector_load %arg10[%parallel_loop3A_365, %parallel_loop3A_366, %parallel_loop3A_367] {strides = array<i32>} : memref<2x125x128xf32, #tpu.memory_space<vmem>>, vector<1x1x16xf32>,
        %parallel_loop3A_369 = vector.shape_cast %parallel_loop3A_368 : vector<1x1x16xf32> to vector<16xf32>
        %parallel_loop3A_370 = arith.mulf %parallel_loop3A_369, %parallel_loop3A_304 : vector<16xf32>
        %parallel_loop3A_371 = arith.index_cast %select_n3A_154 : i32 to index
        %parallel_loop3A_372 = arith.index_cast %parallel_loop3A_260 : i32 to index
        %parallel_loop3A_373 = arith.constant 80 : index
        %parallel_loop3A_374 = tpu.vector_load %arg10[%parallel_loop3A_371, %parallel_loop3A_372, %parallel_loop3A_373] {strides = array<i32>} : memref<2x125x128xf32, #tpu.memory_space<vmem>>, vector<1x1x16xf32>,
        %parallel_loop3A_375 = vector.shape_cast %parallel_loop3A_374 : vector<1x1x16xf32> to vector<16xf32>
        %parallel_loop3A_376 = vector.shape_cast %parallel_loop3A_370 : vector<16xf32> to vector<1x1x16xf32>
        tpu.vector_store %arg10[%parallel_loop3A_371, %parallel_loop3A_372, %parallel_loop3A_373], %parallel_loop3A_376 {strides = array<i32>} : memref<2x125x128xf32, #tpu.memory_space<vmem>>, vector<1x1x16xf32>,
        %parallel_loop3A_377 = arith.index_cast %select_n3A_154 : i32 to index
        %parallel_loop3A_378 = arith.index_cast %parallel_loop3A_260 : i32 to index
        %parallel_loop3A_379 = arith.constant 96 : index
        %parallel_loop3A_380 = tpu.vector_load %arg10[%parallel_loop3A_377, %parallel_loop3A_378, %parallel_loop3A_379] {strides = array<i32>} : memref<2x125x128xf32, #tpu.memory_space<vmem>>, vector<1x1x16xf32>,
        %parallel_loop3A_381 = vector.shape_cast %parallel_loop3A_380 : vector<1x1x16xf32> to vector<16xf32>
        %parallel_loop3A_382 = arith.mulf %parallel_loop3A_381, %parallel_loop3A_304 : vector<16xf32>
        %parallel_loop3A_383 = arith.index_cast %select_n3A_154 : i32 to index
        %parallel_loop3A_384 = arith.index_cast %parallel_loop3A_260 : i32 to index
        %parallel_loop3A_385 = arith.constant 96 : index
        %parallel_loop3A_386 = tpu.vector_load %arg10[%parallel_loop3A_383, %parallel_loop3A_384, %parallel_loop3A_385] {strides = array<i32>} : memref<2x125x128xf32, #tpu.memory_space<vmem>>, vector<1x1x16xf32>,
        %parallel_loop3A_387 = vector.shape_cast %parallel_loop3A_386 : vector<1x1x16xf32> to vector<16xf32>
        %parallel_loop3A_388 = vector.shape_cast %parallel_loop3A_382 : vector<16xf32> to vector<1x1x16xf32>
        tpu.vector_store %arg10[%parallel_loop3A_383, %parallel_loop3A_384, %parallel_loop3A_385], %parallel_loop3A_388 {strides = array<i32>} : memref<2x125x128xf32, #tpu.memory_space<vmem>>, vector<1x1x16xf32>,
        %parallel_loop3A_389 = arith.index_cast %select_n3A_154 : i32 to index
        %parallel_loop3A_390 = arith.index_cast %parallel_loop3A_260 : i32 to index
        %parallel_loop3A_391 = arith.constant 112 : index
        %parallel_loop3A_392 = tpu.vector_load %arg10[%parallel_loop3A_389, %parallel_loop3A_390, %parallel_loop3A_391] {strides = array<i32>} : memref<2x125x128xf32, #tpu.memory_space<vmem>>, vector<1x1x16xf32>,
        %parallel_loop3A_393 = vector.shape_cast %parallel_loop3A_392 : vector<1x1x16xf32> to vector<16xf32>
        %parallel_loop3A_394 = arith.mulf %parallel_loop3A_393, %parallel_loop3A_304 : vector<16xf32>
        %parallel_loop3A_395 = arith.index_cast %select_n3A_154 : i32 to index
        %parallel_loop3A_396 = arith.index_cast %parallel_loop3A_260 : i32 to index
        %parallel_loop3A_397 = arith.constant 112 : index
        %parallel_loop3A_398 = tpu.vector_load %arg10[%parallel_loop3A_395, %parallel_loop3A_396, %parallel_loop3A_397] {strides = array<i32>} : memref<2x125x128xf32, #tpu.memory_space<vmem>>, vector<1x1x16xf32>,
        %parallel_loop3A_399 = vector.shape_cast %parallel_loop3A_398 : vector<1x1x16xf32> to vector<16xf32>
        %parallel_loop3A_400 = vector.shape_cast %parallel_loop3A_394 : vector<16xf32> to vector<1x1x16xf32>
        tpu.vector_store %arg10[%parallel_loop3A_395, %parallel_loop3A_396, %parallel_loop3A_397], %parallel_loop3A_400 {strides = array<i32>} : memref<2x125x128xf32, #tpu.memory_space<vmem>>, vector<1x1x16xf32>,
      } {sc.loop_unroll_factor = 2 : i64, sc.parallel_access}
      %dma_start3A_250 = arith.constant 0 : i32
      %dma_start3A_251 = arith.constant 0 : i32
      %dma_start3A_252 = tpu.memref_slice %arg10[%select_n3A_154, %dma_start3A_250, %dma_start3A_251] : memref<2x125x128xf32, #tpu.memory_space<vmem>> -> memref<1x125x128xf32, #tpu.memory_space<vmem>>
      %dma_start3A_253 = tpu.memref_squeeze %dma_start3A_252 : memref<1x125x128xf32, #tpu.memory_space<vmem>> -> memref<125x128xf32, #tpu.memory_space<vmem>>
      %dma_start3A_254 = arith.constant 0 : i32
      %dma_start3A_255 = tpu.memref_slice %arg8[%select_n3A_210, %select_n3A_170, %dma_start3A_254] : memref<2x16x125xi32, #tpu.memory_space<vmem>> -> memref<1x1x125xi32, #tpu.memory_space<vmem>>
      %dma_start3A_256 = tpu.memref_squeeze %dma_start3A_255 : memref<1x1x125xi32, #tpu.memory_space<vmem>> -> memref<125xi32, #tpu.memory_space<vmem>>
      %dma_start3A_257 = arith.constant 0 : i32
      %dma_start3A_258 = arith.constant 0 : i32
      %dma_start3A_259 = tpu.memref_slice %arg11[%dma_start3A_257, %dma_start3A_258] : memref<10000x128xf32, #tpu.memory_space<vmem_shared>> -> memref<10000x128xf32, #tpu.memory_space<vmem_shared>>
      tpu.enqueue_indirect_dma source(%dma_start3A_253 : memref<125x128xf32, #tpu.memory_space<vmem>>) target(%dma_start3A_259 : memref<10000x128xf32, #tpu.memory_space<vmem_shared>>) offsets(%dma_start3A_256 : memref<125xi32, #tpu.memory_space<vmem>>) semaphore(%arg13 : memref<!tpu.dma_semaphore, #tpu.memory_space<semaphore_mem>>) {add = true}
    }
    %scan3A_75 = arith.constant 15 : i32
    %dma_wait3A = arith.constant 79 : i32
    %dma_wait3A_76 = arith.constant 1 : i32
    %dma_wait3A_77 = arith.constant 0 : i32
    %dma_wait3A_78 = arith.constant 0 : i32
    %dma_wait3A_79 = tpu.memref_slice %arg10[%dma_wait3A_76, %dma_wait3A_77, %dma_wait3A_78] : memref<2x125x128xf32, #tpu.memory_space<vmem>> -> memref<1x125x128xf32, #tpu.memory_space<vmem>>
    %dma_wait3A_80 = tpu.memref_squeeze %dma_wait3A_79 : memref<1x125x128xf32, #tpu.memory_space<vmem>> -> memref<125x128xf32, #tpu.memory_space<vmem>>
    %dma_wait3A_81 = arith.constant 0 : i32
    %dma_wait3A_82 = tpu.memref_slice %arg7[%dma_wait3A, %dma_wait3A_81] : memref<80x125xi32, #tpu.memory_space<vmem>> -> memref<1x125xi32, #tpu.memory_space<vmem>>
    %dma_wait3A_83 = tpu.memref_squeeze %dma_wait3A_82 : memref<1x125xi32, #tpu.memory_space<vmem>> -> memref<125xi32, #tpu.memory_space<vmem>>
    %dma_wait3A_84 = arith.constant 0 : i32
    %dma_wait3A_85 = arith.constant 0 : i32
    %dma_wait3A_86 = tpu.memref_slice %arg2[%dma_wait3A_84, %dma_wait3A_85] : memref<20000x128xf32, #tpu.memory_space<hbm>> -> memref<20000x128xf32, #tpu.memory_space<hbm>>
    tpu.wait_indirect_dma semaphore(%arg12 : memref<!tpu.dma_semaphore, #tpu.memory_space<semaphore_mem>>) src(%dma_wait3A_86 : memref<20000x128xf32, #tpu.memory_space<hbm>>) dst(%dma_wait3A_80 : memref<125x128xf32, #tpu.memory_space<vmem>>)
    %dma_wait3A_87 = arith.constant 0 : i32
    %dma_wait3A_88 = arith.constant 0 : i32
    %dma_wait3A_89 = arith.constant 15 : i32
    %dma_wait3A_90 = arith.constant 0 : i32
    %dma_wait3A_91 = arith.constant 0 : i32
    %dma_wait3A_92 = tpu.memref_slice %arg10[%dma_wait3A_87, %dma_wait3A_90, %dma_wait3A_91] : memref<2x125x128xf32, #tpu.memory_space<vmem>> -> memref<1x125x128xf32, #tpu.memory_space<vmem>>
    %dma_wait3A_93 = tpu.memref_squeeze %dma_wait3A_92 : memref<1x125x128xf32, #tpu.memory_space<vmem>> -> memref<125x128xf32, #tpu.memory_space<vmem>>
    %dma_wait3A_94 = arith.constant 0 : i32
    %dma_wait3A_95 = tpu.memref_slice %arg8[%dma_wait3A_88, %dma_wait3A_89, %dma_wait3A_94] : memref<2x16x125xi32, #tpu.memory_space<vmem>> -> memref<1x1x125xi32, #tpu.memory_space<vmem>>
    %dma_wait3A_96 = tpu.memref_squeeze %dma_wait3A_95 : memref<1x1x125xi32, #tpu.memory_space<vmem>> -> memref<125xi32, #tpu.memory_space<vmem>>
    %dma_wait3A_97 = arith.constant 0 : i32
    %dma_wait3A_98 = arith.constant 0 : i32
    %dma_wait3A_99 = tpu.memref_slice %arg11[%dma_wait3A_97, %dma_wait3A_98] : memref<10000x128xf32, #tpu.memory_space<vmem_shared>> -> memref<10000x128xf32, #tpu.memory_space<vmem_shared>>
    tpu.wait_indirect_dma semaphore(%arg13 : memref<!tpu.dma_semaphore, #tpu.memory_space<semaphore_mem>>) src(%dma_wait3A_93 : memref<125x128xf32, #tpu.memory_space<vmem>>) dst(%dma_wait3A_99 : memref<10000x128xf32, #tpu.memory_space<vmem_shared>>)
    %parallel_loop3A = arith.constant 0 : i32
    %parallel_loop3A_100 = arith.constant 125 : i32
    %parallel_loop3A_101 = arith.constant 1 : i32
    scf.for %parallel_loop3A_139 = %parallel_loop3A to %parallel_loop3A_100 step %parallel_loop3A_101  : i32 {
      %parallel_loop3A_140 = arith.constant 1875 : i32
      %parallel_loop3A_141 = arith.addi %parallel_loop3A_140, %parallel_loop3A_139 : i32
      %parallel_loop3A_142 = arith.constant 16 : i32
      %parallel_loop3A_143 = arith.divsi %parallel_loop3A_141, %parallel_loop3A_142 : i32
      %parallel_loop3A_144 = arith.constant 0 : i32
      %parallel_loop3A_145 = arith.cmpi sgt, %parallel_loop3A_141, %parallel_loop3A_144 : i32
      %parallel_loop3A_146 = arith.extui %parallel_loop3A_145 : i1 to i32
      %parallel_loop3A_147 = arith.constant 0 : i32
      %parallel_loop3A_148 = arith.cmpi slt, %parallel_loop3A_141, %parallel_loop3A_147 : i32
      %parallel_loop3A_149 = arith.extui %parallel_loop3A_148 : i1 to i32
      %parallel_loop3A_150 = arith.subi %parallel_loop3A_146, %parallel_loop3A_149 : i32
      %parallel_loop3A_151 = arith.constant 0 : i32
      %parallel_loop3A_152 = arith.cmpi sgt, %parallel_loop3A_142, %parallel_loop3A_151 : i32
      %parallel_loop3A_153 = arith.extui %parallel_loop3A_152 : i1 to i32
      %parallel_loop3A_154 = arith.constant 0 : i32
      %parallel_loop3A_155 = arith.cmpi slt, %parallel_loop3A_142, %parallel_loop3A_154 : i32
      %parallel_loop3A_156 = arith.extui %parallel_loop3A_155 : i1 to i32
      %parallel_loop3A_157 = arith.subi %parallel_loop3A_153, %parallel_loop3A_156 : i32
      %parallel_loop3A_158 = arith.cmpi ne, %parallel_loop3A_150, %parallel_loop3A_157 : i32
      %parallel_loop3A_159 = arith.remsi %parallel_loop3A_141, %parallel_loop3A_142 : i32
      %parallel_loop3A_160 = arith.constant 0 : i32
      %parallel_loop3A_161 = arith.cmpi ne, %parallel_loop3A_159, %parallel_loop3A_160 : i32
      %parallel_loop3A_162 = arith.andi %parallel_loop3A_158, %parallel_loop3A_161 : i1
      %parallel_loop3A_163 = arith.constant 1 : i32
      %parallel_loop3A_164 = arith.subi %parallel_loop3A_143, %parallel_loop3A_163 : i32
      %parallel_loop3A_165 = arith.select %parallel_loop3A_162, %parallel_loop3A_164, %parallel_loop3A_143 : i32
      %parallel_loop3A_166 = arith.constant 16 : i32
      %parallel_loop3A_167 = arith.muli %parallel_loop3A_165, %parallel_loop3A_166 : i32
      %parallel_loop3A_168 = arith.index_cast %parallel_loop3A_167 : i32 to index
      %parallel_loop3A_169 = tpu.vector_load %arg9[%parallel_loop3A_168] {strides = array<i32>} : memref<2000xf32, #tpu.memory_space<vmem>>, vector<16xf32>,
      %parallel_loop3A_170 = vector.shape_cast %parallel_loop3A_169 : vector<16xf32> to vector<16xf32>
      %parallel_loop3A_171 = arith.subi %parallel_loop3A_141, %parallel_loop3A_167 : i32
      %parallel_loop3A_172 = vector.broadcast %parallel_loop3A_171 : i32 to vector<16xi32>
      %parallel_loop3A_173 = arith.constant 0 : i32
      %parallel_loop3A_174 = vector.broadcast %parallel_loop3A_173 : i32 to vector<16xi32>
      %parallel_loop3A_175 = arith.cmpi slt, %parallel_loop3A_172, %parallel_loop3A_174 : vector<16xi32>
      %parallel_loop3A_176 = arith.constant 16 : i32
      %parallel_loop3A_177 = vector.broadcast %parallel_loop3A_176 : i32 to vector<16xi32>
      %parallel_loop3A_178 = arith.addi %parallel_loop3A_172, %parallel_loop3A_177 : vector<16xi32>
      %parallel_loop3A_179 = arith.select %parallel_loop3A_175, %parallel_loop3A_178, %parallel_loop3A_172 : vector<16xi1>, vector<16xi32>
      %parallel_loop3A_180 = vector.shape_cast %parallel_loop3A_179 : vector<16xi32> to vector<16x1xi32>
      %parallel_loop3A_181 = vector.shape_cast %parallel_loop3A_180 : vector<16x1xi32> to vector<16xi32>
      %parallel_loop3A_182 = tpu.dynamic_gather %parallel_loop3A_170[%parallel_loop3A_181] in [0] : vector<16xf32>, vector<16xi32> -> vector<16xf32>
      %parallel_loop3A_183 = arith.constant 1 : i32
      %parallel_loop3A_184 = arith.index_cast %parallel_loop3A_183 : i32 to index
      %parallel_loop3A_185 = arith.index_cast %parallel_loop3A_139 : i32 to index
      %parallel_loop3A_186 = arith.constant 0 : index
      %parallel_loop3A_187 = tpu.vector_load %arg10[%parallel_loop3A_184, %parallel_loop3A_185, %parallel_loop3A_186] {strides = array<i32>} : memref<2x125x128xf32, #tpu.memory_space<vmem>>, vector<1x1x16xf32>,
      %parallel_loop3A_188 = vector.shape_cast %parallel_loop3A_187 : vector<1x1x16xf32> to vector<16xf32>
      %parallel_loop3A_189 = arith.mulf %parallel_loop3A_188, %parallel_loop3A_182 : vector<16xf32>
      %parallel_loop3A_190 = arith.constant 1 : i32
      %parallel_loop3A_191 = arith.index_cast %parallel_loop3A_190 : i32 to index
      %parallel_loop3A_192 = arith.index_cast %parallel_loop3A_139 : i32 to index
      %parallel_loop3A_193 = arith.constant 0 : index
      %parallel_loop3A_194 = tpu.vector_load %arg10[%parallel_loop3A_191, %parallel_loop3A_192, %parallel_loop3A_193] {strides = array<i32>} : memref<2x125x128xf32, #tpu.memory_space<vmem>>, vector<1x1x16xf32>,
      %parallel_loop3A_195 = vector.shape_cast %parallel_loop3A_194 : vector<1x1x16xf32> to vector<16xf32>
      %parallel_loop3A_196 = vector.shape_cast %parallel_loop3A_189 : vector<16xf32> to vector<1x1x16xf32>
      tpu.vector_store %arg10[%parallel_loop3A_191, %parallel_loop3A_192, %parallel_loop3A_193], %parallel_loop3A_196 {strides = array<i32>} : memref<2x125x128xf32, #tpu.memory_space<vmem>>, vector<1x1x16xf32>,
      %parallel_loop3A_197 = arith.constant 1 : i32
      %parallel_loop3A_198 = arith.index_cast %parallel_loop3A_197 : i32 to index
      %parallel_loop3A_199 = arith.index_cast %parallel_loop3A_139 : i32 to index
      %parallel_loop3A_200 = arith.constant 16 : index
      %parallel_loop3A_201 = tpu.vector_load %arg10[%parallel_loop3A_198, %parallel_loop3A_199, %parallel_loop3A_200] {strides = array<i32>} : memref<2x125x128xf32, #tpu.memory_space<vmem>>, vector<1x1x16xf32>,
      %parallel_loop3A_202 = vector.shape_cast %parallel_loop3A_201 : vector<1x1x16xf32> to vector<16xf32>
      %parallel_loop3A_203 = arith.mulf %parallel_loop3A_202, %parallel_loop3A_182 : vector<16xf32>
      %parallel_loop3A_204 = arith.constant 1 : i32
      %parallel_loop3A_205 = arith.index_cast %parallel_loop3A_204 : i32 to index
      %parallel_loop3A_206 = arith.index_cast %parallel_loop3A_139 : i32 to index
      %parallel_loop3A_207 = arith.constant 16 : index
      %parallel_loop3A_208 = tpu.vector_load %arg10[%parallel_loop3A_205, %parallel_loop3A_206, %parallel_loop3A_207] {strides = array<i32>} : memref<2x125x128xf32, #tpu.memory_space<vmem>>, vector<1x1x16xf32>,
      %parallel_loop3A_209 = vector.shape_cast %parallel_loop3A_208 : vector<1x1x16xf32> to vector<16xf32>
      %parallel_loop3A_210 = vector.shape_cast %parallel_loop3A_203 : vector<16xf32> to vector<1x1x16xf32>
      tpu.vector_store %arg10[%parallel_loop3A_205, %parallel_loop3A_206, %parallel_loop3A_207], %parallel_loop3A_210 {strides = array<i32>} : memref<2x125x128xf32, #tpu.memory_space<vmem>>, vector<1x1x16xf32>,
      %parallel_loop3A_211 = arith.constant 1 : i32
      %parallel_loop3A_212 = arith.index_cast %parallel_loop3A_211 : i32 to index
      %parallel_loop3A_213 = arith.index_cast %parallel_loop3A_139 : i32 to index
      %parallel_loop3A_214 = arith.constant 32 : index
      %parallel_loop3A_215 = tpu.vector_load %arg10[%parallel_loop3A_212, %parallel_loop3A_213, %parallel_loop3A_214] {strides = array<i32>} : memref<2x125x128xf32, #tpu.memory_space<vmem>>, vector<1x1x16xf32>,
      %parallel_loop3A_216 = vector.shape_cast %parallel_loop3A_215 : vector<1x1x16xf32> to vector<16xf32>
      %parallel_loop3A_217 = arith.mulf %parallel_loop3A_216, %parallel_loop3A_182 : vector<16xf32>
      %parallel_loop3A_218 = arith.constant 1 : i32
      %parallel_loop3A_219 = arith.index_cast %parallel_loop3A_218 : i32 to index
      %parallel_loop3A_220 = arith.index_cast %parallel_loop3A_139 : i32 to index
      %parallel_loop3A_221 = arith.constant 32 : index
      %parallel_loop3A_222 = tpu.vector_load %arg10[%parallel_loop3A_219, %parallel_loop3A_220, %parallel_loop3A_221] {strides = array<i32>} : memref<2x125x128xf32, #tpu.memory_space<vmem>>, vector<1x1x16xf32>,
      %parallel_loop3A_223 = vector.shape_cast %parallel_loop3A_222 : vector<1x1x16xf32> to vector<16xf32>
      %parallel_loop3A_224 = vector.shape_cast %parallel_loop3A_217 : vector<16xf32> to vector<1x1x16xf32>
      tpu.vector_store %arg10[%parallel_loop3A_219, %parallel_loop3A_220, %parallel_loop3A_221], %parallel_loop3A_224 {strides = array<i32>} : memref<2x125x128xf32, #tpu.memory_space<vmem>>, vector<1x1x16xf32>,
      %parallel_loop3A_225 = arith.constant 1 : i32
      %parallel_loop3A_226 = arith.index_cast %parallel_loop3A_225 : i32 to index
      %parallel_loop3A_227 = arith.index_cast %parallel_loop3A_139 : i32 to index
      %parallel_loop3A_228 = arith.constant 48 : index
      %parallel_loop3A_229 = tpu.vector_load %arg10[%parallel_loop3A_226, %parallel_loop3A_227, %parallel_loop3A_228] {strides = array<i32>} : memref<2x125x128xf32, #tpu.memory_space<vmem>>, vector<1x1x16xf32>,
      %parallel_loop3A_230 = vector.shape_cast %parallel_loop3A_229 : vector<1x1x16xf32> to vector<16xf32>
      %parallel_loop3A_231 = arith.mulf %parallel_loop3A_230, %parallel_loop3A_182 : vector<16xf32>
      %parallel_loop3A_232 = arith.constant 1 : i32
      %parallel_loop3A_233 = arith.index_cast %parallel_loop3A_232 : i32 to index
      %parallel_loop3A_234 = arith.index_cast %parallel_loop3A_139 : i32 to index
      %parallel_loop3A_235 = arith.constant 48 : index
      %parallel_loop3A_236 = tpu.vector_load %arg10[%parallel_loop3A_233, %parallel_loop3A_234, %parallel_loop3A_235] {strides = array<i32>} : memref<2x125x128xf32, #tpu.memory_space<vmem>>, vector<1x1x16xf32>,
      %parallel_loop3A_237 = vector.shape_cast %parallel_loop3A_236 : vector<1x1x16xf32> to vector<16xf32>
      %parallel_loop3A_238 = vector.shape_cast %parallel_loop3A_231 : vector<16xf32> to vector<1x1x16xf32>
      tpu.vector_store %arg10[%parallel_loop3A_233, %parallel_loop3A_234, %parallel_loop3A_235], %parallel_loop3A_238 {strides = array<i32>} : memref<2x125x128xf32, #tpu.memory_space<vmem>>, vector<1x1x16xf32>,
      %parallel_loop3A_239 = arith.constant 1 : i32
      %parallel_loop3A_240 = arith.index_cast %parallel_loop3A_239 : i32 to index
      %parallel_loop3A_241 = arith.index_cast %parallel_loop3A_139 : i32 to index
      %parallel_loop3A_242 = arith.constant 64 : index
      %parallel_loop3A_243 = tpu.vector_load %arg10[%parallel_loop3A_240, %parallel_loop3A_241, %parallel_loop3A_242] {strides = array<i32>} : memref<2x125x128xf32, #tpu.memory_space<vmem>>, vector<1x1x16xf32>,
      %parallel_loop3A_244 = vector.shape_cast %parallel_loop3A_243 : vector<1x1x16xf32> to vector<16xf32>
      %parallel_loop3A_245 = arith.mulf %parallel_loop3A_244, %parallel_loop3A_182 : vector<16xf32>
      %parallel_loop3A_246 = arith.constant 1 : i32
      %parallel_loop3A_247 = arith.index_cast %parallel_loop3A_246 : i32 to index
      %parallel_loop3A_248 = arith.index_cast %parallel_loop3A_139 : i32 to index
      %parallel_loop3A_249 = arith.constant 64 : index
      %parallel_loop3A_250 = tpu.vector_load %arg10[%parallel_loop3A_247, %parallel_loop3A_248, %parallel_loop3A_249] {strides = array<i32>} : memref<2x125x128xf32, #tpu.memory_space<vmem>>, vector<1x1x16xf32>,
      %parallel_loop3A_251 = vector.shape_cast %parallel_loop3A_250 : vector<1x1x16xf32> to vector<16xf32>
      %parallel_loop3A_252 = vector.shape_cast %parallel_loop3A_245 : vector<16xf32> to vector<1x1x16xf32>
      tpu.vector_store %arg10[%parallel_loop3A_247, %parallel_loop3A_248, %parallel_loop3A_249], %parallel_loop3A_252 {strides = array<i32>} : memref<2x125x128xf32, #tpu.memory_space<vmem>>, vector<1x1x16xf32>,
      %parallel_loop3A_253 = arith.constant 1 : i32
      %parallel_loop3A_254 = arith.index_cast %parallel_loop3A_253 : i32 to index
      %parallel_loop3A_255 = arith.index_cast %parallel_loop3A_139 : i32 to index
      %parallel_loop3A_256 = arith.constant 80 : index
      %parallel_loop3A_257 = tpu.vector_load %arg10[%parallel_loop3A_254, %parallel_loop3A_255, %parallel_loop3A_256] {strides = array<i32>} : memref<2x125x128xf32, #tpu.memory_space<vmem>>, vector<1x1x16xf32>,
      %parallel_loop3A_258 = vector.shape_cast %parallel_loop3A_257 : vector<1x1x16xf32> to vector<16xf32>
      %parallel_loop3A_259 = arith.mulf %parallel_loop3A_258, %parallel_loop3A_182 : vector<16xf32>
      %parallel_loop3A_260 = arith.constant 1 : i32
      %parallel_loop3A_261 = arith.index_cast %parallel_loop3A_260 : i32 to index
      %parallel_loop3A_262 = arith.index_cast %parallel_loop3A_139 : i32 to index
      %parallel_loop3A_263 = arith.constant 80 : index
      %parallel_loop3A_264 = tpu.vector_load %arg10[%parallel_loop3A_261, %parallel_loop3A_262, %parallel_loop3A_263] {strides = array<i32>} : memref<2x125x128xf32, #tpu.memory_space<vmem>>, vector<1x1x16xf32>,
      %parallel_loop3A_265 = vector.shape_cast %parallel_loop3A_264 : vector<1x1x16xf32> to vector<16xf32>
      %parallel_loop3A_266 = vector.shape_cast %parallel_loop3A_259 : vector<16xf32> to vector<1x1x16xf32>
      tpu.vector_store %arg10[%parallel_loop3A_261, %parallel_loop3A_262, %parallel_loop3A_263], %parallel_loop3A_266 {strides = array<i32>} : memref<2x125x128xf32, #tpu.memory_space<vmem>>, vector<1x1x16xf32>,
      %parallel_loop3A_267 = arith.constant 1 : i32
      %parallel_loop3A_268 = arith.index_cast %parallel_loop3A_267 : i32 to index
      %parallel_loop3A_269 = arith.index_cast %parallel_loop3A_139 : i32 to index
      %parallel_loop3A_270 = arith.constant 96 : index
      %parallel_loop3A_271 = tpu.vector_load %arg10[%parallel_loop3A_268, %parallel_loop3A_269, %parallel_loop3A_270] {strides = array<i32>} : memref<2x125x128xf32, #tpu.memory_space<vmem>>, vector<1x1x16xf32>,
      %parallel_loop3A_272 = vector.shape_cast %parallel_loop3A_271 : vector<1x1x16xf32> to vector<16xf32>
      %parallel_loop3A_273 = arith.mulf %parallel_loop3A_272, %parallel_loop3A_182 : vector<16xf32>
      %parallel_loop3A_274 = arith.constant 1 : i32
      %parallel_loop3A_275 = arith.index_cast %parallel_loop3A_274 : i32 to index
      %parallel_loop3A_276 = arith.index_cast %parallel_loop3A_139 : i32 to index
      %parallel_loop3A_277 = arith.constant 96 : index
      %parallel_loop3A_278 = tpu.vector_load %arg10[%parallel_loop3A_275, %parallel_loop3A_276, %parallel_loop3A_277] {strides = array<i32>} : memref<2x125x128xf32, #tpu.memory_space<vmem>>, vector<1x1x16xf32>,
      %parallel_loop3A_279 = vector.shape_cast %parallel_loop3A_278 : vector<1x1x16xf32> to vector<16xf32>
      %parallel_loop3A_280 = vector.shape_cast %parallel_loop3A_273 : vector<16xf32> to vector<1x1x16xf32>
      tpu.vector_store %arg10[%parallel_loop3A_275, %parallel_loop3A_276, %parallel_loop3A_277], %parallel_loop3A_280 {strides = array<i32>} : memref<2x125x128xf32, #tpu.memory_space<vmem>>, vector<1x1x16xf32>,
      %parallel_loop3A_281 = arith.constant 1 : i32
      %parallel_loop3A_282 = arith.index_cast %parallel_loop3A_281 : i32 to index
      %parallel_loop3A_283 = arith.index_cast %parallel_loop3A_139 : i32 to index
      %parallel_loop3A_284 = arith.constant 112 : index
      %parallel_loop3A_285 = tpu.vector_load %arg10[%parallel_loop3A_282, %parallel_loop3A_283, %parallel_loop3A_284] {strides = array<i32>} : memref<2x125x128xf32, #tpu.memory_space<vmem>>, vector<1x1x16xf32>,
      %parallel_loop3A_286 = vector.shape_cast %parallel_loop3A_285 : vector<1x1x16xf32> to vector<16xf32>
      %parallel_loop3A_287 = arith.mulf %parallel_loop3A_286, %parallel_loop3A_182 : vector<16xf32>
      %parallel_loop3A_288 = arith.constant 1 : i32
      %parallel_loop3A_289 = arith.index_cast %parallel_loop3A_288 : i32 to index
      %parallel_loop3A_290 = arith.index_cast %parallel_loop3A_139 : i32 to index
      %parallel_loop3A_291 = arith.constant 112 : index
      %parallel_loop3A_292 = tpu.vector_load %arg10[%parallel_loop3A_289, %parallel_loop3A_290, %parallel_loop3A_291] {strides = array<i32>} : memref<2x125x128xf32, #tpu.memory_space<vmem>>, vector<1x1x16xf32>,
      %parallel_loop3A_293 = vector.shape_cast %parallel_loop3A_292 : vector<1x1x16xf32> to vector<16xf32>
      %parallel_loop3A_294 = vector.shape_cast %parallel_loop3A_287 : vector<16xf32> to vector<1x1x16xf32>
      tpu.vector_store %arg10[%parallel_loop3A_289, %parallel_loop3A_290, %parallel_loop3A_291], %parallel_loop3A_294 {strides = array<i32>} : memref<2x125x128xf32, #tpu.memory_space<vmem>>, vector<1x1x16xf32>,
    } {sc.loop_unroll_factor = 2 : i64, sc.parallel_access}
    %dma_start3A_102 = arith.constant 1 : i32
    %dma_start3A_103 = arith.constant 0 : i32
    %dma_start3A_104 = arith.constant 15 : i32
    %dma_start3A_105 = arith.constant 0 : i32
    %dma_start3A_106 = arith.constant 0 : i32
    %dma_start3A_107 = tpu.memref_slice %arg10[%dma_start3A_102, %dma_start3A_105, %dma_start3A_106] : memref<2x125x128xf32, #tpu.memory_space<vmem>> -> memref<1x125x128xf32, #tpu.memory_space<vmem>>
    %dma_start3A_108 = tpu.memref_squeeze %dma_start3A_107 : memref<1x125x128xf32, #tpu.memory_space<vmem>> -> memref<125x128xf32, #tpu.memory_space<vmem>>
    %dma_start3A_109 = arith.constant 0 : i32
    %dma_start3A_110 = tpu.memref_slice %arg8[%dma_start3A_103, %dma_start3A_104, %dma_start3A_109] : memref<2x16x125xi32, #tpu.memory_space<vmem>> -> memref<1x1x125xi32, #tpu.memory_space<vmem>>
    %dma_start3A_111 = tpu.memref_squeeze %dma_start3A_110 : memref<1x1x125xi32, #tpu.memory_space<vmem>> -> memref<125xi32, #tpu.memory_space<vmem>>
    %dma_start3A_112 = arith.constant 0 : i32
    %dma_start3A_113 = arith.constant 0 : i32
    %dma_start3A_114 = tpu.memref_slice %arg11[%dma_start3A_112, %dma_start3A_113] : memref<10000x128xf32, #tpu.memory_space<vmem_shared>> -> memref<10000x128xf32, #tpu.memory_space<vmem_shared>>
    tpu.enqueue_indirect_dma source(%dma_start3A_108 : memref<125x128xf32, #tpu.memory_space<vmem>>) target(%dma_start3A_114 : memref<10000x128xf32, #tpu.memory_space<vmem_shared>>) offsets(%dma_start3A_111 : memref<125xi32, #tpu.memory_space<vmem>>) semaphore(%arg13 : memref<!tpu.dma_semaphore, #tpu.memory_space<semaphore_mem>>) {add = true}
    %dma_wait3A_115 = arith.constant 0 : i32
    %dma_wait3A_116 = arith.constant 0 : i32
    %dma_wait3A_117 = arith.constant 0 : i32
    %dma_wait3A_118 = arith.constant 0 : i32
    %dma_wait3A_119 = arith.constant 0 : i32
    %dma_wait3A_120 = tpu.memref_slice %arg10[%dma_wait3A_115, %dma_wait3A_118, %dma_wait3A_119] : memref<2x125x128xf32, #tpu.memory_space<vmem>> -> memref<1x125x128xf32, #tpu.memory_space<vmem>>
    %dma_wait3A_121 = tpu.memref_squeeze %dma_wait3A_120 : memref<1x125x128xf32, #tpu.memory_space<vmem>> -> memref<125x128xf32, #tpu.memory_space<vmem>>
    %dma_wait3A_122 = arith.constant 0 : i32
    %dma_wait3A_123 = tpu.memref_slice %arg8[%dma_wait3A_116, %dma_wait3A_117, %dma_wait3A_122] : memref<2x16x125xi32, #tpu.memory_space<vmem>> -> memref<1x1x125xi32, #tpu.memory_space<vmem>>
    %dma_wait3A_124 = tpu.memref_squeeze %dma_wait3A_123 : memref<1x1x125xi32, #tpu.memory_space<vmem>> -> memref<125xi32, #tpu.memory_space<vmem>>
    %dma_wait3A_125 = arith.constant 0 : i32
    %dma_wait3A_126 = arith.constant 0 : i32
    %dma_wait3A_127 = tpu.memref_slice %arg11[%dma_wait3A_125, %dma_wait3A_126] : memref<10000x128xf32, #tpu.memory_space<vmem_shared>> -> memref<10000x128xf32, #tpu.memory_space<vmem_shared>>
    tpu.wait_indirect_dma semaphore(%arg13 : memref<!tpu.dma_semaphore, #tpu.memory_space<semaphore_mem>>) src(%dma_wait3A_121 : memref<125x128xf32, #tpu.memory_space<vmem>>) dst(%dma_wait3A_127 : memref<10000x128xf32, #tpu.memory_space<vmem_shared>>)
    %barrier3A_128 = arith.constant 0 : index
    tpu.barrier barrier_id(%barrier3A_128)
    %while3A_129 = arith.constant 0 : i32
    %while3A_130 = arith.constant 0 : i32
    %while3A_131 = arith.subi %select_n3A_30, %while3A_130 : i32
    %while3A_132 = arith.addi %while3A_130, %while3A_131 : i32
    %while3A_133 = arith.constant 1 : i32
    %while3A_134 = arith.divsi %while3A_131, %while3A_133 : i32
    %while3A_135 = arith.muli %while3A_134, %while3A_133 : i32
    %while3A_136 = arith.addi %while3A_130, %while3A_135 : i32
    %while3A_137 = arith.constant 1 : i32
    scf.for %while3A_139 = %while3A_130 to %while3A_136 step %while3A_137  : i32 {
      %mul3A_140 = arith.constant 16 : i32
      %mul3A_141 = arith.muli %while3A_139, %mul3A_140 : i32
      %add3A_142 = arith.addi %multiple_of3A_26, %mul3A_141 : i32
      %multiple_of3A_143 = tpu.assume_multiple %add3A_142, 8 : i32
      %mul3A_144 = arith.constant 10000 : i32
      %mul3A_145 = arith.muli %arg0, %mul3A_144 : i32
      %add3A_146 = arith.addi %mul3A_145, %multiple_of3A_26 : i32
      %mul3A_147 = arith.constant 16 : i32
      %mul3A_148 = arith.muli %while3A_139, %mul3A_147 : i32
      %add3A_149 = arith.addi %add3A_146, %mul3A_148 : i32
      %multiple_of3A_150 = tpu.assume_multiple %add3A_149, 8 : i32
      "tpu.region"() ({
        %run_scoped3A_151 = tpu.sem_alloc : memref<!tpu.dma_semaphore, #tpu.memory_space<semaphore_mem>>
        %dma_start3A_152 = arith.constant 0 : i32
        %dma_start3A_153 = tpu.memref_slice %arg6[%multiple_of3A_150, %dma_start3A_152] : memref<20000x128xf32, #tpu.memory_space<hbm>> -> memref<16x128xf32, #tpu.memory_space<hbm>>
        %dma_start3A_154 = arith.constant 0 : i32
        %dma_start3A_155 = tpu.memref_slice %arg11[%multiple_of3A_143, %dma_start3A_154] : memref<10000x128xf32, #tpu.memory_space<vmem_shared>> -> memref<16x128xf32, #tpu.memory_space<vmem_shared>>
        tpu.enqueue_dma source(%dma_start3A_155 : memref<16x128xf32, #tpu.memory_space<vmem_shared>>) target(%dma_start3A_153 : memref<16x128xf32, #tpu.memory_space<hbm>>) target_semaphore(%run_scoped3A_151 : memref<!tpu.dma_semaphore, #tpu.memory_space<semaphore_mem>>)
        %dma_wait3A_156 = arith.constant 0 : i32
        %dma_wait3A_157 = tpu.memref_slice %arg6[%multiple_of3A_150, %dma_wait3A_156] : memref<20000x128xf32, #tpu.memory_space<hbm>> -> memref<16x128xf32, #tpu.memory_space<hbm>>
        %dma_wait3A_158 = arith.constant 0 : i32
        %dma_wait3A_159 = tpu.memref_slice %arg11[%multiple_of3A_143, %dma_wait3A_158] : memref<10000x128xf32, #tpu.memory_space<vmem_shared>> -> memref<16x128xf32, #tpu.memory_space<vmem_shared>>
        tpu.wait_dma2 semaphore(%run_scoped3A_151 : memref<!tpu.dma_semaphore, #tpu.memory_space<semaphore_mem>>) src(%dma_wait3A_159 : memref<16x128xf32, #tpu.memory_space<vmem_shared>>) dst(%dma_wait3A_157 : memref<16x128xf32, #tpu.memory_space<hbm>>)
        tpu.yield
      }) : () -> ()
    }
    %while3A_138 = arith.constant 1 : i32
    scf.for %while3A_139 = %while3A_136 to %while3A_132 step %while3A_138  : i32 {
      %mul3A_140 = arith.constant 16 : i32
      %mul3A_141 = arith.muli %while3A_139, %mul3A_140 : i32
      %add3A_142 = arith.addi %multiple_of3A_26, %mul3A_141 : i32
      %multiple_of3A_143 = tpu.assume_multiple %add3A_142, 8 : i32
      %mul3A_144 = arith.constant 10000 : i32
      %mul3A_145 = arith.muli %arg0, %mul3A_144 : i32
      %add3A_146 = arith.addi %mul3A_145, %multiple_of3A_26 : i32
      %mul3A_147 = arith.constant 16 : i32
      %mul3A_148 = arith.muli %while3A_139, %mul3A_147 : i32
      %add3A_149 = arith.addi %add3A_146, %mul3A_148 : i32
      %multiple_of3A_150 = tpu.assume_multiple %add3A_149, 8 : i32
      "tpu.region"() ({
        %run_scoped3A_151 = tpu.sem_alloc : memref<!tpu.dma_semaphore, #tpu.memory_space<semaphore_mem>>
        %dma_start3A_152 = arith.constant 0 : i32
        %dma_start3A_153 = tpu.memref_slice %arg6[%multiple_of3A_150, %dma_start3A_152] : memref<20000x128xf32, #tpu.memory_space<hbm>> -> memref<16x128xf32, #tpu.memory_space<hbm>>
        %dma_start3A_154 = arith.constant 0 : i32
        %dma_start3A_155 = tpu.memref_slice %arg11[%multiple_of3A_143, %dma_start3A_154] : memref<10000x128xf32, #tpu.memory_space<vmem_shared>> -> memref<16x128xf32, #tpu.memory_space<vmem_shared>>
        tpu.enqueue_dma source(%dma_start3A_155 : memref<16x128xf32, #tpu.memory_space<vmem_shared>>) target(%dma_start3A_153 : memref<16x128xf32, #tpu.memory_space<hbm>>) target_semaphore(%run_scoped3A_151 : memref<!tpu.dma_semaphore, #tpu.memory_space<semaphore_mem>>)
        %dma_wait3A_156 = arith.constant 0 : i32
        %dma_wait3A_157 = tpu.memref_slice %arg6[%multiple_of3A_150, %dma_wait3A_156] : memref<20000x128xf32, #tpu.memory_space<hbm>> -> memref<16x128xf32, #tpu.memory_space<hbm>>
        %dma_wait3A_158 = arith.constant 0 : i32
        %dma_wait3A_159 = tpu.memref_slice %arg11[%multiple_of3A_143, %dma_wait3A_158] : memref<10000x128xf32, #tpu.memory_space<vmem_shared>> -> memref<16x128xf32, #tpu.memory_space<vmem_shared>>
        tpu.wait_dma2 semaphore(%run_scoped3A_151 : memref<!tpu.dma_semaphore, #tpu.memory_space<semaphore_mem>>) src(%dma_wait3A_159 : memref<16x128xf32, #tpu.memory_space<vmem_shared>>) dst(%dma_wait3A_157 : memref<16x128xf32, #tpu.memory_space<hbm>>)
        tpu.yield
      }) : () -> ()
    }
    return
  }
}

module attributes {stable_mosaic.version = 14 : i64} {
  func.func @_mm_relu_kernel(%arg0: i32, %arg1: memref<2000x128xf32, #tpu.memory_space<vmem>>, %arg2: memref<128x128xf32, #tpu.memory_space<vmem>>, %arg3: memref<2000x128xf32, #tpu.memory_space<vmem>>) attributes {dimension_semantics = [#tpu.dimension_semantics<arbitrary>], iteration_bounds = array<i64: 10>, scalar_prefetch = 0 : i64, scratch_operands = 0 : i64, tpu.core_type = #tpu.core_type<tc>, window_params = [{transform_indices = @transform_0, window_bounds = array<i64: 2000, 128>}, {pipeline_mode = #tpu.pipeline_mode<synchronous>, transform_indices = @transform_1, window_bounds = array<i64: 128, 128>}, {transform_indices = @transform_2, window_bounds = array<i64: 2000, 128>}]} {
    %get3A = arith.constant 0 : index
    %get3A_0 = arith.constant 0 : index
    %get3A_1 = vector.load %arg1[%get3A, %get3A_0] : memref<2000x128xf32, #tpu.memory_space<vmem>>, vector<2000x128xf32>
    %get3A_2 = arith.constant 0 : index
    %get3A_3 = arith.constant 0 : index
    %get3A_4 = vector.load %arg2[%get3A_2, %get3A_3] : memref<128x128xf32, #tpu.memory_space<vmem>>, vector<128x128xf32>
    %dot_general3A = arith.constant dense<0.000000e+00> : vector<2000x128xf32>
    %dot_general3A_5 = tpu.matmul %get3A_1, %get3A_4, %dot_general3A {dimension_numbers = #tpu.dot_dimension_numbers<[1], [0], [0], [1], [0, 0, 1, 1], [], []>, transpose_lhs_hint = false} : vector<2000x128xf32>, vector<128x128xf32>, vector<2000x128xf32> -> vector<2000x128xf32>
    %max3A = arith.constant 0.000000e+00 : f32
    %max3A_6 = vector.broadcast %max3A : f32 to vector<2000x128xf32>
    %max3A_7 = arith.maximumf %dot_general3A_5, %max3A_6 : vector<2000x128xf32>
    %swap3A = arith.constant 0 : index
    %swap3A_8 = arith.constant 0 : index
    %swap3A_9 = vector.load %arg3[%swap3A, %swap3A_8] : memref<2000x128xf32, #tpu.memory_space<vmem>>, vector<2000x128xf32>
    tpu.vector_store %arg3[%swap3A, %swap3A_8], %max3A_7 {strides = array<i32>} : memref<2000x128xf32, #tpu.memory_space<vmem>>, vector<2000x128xf32>,
    return
  }
  func.func @transform_0(%arg0: i32) -> (i32, i32) {
    %c0_i32 = arith.constant 0 : i32
    %c0_i32_0 = arith.constant 0 : i32
    return %arg0, %c0_i32 : i32, i32
  }
  func.func @transform_1(%arg0: i32) -> (i32, i32) {
    %c0_i32 = arith.constant 0 : i32
    %c0_i32_0 = arith.constant 0 : i32
    %c0_i32_1 = arith.constant 0 : i32
    return %c0_i32, %c0_i32_0 : i32, i32
  }
  func.func @transform_2(%arg0: i32) -> (i32, i32) {
    %c0_i32 = arith.constant 0 : i32
    %c0_i32_0 = arith.constant 0 : i32
    return %arg0, %c0_i32 : i32, i32
  }
}

</mosaic_0001>

<sc_bundles>
// kernel: kernel.4.cloned.1.call-start
scs
__scs_entry_jumppad:
0x0: {  	(pc) =	sbr.rel $0x88, $3  }
0x1: {  	(tag) =	ssettag $0x0;
	lr =	simm.s32 $0x1  }
0x2: {  	[smem:$0x3F9D] =	sst lr;
	_ =	strace $0xD0000000  }
0x3: {  	_ = 	snop  }
0x4: {  	_ = 	snop  }
0x5: {  	_ = 	snop  }
0x6: {  	_ = 	snop  }
0x7: {  	_ = 	snop  }
__scs_overlays_trampoline_lowered:
0x8: {  	[smem:$0x3FAC] =	sst s0  }
0x9: {  	[smem:$0x3FAD] =	sst s1  }
0xa: {  	[smem:$0x3FAE] =	sst s2  }
0xb: {  	[smem:$0x3FAF] =	sst s3  }
0xc: {  	[smem:$0x3FB0] =	sst s4  }
0xd: {  	[smem:$0x3FB1] =	sst s5  }
0xe: {  	[smem:$0x3FB2] =	sst s6  }
0xf: {  	[smem:$0x3FB3] =	sst s7  }
0x10: {  	[smem:$0x3FB4] =	sst s8  }
0x11: {  	[smem:$0x3FB5] =	sst s9;
	s0 =	simm.s32 @!p0 $0x0  }
0x12: {  	s1 =	sld [smem:$0x3F9B];
	s0 =	simm.s32 @p0 $0x1  }
0x13: {  	[smem:$0x3FB6] =	sst s0;
	s0 =	simm.s32 @!p1 $0x0  }
0x14: {  	s2 =	sld [smem:$0x3F9A];
	s0 =	simm.s32 @p1 $0x1  }
0x15: {  	[smem:$0x3FB7] =	sst s0;
	s0 =	simm.s32 @!p2 $0x0  }
0x16: {  	s3 =	sld [smem:$0x3FDB];
	s0 =	simm.s32 @p2 $0x1  }
0x17: {  	s4 =	simm.s32 $0x1BF5;
	[smem:$0x3FB9] =	sst s0  }
0x18: {  	s0 =	sld [smem:$0x3F9C];
	_ =	swait.ge [sflag:s4], $0x0  }
0x19: {  	s7 =	sld [smem:$0x3F9D]  }
0x1a: {  	s8 =	sadd.s32 $0xFFFFE003, lr  }
0x1b: {  	s9 =	sadd.s32 $0xFFFFFEF7, lr;
	s5 =	simm.s32 $0xFFFFFFFF;
	p2 =	slt.u32 s8, $0xFFFFF086  }
0x1c: {  	p1 =	slt.u32 s9, $0xF7A;
	s5 =	simm.s32 @!p2 $0x0  }
0x1d: {  	s5 =	simm.s32 @p1 $0x1;
	p0 =	seq.s32 s7, s2  }
0x1e: {  	s7 =	smul.u32 @!p0 $0xF7A, s2;
	p2 =	seq.s32 @!p0 s5, $0x0  }
0x1f: {  	s9 =	smul.u32 $0xF7A, s1;
	s8 =	simm.s32 @!p0 $0x1BF5;
	p2 =	por !p2, p0  }
0x20: {  	[sflag:s8] =	ssyncset.s32 @!p0 $0xFFFFF086;
	s6 =	sadd.s32 @!p0 s3, s7;
	s7 =	simm.s32 @!p0 $0x108  }
0x21: {  	s3 =	sadd.s32 s3, s9;
	s6 =	sadd.s32 @!p0 $0x88, s6;
	s7 =	simm.s32 @p2 $0x1082  }
0x22: {  	[simem:s7], [sflag:s8] =	dma.local @!p0 [hbm:s6], $0xF7A  }
0x23: {  	s9 =	sor.u32 $0xD0000000, s2;
	s6 =	simm.s32 $0x108;
	_ =	swait.ge @!p0 [sflag:s8], $0x0  }
0x24: {  	s3 =	sadd.s32 $0x88, s3;
	s6 =	simm.s32 @!p1 $0x1082;
	[sflag:s4] =	ssyncset.s32 $0xFFFFF086  }
0x25: {  	[simem:s6], [sflag:s4] =	dma.local [hbm:s3], $0xF7A  }
0x26: {  	[smem:$0x3F9D] =	sst s1;
	(tag) =	ssettag s2;
	_ =	strace s9  }
0x27: {  	s1 =	sld [smem:$0x3FAD]  }
0x28: {  	s2 =	sld [smem:$0x3FAE]  }
0x29: {  	s4 =	sld [smem:$0x3FB0]  }
0x2a: {  	p0 =	seq.s32 s5, $0x0;
	s5 =	sld [smem:$0x3FB1]  }
0x2b: {  	s6 =	sld [smem:$0x3FB2]  }
0x2c: {  	s7 =	sld [smem:$0x3FB3]  }
0x2d: {  	s3 =	simm.s32 $0x108;
	s8 =	sld [smem:$0x3FB4]  }
0x2e: {  	s3 =	simm.s32 @!p0 $0x1082;
	s9 =	sld [smem:$0x3FB5]  }
0x2f: {  	lr =	sadd.s32 s0, s3;
	s0 =	sld [smem:$0x3FAC]  }
0x30: {  	s3 =	sld [smem:$0x3FAF]  }
0x31: {  	[smem:$0x3FB8] =	sst s10  }
0x32: {  	s10 =	sld [smem:$0x3FB6];
	_ =	sdelay $0x3  }
0x33: {  	p0 =	seq.s32 s10, $0x1;
	s10 =	sld [smem:$0x3FB8];
	_ =	sdelay $0x3  }
0x34: {  	[smem:$0x3FB8] =	sst s10  }
0x35: {  	s10 =	sld [smem:$0x3FB7];
	_ =	sdelay $0x3  }
0x36: {  	p1 =	seq.s32 s10, $0x1;
	s10 =	sld [smem:$0x3FB8];
	_ =	sdelay $0x3  }
0x37: {  	[smem:$0x3FB8] =	sst s10  }
0x38: {  	s10 =	sld [smem:$0x3FB9]  }
0x39: {  	_ = 	snop;
	(pc) =	sbr.ind lr, $3  }
0x3a: {  	_ = 	snop  }
0x3b: {  	_ = 	snop  }
0x3c: {  	p2 =	seq.s32 s10, $0x1;
	s10 =	sld [smem:$0x3FB8]  }
0x3d: {  	_ =	shalt  }
0x3e: {  	_ =	shalt  }
0x3f: {  	_ =	shalt  }
0x40: {  	_ =	shalt  }
0x41: {  	_ =	shalt  }
0x42: {  	_ =	shalt  }
0x43: {  	_ =	shalt  }
0x44: {  	_ =	shalt  }
0x45: {  	_ =	shalt  }
0x46: {  	_ =	shalt  }
0x47: {  	_ =	shalt  }
0x48: {  	_ =	shalt  }
0x49: {  	_ =	shalt  }
0x4a: {  	_ =	shalt  }
0x4b: {  	_ =	shalt  }
0x4c: {  	_ =	shalt  }
0x4d: {  	_ =	shalt  }
0x4e: {  	_ =	shalt  }
0x4f: {  	_ =	shalt  }
0x50: {  	_ =	shalt  }
0x51: {  	_ =	shalt  }
0x52: {  	_ =	shalt  }
0x53: {  	_ =	shalt  }
0x54: {  	_ =	shalt  }
0x55: {  	_ =	shalt  }
0x56: {  	_ =	shalt  }
0x57: {  	_ =	shalt  }
0x58: {  	_ =	shalt  }
0x59: {  	_ =	shalt  }
0x5a: {  	_ =	shalt  }
0x5b: {  	_ =	shalt  }
0x5c: {  	_ =	shalt  }
0x5d: {  	_ =	shalt  }
0x5e: {  	_ =	shalt  }
0x5f: {  	_ =	shalt  }
0x60: {  	_ =	shalt  }
0x61: {  	_ =	shalt  }
0x62: {  	_ =	shalt  }
0x63: {  	_ =	shalt  }
0x64: {  	_ =	shalt  }
0x65: {  	_ =	shalt  }
0x66: {  	_ =	shalt  }
0x67: {  	_ =	shalt  }
0x68: {  	_ =	shalt  }
0x69: {  	_ =	shalt  }
0x6a: {  	_ =	shalt  }
0x6b: {  	_ =	shalt  }
0x6c: {  	_ =	shalt  }
0x6d: {  	_ =	shalt  }
0x6e: {  	_ =	shalt  }
0x6f: {  	_ =	shalt  }
0x70: {  	_ =	shalt  }
0x71: {  	_ =	shalt  }
0x72: {  	_ =	shalt  }
0x73: {  	_ =	shalt  }
0x74: {  	_ =	shalt  }
0x75: {  	_ =	shalt  }
0x76: {  	_ =	shalt  }
0x77: {  	_ =	shalt  }
0x78: {  	_ =	shalt  }
0x79: {  	_ =	shalt  }
0x7a: {  	_ =	shalt  }
0x7b: {  	_ =	shalt  }
0x7c: {  	_ =	shalt  }
0x7d: {  	_ =	shalt  }
0x7e: {  	_ =	shalt  }
0x7f: {  	_ =	shalt  }
0x80: {  	_ =	shalt  }
0x81: {  	_ =	shalt  }
0x82: {  	_ =	shalt  }
0x83: {  	_ =	shalt  }
0x84: {  	_ =	shalt  }
0x85: {  	_ =	shalt  }
0x86: {  	_ =	shalt  }
0x87: {  	_ =	shalt  }
.Lfunc_end0:
.L_simem_size_0:
called_computation_lowered:
.L_overlay_start_0:
0x88: {  	s2 =	sld [smem:$0x3FD9]  }
0x89: {  	s3 =	sld [smem:$0x3FFE];
	_ =	sdelay $0x1  }
0x8a: {  	s1 =	srdreg.scid  }
0x8b: {  	s0 =	sand.u32 $0x1, s1  }
0x8c: {  	s17 =	sshll.u32 s0, $0xA;
	s2 =	sadd.s32 s3, s2  }
0x8d: {  	s2 =	sadd.s32 s2, s17  }
0x8e: {  	[smem:$0x3FC4] =	sst s2  }
0x8f: {  	_ = 	snop  }
0x90: {  	s2 =	sld [smem:$0x3FC9]  }
0x91: {  	s18 =	sld [smem:$0x3FD0];
	(tm) =	ssettm $0x1  }
0x92: {  	s4 =	sld [smem:$0x3FFB];
	_ =	sdelay $0x3  }
0x93: {  	_ =	strace s4  }
0x94: {  	s4 =	sld [smem:$0x3FFC];
	_ =	sdelay $0x3  }
0x95: {  	_ =	strace s4  }
0x96: {  	s4 =	sld [smem:$0x3FFD];
	_ =	sdelay $0x3  }
0x97: {  	_ =	strace s4  }
0x98: {  	_ =	strace $0x8FFFFFFF  }
0x99: {  	s19 =	sld [smem:$0x3FDB];
	_ =	sdelay $0x1  }
0x9a: {  	s5 =	simm.s32 $_scs_section_size  }
0x9b: {  	s6 =	simm.s32 $_size__tile_overlayer_lowered;
	s7 =	simm.s32 $_tile_overlayer_lowered  }
0x9c: {  	s22 =	simm.s32 $0x1BFF;
	s21 =	sshll.u32 s7, $0x1;
	s4 =	sadd.s32 s5, s19  }
0x9d: {  	s8 =	simm.s32 $0x0;
	s20 =	sshll.u32 s6, $0x1;
	s6 =	sadd.s32 s21, s4  }
0x9e: {  	[timem:s8], [sflag:s22] =	dma.local [hbm:s6], s20  }
0x9f: {  	_ =	swait.ge [sflag:s22], s20  }
0xa0: {  	s5 =	ssub.s32 $0x0, s20;
	[sflag:s22] =	ssyncset.done $0x0  }
0xa1: {  	[sflag:s22] =	ssyncadd.s32 s5;
	_ =	sdelay $0x1  }
0xa2: {  	s23 =	simm.s32 $0x1B8B  }
0xa3: {  	_ =	swait.ge [sflag:s23], $0x1  }
0xa4: {  	[sflag:s23] =	ssyncset.done $0x0  }
0xa5: {  	s25 =	simm.s32 $0x1B8E;
	s24 =	sld [smem:$0x3FFE];
	[sflag:s23] =	ssyncadd.s32 $0xFFFFFFFF  }
0xa6: {  	s26 =	simm.s32 $execute0_lowered;
	[smem:$0x3FD2] =	sst s25  }
0xa7: {  	s6 =	sshll.u32 s26, $0x1;
	_ =	strace $0x80000046;
	[dreg:$0x1] =	wrdreg $0xFFFFFFFF  }
0xa8: {  	s28 =	simm.s32 $_size_execute0_lowered;
	s4 =	sadd.s32 s4, s6;
	[dreg:$0x0] =	wrdreg $0x0  }
0xa9: {  	s6 =	sshll.u32 s28, $0x1;
	[dreg:$0x2] =	wrdreg s4  }
0xaa: {  	[dreg:$0x3] =	wrdreg s6  }
0xab: {  	[dreg:$0x4] =	wrdreg $0xC0  }
0xac: {  	_ =	task [dreg:s8], $0x5FFFF  }
0xad: {  	[dreg:$0x1] =	wrdreg $0xFFFFFFFF  }
0xae: {  	[dreg:$0x0] =	wrdreg $0x60  }
0xaf: {  	[dreg:$0x2] =	wrdreg s2  }
0xb0: {  	[dreg:$0x3] =	wrdreg s24  }
0xb1: {  	[dreg:$0x4] =	wrdreg s18  }
0xb2: {  	[dreg:$0x5] =	wrdreg $0xC0000  }
0xb3: {  	[dreg:$0x6] =	wrdreg $0x9  }
0xb4: {  	_ =	task.clear_ibuf [dreg:s8], $0x7FFFF;
	_ =	strace $0x90000046  }
0xb5: {  	s29 =	simm.s32 $0x9;
	_ =	strace $0x80000048  }
0xb6: {  	_ =	swait.ge [sflag:s29], $0x1  }
0xb7: {  	[sflag:s29] =	ssyncadd.s32 $0xFFFFFFFF  }
0xb8: {  	_ =	strace $0x90000048  }
0xb9: {  	_ =	sfence  }
0xba: {  	s30 =	sld [smem:$0x0];
	_ =	sdelay $0x2  }
0xbb: {  	s31 =	sshll.u32 s1, $0xD;
	s1 =	sshrl.u32 s1, $0x2  }
0xbc: {  	s3 =	sand.u32 $0x4000, s31;
	s1 =	sadd.s32 s1, s30  }
0xbd: {  	s0 =	sor.u32 s3, s0;
	s1 =	sshll.u32 s1, $0x11  }
0xbe: {  	s0 =	sor.u32 s1, s0  }
0xbf: {  	s0 =	sadd.s32 $0x8F2B, s0  }
0xc0: {  	[sflag:s0] =	ssyncadd.remote.s32 $0x1  }
0xc1: {  	_ =	sfence.sel $0xFFFF  }
0xc2: {  	[dreg:$0x0] =	wrdreg $0xFFFFFFFF;
	(pc) =	sbr.abs _section_cstart, $3  }
0xc3: {  	[dreg:$0x1] =	wrdreg $0xFFFFFFFF  }
0xc4: {  	_ =	task.clear_ibuf [dreg:s8], $0x2FFFF;
	_ =	strace $0x9FFFFFFF  }
0xc5: {  	(tm) =	ssettm $0x7FFFFFFF  }
tec
execute0_lowered:
.L_overlay_start_1:
0x0: {  	(tag) =	ssettag $0x1  }
0x1: {  	s1 =	rddreg [dreg:$0x0]  }
0x2: {  	s5 =	rddreg [dreg:$0x1]  }
0x3: {  	s0 =	srdreg.scid;
	s9 =	rddreg [dreg:$0x2]  }
0x4: {  	s13 =	stileid.u32;
	s4 =	rddreg [dreg:$0x3];
	s7 =	simm.s32 $0x0  }
0x5: {  	s16 =	simm.s32 $0x4;
	s18 =	simm.s32 $0x3800;
	s19 =	simm.s32 $0x8000  }
0x6: {  	s20 =	simm.s32 $0x7D;
	s22 =	simm.s32 $0x1;
	s3 =	smul.u32 $0x2710, s13  }
0x7: {  	s23 =	simm.s32 $0x2;
	s0 =	sand.u32 $0x1, s0;
	s28 =	smul.u32 $0x4E000, s13  }
0x8: {  	[smem:$0x7FF] =	sst s7;
	s7 =	sadd.s32 $0xA000, s5;
	s2 =	smul.u32 $0x27100, s0  }
0x9: {  	s8 =	sadd.s32 $0x200, s5;
	p0 =	seq.s32 s13, $0xF;
	s30 =	smul.u32 $0x2700, s13  }
0xa: {  	_ =	strace $0x80000047;
	s0 =	ssub.s32 $0x2, s0;
	s3 =	sadd.s32 s3, s2  }
0xb: {  	s12 =	sshrl.u32 s0, $0x1;
	s29 =	sshrl.u32 s28, $0x2;
	s6 =	smulhi.u32 $0x20C49BB, s3  }
0xc: {  	s0 =	ssub.s32 s0, s12;
	s12 =	sadd.s32 s29, s4;
	s31 =	sadd.s32 s2, s9  }
0xd: {  	s0 =	smax.u32 s0, $0x1;
	[dreg:$0x9] =	wrdreg s12;
	s6 =	sshll.u32 s6, $0x4  }
0xe: {  	[dreg:$0xa] =	wrdreg s0;
	s0 =	sadd.s32 s30, s31;
	s10 =	sand.u32 $0x1FF80, s6  }
0xf: {  	s26 =	sshrl.u32 s3, $0x3;
	[dreg:$0xb] =	wrdreg s0;
	s25 =	sadd.s32 s7, s10  }
0x10: {  	s11 =	sadd.s32 s10, s5;
	s5 =	sadd.s32 s8, s26;
	[dreg:$0x6] =	wrdreg s25  }
0x11: {  	s24 =	sadd.s32 $0x14000, s11;
	[dreg:$0x7] =	wrdreg s5;
	s11 =	simm.s32 $0x28  }
0x12: {  	s2 =	simm.s32 $0x0;
	[dreg:$0x5] =	wrdreg s24;
	s11 =	simm.s32 @!p0 $0x27  }
0x13: {  	v0 =	vimm.f32 $0.0e+00;
	v1 =	vimm.s32 $0xF;
	s5 =	simm.s32 $0x2800;
	s24 =	simm.s32 $0x3;
	[dreg:$0x8] =	wrdreg s11  }
.LBB2_1:
0x14: {  	[dreg:$0xc] =	wrdreg s2  }
0x15: {  	s0 =	simm.s32 $0x0;
	s29 =	rddreg [dreg:$0x5]  }
0x16: {  	[tilespmem:s0], [sflag:$0x4] =	stream.linear.gather [hbm4b:s29+s0], $0x2800, $0x38;
	[tilespmem:$0x1F880] =	vst v63  }
0x17: {  	_ =	swait.ge [sflag:s16], $0x2800  }
0x18: {  	[sflag:s16] =	ssyncset.done $0x0  }
0x19: {  	s30 =	rddreg [dreg:$0x6];
	[sflag:s16] =	ssyncadd.s32 $0xFFFFD800  }
0x1a: {  	[tilespmem:s5], [sflag:$0x4] =	stream.linear.gather [hbm4b:s30+s0], $0x800, $0x38;
	[tilespmem:$0x1F880] =	vst v63  }
0x1b: {  	_ =	swait.ge [sflag:s16], $0x800  }
0x1c: {  	[sflag:s16] =	ssyncset.done $0x0  }
0x1d: {  	s31 =	rddreg [dreg:$0x7];
	[sflag:s16] =	ssyncadd.s32 $0xFFFFF800  }
0x1e: {  	[tilespmem:s18], [sflag:$0x4] =	stream.linear.gather [hbm4b:s31+s0], $0x7D0, $0x38;
	[tilespmem:$0x1F880] =	vst v63  }
0x1f: {  	_ =	swait.ge [sflag:s16], $0x7D0  }
0x20: {  	[sflag:s16] =	ssyncset.done $0x0  }
0x21: {  	s2 =	simm.s32 $0x200;
	s0 =	simm.s32 $0x0;
	[sflag:s16] =	ssyncadd.s32 $0xFFFFF830  }
.LBB2_2:
0x22: {  	p0 =	sne.s32 s2, $0xF800;
	[tilespmem:s0+$0x8070] =	vst v0  }
0x23: {  	[tilespmem:s0+$0x8000] =	vst v0  }
0x24: {  	[tilespmem:s0+$0x8010] =	vst v0  }
.Ltmp0:
0x25: {  	[tilespmem:s0+$0x8020] =	vst v0;
	(pc) =	sbr.rel @p0 .LBB2_2-.Ltmp0, $4  }
0x26: {  	[tilespmem:s0+$0x8030] =	vst v0  }
0x27: {  	[tilespmem:s0+$0x8040] =	vst v0  }
0x28: {  	[tilespmem:s0+$0x8050] =	vst v0  }
0x29: {  	[tilespmem:s0+$0x8060] =	vst v0;
	s0 =	sshra.s32 s2, $0x2;
	s2 =	sadd.s32 $0x200, s2  }
0x2a: {  	[tilespmem:s0+$0x8070] =	vst v0  }
0x2b: {  	[tilespmem:s0+$0x8000] =	vst v0  }
0x2c: {  	[tilespmem:s0+$0x8010] =	vst v0  }
0x2d: {  	[tilespmem:s0+$0x8020] =	vst v0  }
0x2e: {  	[tilespmem:s0+$0x8030] =	vst v0  }
0x2f: {  	[tilespmem:s0+$0x8040] =	vst v0;
	p0 =	sne.s32 s11, $0x1  }
.Ltmp1:
0x30: {  	[tilespmem:s0+$0x8050] =	vst v0;
	(pc) =	sbr.rel @!p0 .LBB2_5-.Ltmp1, $4  }
0x31: {  	[tilespmem:s0+$0x8060] =	vst v0  }
0x32: {  	[spmem:s12] =	stream.linear.scatter [tilespmem:s19], [sflag:$0x4], $0x800, $0x38;
	[tilespmem:$0x1F880] =	vst v63  }
0x33: {  	_ =	swait.ge [sflag:s16], $0x800  }
0x34: {  	s0 =	sadd.s32 $0xFFFFFFFF, s11;
	s2 =	smov.u32 s12;
	[sflag:s16] =	ssyncset.done $0x0  }
.LBB2_4:
0x35: {  	p1 =	sne.s32 s0, $0x1;
	[sflag:s16] =	ssyncadd.s32 $0xFFFFF800;
	s2 =	sadd.s32 $0x800, s2  }
.Ltmp2:
0x36: {  	s0 =	sadd.s32 $0xFFFFFFFF, s0;
	(pc) =	sbr.rel @p1 .LBB2_4-.Ltmp2, $4  }
0x37: {  	_ = 	snop  }
0x38: {  	[spmem:s2] =	stream.linear.scatter [tilespmem:s19], [sflag:$0x4], $0x800, $0x38;
	[tilespmem:$0x1F880] =	vst v63  }
0x39: {  	_ =	swait.ge [sflag:s16], $0x800  }
0x3a: {  	[sflag:s16] =	ssyncset.done $0x0  }
.LBB2_5:
0x3b: {  	[sflag:s16] =	ssyncadd.s32 $0xFFFFF800  }
0x3c: {  	s28 =	simm.s32 $0x0;
	s0 =	simm.s32 $0x4000;
	[bflag:$0x0] =	sbarrier.arrive $0xFFFF  }
0x3d: {  	[tilespmem:s0], [sflag:$0x1] =	stream.indirect.gather [hbm4b:s1+s20], $0x80, s28, s20, $0xb8;
	[tilespmem:$0x1F880] =	vst v63  }
0x3e: {  	s29 =	simm.s32 $0x2;
	s30 =	simm.s32 $0x10  }
0x3f: {  	[spmem:s4] =	stream.indirect.scatter.add.f32 [tilespmem:s19], [sflag:$0x2], $0x80, s5, s20, $0xb8;
	[tilespmem:$0x1F880] =	vst v63  }
.LBB2_6:
0x40: {  	s25 =	sshll.u32 s28, $0x4  }
0x41: {  	s5 =	simm.s32 $0x4080;
	s21 =	simm.s32 $0x0;
	s31 =	sor.u32 $0x2, s25  }
.LBB2_7:
0x42: {  	_ =	swait.ge [sflag:s22], $0x3E80  }
0x43: {  	s0 =	sshll.u32 s25, $0xE;
	[sflag:s22] =	ssyncset.done $0x0  }
0x44: {  	s15 =	sadd.s32 $0xFFFFFFFE, s21;
	s17 =	sand.u32 $0x4000, s0;
	[sflag:s22] =	ssyncadd.s32 $0xFFFFC180  }
0x45: {  	s0 =	sadd.s32 $0x1, s25;
	s26 =	sadd.s32 $0x3, s15;
	_ =	swait.ge [sflag:s23], $0x3E80  }
0x46: {  	s2 =	sxor.u32 $0x4000, s17;
	s9 =	sshll.u32 s0, $0x9;
	[sflag:s23] =	ssyncset.done $0x0  }
0x47: {  	s2 =	sadd.s32 $0x4000, s2;
	s9 =	sshra.s32 s9, $0x2;
	[sflag:s23] =	ssyncadd.s32 $0xFFFFC180  }
0x48: {  	[tilespmem:s2], [sflag:$0x1] =	stream.indirect.gather [hbm4b:s1+s20], $0x80, s9, s20, $0xb8;
	[tilespmem:$0x1F880] =	vst v63  }
0x49: {  	s10 =	sand.u32 $0xFF0, s26;
	s2 =	sadd.s32 $0x2, s15  }
0x4a: {  	s11 =	sand.u32 $0xFF0, s2;
	v2 =	vld [tilespmem:s10+$0x3800]  }
0x4b: {  	v3 =	vld [tilespmem:s11+$0x3800]  }
0x4c: {  	v4 =	vld [tilespmem:s5+$0x70]  }
0x4d: {  	v5 =	vld [tilespmem:s5+$0xFFFFFF80]  }
0x4e: {  	v9 =	vmov s26;
	v6 =	vld [tilespmem:s5+$0xFFFFFF90]  }
0x4f: {  	v7 =	vmov s2;
	v8 =	vld [tilespmem:s5+$0xFFFFFFA0];
	v2 =	vperm.xlane v2, v9  }
0x50: {  	v9 =	vld [tilespmem:s5+$0xFFFFFFC0];
	v3 =	vperm.xlane v3, v7  }
0x51: {  	v7 =	vld [tilespmem:s5+$0xFFFFFFB0];
	v4 =	vmul.f32 v4, v2  }
0x52: {  	v10 =	vld [tilespmem:s5+$0xFFFFFFD0];
	v5 =	vmul.f32 v5, v3  }
0x53: {  	v11 =	vld [tilespmem:s5+$0xFFFFFFE0];
	v6 =	vmul.f32 v6, v3;
	[tilespmem:s5+$0x70] =	vst v4  }
0x54: {  	v4 =	vmul.f32 v8, v3;
	v8 =	vld [tilespmem:s5+$0xFFFFFFF0];
	[tilespmem:s5+$0xFFFFFF80] =	vst v5  }
0x55: {  	[tilespmem:s5+$0xFFFFFF90] =	vst v6;
	v6 =	vld [tilespmem:s5+$0x0];
	v9 =	vmul.f32 v9, v3  }
0x56: {  	v5 =	vld [tilespmem:s5+$0x10];
	v7 =	vmul.f32 v7, v3;
	[tilespmem:s5+$0xFFFFFFA0] =	vst v4  }
0x57: {  	s14 =	smov.u32 s5;
	s9 =	sadd.s32 $0x4000, s17;
	s10 =	sand.u32 $0xF, s25;
	v10 =	vmul.f32 v10, v3;
	v4 =	vld [tilespmem:s5+$0x20];
	[tilespmem:s5+$0xFFFFFFC0] =	vst v9  }
0x58: {  	s15 =	simm.s32 $0x0;
	s2 =	smov.u32 s5;
	s11 =	smul.u32 $0x7D, s10;
	v9 =	vmul.f32 v11, v3;
	[tilespmem:s5+$0xFFFFFFB0] =	vst v7;
	v7 =	vld [tilespmem:s5+$0x30]  }
.LBB2_8:
0x59: {  	s12 =	sadd.s32 s15, s21;
	s15 =	sadd.s32 $0x2, s15;
	[tilespmem:s14+$0xFFFFFFD0] =	vst v10;
	v3 =	vmul.f32 v8, v3;
	v8 =	vld [tilespmem:s14+$0x40]  }
0x5a: {  	s13 =	sadd.s32 $0x2, s12;
	s12 =	sadd.s32 $0x3, s12;
	p1 =	slt.u32 s15, $0x7A;
	[tilespmem:s14+$0xFFFFFFE0] =	vst v9;
	v6 =	vmul.f32 v6, v2;
	v9 =	vld [tilespmem:s14+$0x50]  }
0x5b: {  	s26 =	sand.u32 $0xFF0, s13;
	v10 =	vmov s13;
	s13 =	sand.u32 $0xFF0, s12;
	[tilespmem:s14+$0xFFFFFFF0] =	vst v3;
	v3 =	vmul.f32 v5, v2;
	v5 =	vld [tilespmem:s14+$0x60]  }
0x5c: {  	v11 =	vld [tilespmem:s13+$0x3800];
	[tilespmem:s14+$0x0] =	vst v6;
	v4 =	vmul.f32 v4, v2  }
0x5d: {  	s14 =	sadd.s32 $0x100, s14;
	v6 =	vld [tilespmem:s26+$0x3800];
	[tilespmem:s2+$0x10] =	vst v3;
	v3 =	vmul.f32 v7, v2  }
0x5e: {  	v7 =	vld [tilespmem:s14+$0x70];
	[tilespmem:s2+$0x20] =	vst v4;
	v4 =	vmul.f32 v8, v2  }
0x5f: {  	v8 =	vld [tilespmem:s14+$0xFFFFFF80];
	[tilespmem:s2+$0x30] =	vst v3;
	v3 =	vmul.f32 v9, v2  }
0x60: {  	v12 =	vmov s12;
	v9 =	vld [tilespmem:s14+$0xFFFFFF90];
	[tilespmem:s2+$0x40] =	vst v4;
	v4 =	vmul.f32 v5, v2  }
0x61: {  	v5 =	vld [tilespmem:s14+$0xFFFFFFA0];
	v2 =	vperm.xlane v11, v12;
	[tilespmem:s2+$0x50] =	vst v3  }
0x62: {  	v3 =	vperm.xlane v6, v10;
	v6 =	vld [tilespmem:s14+$0xFFFFFFB0];
	[tilespmem:s2+$0x60] =	vst v4;
	s2 =	smov.u32 s14  }
0x63: {  	v4 =	vld [tilespmem:s14+$0xFFFFFFC0];
	v7 =	vmul.f32 v7, v2  }
0x64: {  	v8 =	vmul.f32 v8, v3;
	v10 =	vld [tilespmem:s14+$0xFFFFFFD0]  }
0x65: {  	v9 =	vmul.f32 v9, v3;
	v11 =	vld [tilespmem:s14+$0xFFFFFFE0];
	[tilespmem:s14+$0x70] =	vst v7  }
.Ltmp3:
0x66: {  	[tilespmem:s14+$0xFFFFFF80] =	vst v8;
	v5 =	vmul.f32 v5, v3;
	v8 =	vld [tilespmem:s14+$0xFFFFFFF0];
	(pc) =	sbr.rel @p1 .LBB2_8-.Ltmp3, $4  }
0x67: {  	[tilespmem:s14+$0xFFFFFF90] =	vst v9;
	v7 =	vmul.f32 v6, v3;
	v6 =	vld [tilespmem:s14+$0x0]  }
0x68: {  	[tilespmem:s14+$0xFFFFFFA0] =	vst v5;
	v9 =	vmul.f32 v4, v3;
	v5 =	vld [tilespmem:s14+$0x10]  }
0x69: {  	[tilespmem:s14+$0xFFFFFFB0] =	vst v7;
	v10 =	vmul.f32 v10, v3;
	v4 =	vld [tilespmem:s14+$0x20]  }
0x6a: {  	[tilespmem:s14+$0xFFFFFFC0] =	vst v9;
	v9 =	vmul.f32 v11, v3;
	v7 =	vld [tilespmem:s14+$0x30]  }
0x6b: {  	[tilespmem:s14+$0xFFFFFFD0] =	vst v10;
	v3 =	vmul.f32 v8, v3;
	v52 =	vld [tilespmem:s14+$0x40]  }
0x6c: {  	v53 =	vld [tilespmem:s14+$0x50];
	[tilespmem:s14+$0xFFFFFFE0] =	vst v9;
	v6 =	vmul.f32 v6, v2  }
0x6d: {  	v54 =	vld [tilespmem:s14+$0x60];
	[tilespmem:s14+$0xFFFFFFF0] =	vst v3;
	v3 =	vmul.f32 v5, v2  }
0x6e: {  	[tilespmem:s14+$0x0] =	vst v6;
	v4 =	vmul.f32 v4, v2  }
0x6f: {  	[tilespmem:s2+$0x10] =	vst v3;
	v3 =	vmul.f32 v7, v2  }
0x70: {  	[tilespmem:s2+$0x20] =	vst v4;
	v55 =	vmul.f32 v52, v2  }
0x71: {  	[tilespmem:s2+$0x30] =	vst v3;
	v3 =	vmul.f32 v53, v2  }
0x72: {  	v2 =	vmul.f32 v54, v2;
	[tilespmem:s2+$0x40] =	vst v55  }
0x73: {  	s11 =	sadd.s32 $0x7C, s11;
	[tilespmem:s2+$0x50] =	vst v3  }
0x74: {  	s15 =	sand.u32 $0xFF0, s11;
	[tilespmem:s2+$0x60] =	vst v2  }
0x75: {  	v2 =	vld [tilespmem:s15+$0x3800];
	_ =	sdelay $0x1  }
0x76: {  	v3 =	vld [tilespmem:s17+$0x7E00]  }
0x77: {  	v4 =	vld [tilespmem:s17+$0x7E10]  }
0x78: {  	v56 =	vmov s11;
	v6 =	vld [tilespmem:s17+$0x7E20]  }
0x79: {  	v57 =	vld [tilespmem:s17+$0x7E30];
	v2 =	vperm.xlane v2, v56  }
0x7a: {  	v58 =	vld [tilespmem:s17+$0x7E40]  }
0x7b: {  	v59 =	vld [tilespmem:s17+$0x7E50];
	v3 =	vmul.f32 v3, v2  }
0x7c: {  	v60 =	vld [tilespmem:s17+$0x7E60];
	v4 =	vmul.f32 v4, v2  }
0x7d: {  	v61 =	vld [tilespmem:s17+$0x7E70];
	[tilespmem:s17+$0x7E00] =	vst v3;
	v3 =	vmul.f32 v6, v2  }
0x7e: {  	v62 =	vmul.f32 v57, v2;
	[tilespmem:s17+$0x7E10] =	vst v4  }
0x7f: {  	[tilespmem:s17+$0x7E20] =	vst v3;
	v3 =	vmul.f32 v58, v2  }
0x80: {  	p1 =	sne.s32 s0, s29;
	v63 =	vmul.f32 v59, v2;
	[tilespmem:s17+$0x7E30] =	vst v62  }
.Ltmp4:
0x81: {  	s26 =	sshll.u32 s25, $0x7;
	[tilespmem:s17+$0x7E40] =	vst v3;
	v3 =	vmul.f32 v60, v2;
	(pc) =	sbr.rel @p1 .LBB2_7-.Ltmp4, $4  }
0x82: {  	s10 =	sshll.u32 s10, $0x7;
	s2 =	sand.u32 $0x800, s26;
	[tilespmem:s17+$0x7E50] =	vst v63;
	v2 =	vmul.f32 v61, v2  }
0x83: {  	s21 =	sadd.s32 $0x7D, s21;
	s2 =	sor.u32 s10, s2;
	[tilespmem:s17+$0x7E60] =	vst v3  }
0x84: {  	s5 =	sadd.s32 $0x4000, s5;
	s25 =	smov.u32 s0;
	s2 =	sadd.s32 $0x2800, s2;
	[tilespmem:s17+$0x7E70] =	vst v2  }
0x85: {  	[spmem:s4] =	stream.indirect.scatter.add.f32 [tilespmem:s9], [sflag:$0x2], $0x80, s2, s20, $0xb8;
	[tilespmem:$0x1F880] =	vst v63  }
0x86: {  	s28 =	sadd.s32 $0x1, s28  }
0x87: {  	s0 =	sshll.u32 s28, $0x8  }
0x88: {  	s2 =	sshll.u32 s28, $0xB;
	s0 =	sadd.s32 s6, s0  }
0x89: {  	p1 =	por $0x0, $0x0;
	s2 =	sand.u32 $0x800, s2;
	s0 =	sand.u32 $0x1FFFFF80, s0  }
0x8a: {  	s5 =	sadd.s32 $0x2800, s2;
	s2 =	simm.s32 $0x0;
	s0 =	sadd.s32 s7, s0  }
0x8b: {  	[tilespmem:s5], [sflag:$0x3] =	stream.linear.gather [hbm4b:s0+s2], $0x800, $0x38;
	[tilespmem:$0x1F880] =	vst v63  }
.LBB2_11:
0x8c: {  	_ =	swait.ge [sflag:s22], $0x3E80  }
0x8d: {  	[sflag:s22] =	ssyncset.done $0x0  }
0x8e: {  	s0 =	sshll.u32 s31, $0xE;
	s21 =	sadd.s32 $0x1, s31;
	[sflag:s22] =	ssyncadd.s32 $0xFFFFC180  }
0x8f: {  	s26 =	sadd.s32 $0xFFFFFFFE, s2;
	s0 =	sand.u32 $0x4000, s0;
	_ =	swait.ge [sflag:s23], $0x3E80  }
0x90: {  	s9 =	sshll.u32 s21, $0x9;
	s5 =	sxor.u32 $0x4000, s0;
	[sflag:s23] =	ssyncset.done $0x0  }
0x91: {  	s9 =	sshra.s32 s9, $0x2;
	s5 =	sadd.s32 $0x4000, s5;
	[sflag:s23] =	ssyncadd.s32 $0xFFFFC180  }
0x92: {  	[tilespmem:s5], [sflag:$0x1] =	stream.indirect.gather [hbm4b:s1+s20], $0x80, s9, s20, $0xb8;
	[tilespmem:$0x1F880] =	vst v63  }
0x93: {  	s9 =	simm.s32 $0x1;
	s5 =	sadd.s32 $0xFC, s26  }
0x94: {  	s10 =	sadd.s32 $0xFD, s26;
	s9 =	simm.s32 @!p1 $0x0;
	s12 =	sand.u32 $0xFF0, s5  }
0x95: {  	s11 =	sand.u32 $0xFF0, s10;
	s9 =	sshll.u32 s9, $0xE;
	v3 =	vld [tilespmem:s12+$0x3800]  }
0x96: {  	v2 =	vld [tilespmem:s11+$0x3800];
	s17 =	sadd.s32 $0x4080, s9  }
0x97: {  	v5 =	vld [tilespmem:s17+$0xFFFFFF80]  }
0x98: {  	v4 =	vld [tilespmem:s17+$0x70]  }
0x99: {  	v7 =	vmov s5;
	v6 =	vld [tilespmem:s17+$0xFFFFFF90]  }
0x9a: {  	v9 =	vmov s10;
	v8 =	vld [tilespmem:s17+$0xFFFFFFA0];
	v3 =	vperm.xlane v3, v7  }
0x9b: {  	v2 =	vperm.xlane v2, v9;
	v9 =	vld [tilespmem:s17+$0xFFFFFFC0]  }
0x9c: {  	v7 =	vld [tilespmem:s17+$0xFFFFFFB0];
	v5 =	vmul.f32 v5, v3  }
0x9d: {  	v10 =	vld [tilespmem:s17+$0xFFFFFFD0];
	v4 =	vmul.f32 v4, v2  }
0x9e: {  	v11 =	vld [tilespmem:s17+$0xFFFFFFE0];
	v6 =	vmul.f32 v6, v3;
	[tilespmem:s17+$0xFFFFFF80] =	vst v5  }
0x9f: {  	[tilespmem:s17+$0x70] =	vst v4;
	v4 =	vmul.f32 v8, v3;
	v8 =	vld [tilespmem:s17+$0xFFFFFFF0]  }
0xa0: {  	[tilespmem:s17+$0xFFFFFF90] =	vst v6;
	v6 =	vld [tilespmem:s17+$0x0];
	v9 =	vmul.f32 v9, v3  }
0xa1: {  	s10 =	sand.u32 $0xF, s31;
	v5 =	vld [tilespmem:s17+$0x10];
	v7 =	vmul.f32 v7, v3;
	[tilespmem:s17+$0xFFFFFFA0] =	vst v4  }
0xa2: {  	s11 =	smul.u32 $0x7D, s10;
	v10 =	vmul.f32 v10, v3;
	v4 =	vld [tilespmem:s17+$0x20];
	[tilespmem:s17+$0xFFFFFFC0] =	vst v9  }
0xa3: {  	s5 =	simm.s32 $0x0;
	s9 =	sadd.s32 $0x4000, s0;
	s14 =	smov.u32 s17;
	v9 =	vmul.f32 v11, v3;
	[tilespmem:s17+$0xFFFFFFB0] =	vst v7;
	v7 =	vld [tilespmem:s17+$0x30]  }
.LBB2_12:
0xa4: {  	s12 =	sadd.s32 s5, s2;
	s5 =	sadd.s32 $0x2, s5;
	[tilespmem:s17+$0xFFFFFFD0] =	vst v10;
	v3 =	vmul.f32 v8, v3;
	v8 =	vld [tilespmem:s17+$0x40]  }
0xa5: {  	s13 =	sadd.s32 $0xFC, s12;
	s12 =	sadd.s32 $0xFD, s12;
	p2 =	slt.u32 s5, $0x7A;
	[tilespmem:s17+$0xFFFFFFE0] =	vst v9;
	v6 =	vmul.f32 v6, v2;
	v9 =	vld [tilespmem:s17+$0x50]  }
0xa6: {  	s15 =	sand.u32 $0xFF0, s13;
	v10 =	vmov s13;
	s13 =	sand.u32 $0xFF0, s12;
	[tilespmem:s17+$0xFFFFFFF0] =	vst v3;
	v3 =	vmul.f32 v5, v2;
	v5 =	vld [tilespmem:s17+$0x60]  }
0xa7: {  	v11 =	vld [tilespmem:s13+$0x3800];
	[tilespmem:s17+$0x0] =	vst v6;
	v4 =	vmul.f32 v4, v2  }
0xa8: {  	s17 =	sadd.s32 $0x100, s17;
	v6 =	vld [tilespmem:s15+$0x3800];
	[tilespmem:s14+$0x10] =	vst v3;
	v3 =	vmul.f32 v7, v2  }
0xa9: {  	v7 =	vld [tilespmem:s17+$0x70];
	[tilespmem:s14+$0x20] =	vst v4;
	v4 =	vmul.f32 v8, v2  }
0xaa: {  	v8 =	vld [tilespmem:s17+$0xFFFFFF80];
	[tilespmem:s14+$0x30] =	vst v3;
	v3 =	vmul.f32 v9, v2  }
0xab: {  	v12 =	vmov s12;
	v9 =	vld [tilespmem:s17+$0xFFFFFF90];
	[tilespmem:s14+$0x40] =	vst v4;
	v4 =	vmul.f32 v5, v2  }
0xac: {  	v5 =	vld [tilespmem:s17+$0xFFFFFFA0];
	v2 =	vperm.xlane v11, v12;
	[tilespmem:s14+$0x50] =	vst v3  }
0xad: {  	v3 =	vperm.xlane v6, v10;
	v6 =	vld [tilespmem:s17+$0xFFFFFFB0];
	[tilespmem:s14+$0x60] =	vst v4;
	s14 =	smov.u32 s17  }
0xae: {  	v4 =	vld [tilespmem:s17+$0xFFFFFFC0];
	v7 =	vmul.f32 v7, v2  }
0xaf: {  	v8 =	vmul.f32 v8, v3;
	v10 =	vld [tilespmem:s17+$0xFFFFFFD0]  }
0xb0: {  	v9 =	vmul.f32 v9, v3;
	v11 =	vld [tilespmem:s17+$0xFFFFFFE0];
	[tilespmem:s17+$0x70] =	vst v7  }
.Ltmp5:
0xb1: {  	[tilespmem:s17+$0xFFFFFF80] =	vst v8;
	v5 =	vmul.f32 v5, v3;
	v8 =	vld [tilespmem:s17+$0xFFFFFFF0];
	(pc) =	sbr.rel @p2 .LBB2_12-.Ltmp5, $4  }
0xb2: {  	[tilespmem:s17+$0xFFFFFF90] =	vst v9;
	v7 =	vmul.f32 v6, v3;
	v6 =	vld [tilespmem:s17+$0x0]  }
0xb3: {  	[tilespmem:s17+$0xFFFFFFA0] =	vst v5;
	v9 =	vmul.f32 v4, v3;
	v5 =	vld [tilespmem:s17+$0x10]  }
0xb4: {  	[tilespmem:s17+$0xFFFFFFB0] =	vst v7;
	v10 =	vmul.f32 v10, v3;
	v4 =	vld [tilespmem:s17+$0x20]  }
0xb5: {  	[tilespmem:s17+$0xFFFFFFC0] =	vst v9;
	v9 =	vmul.f32 v11, v3;
	v7 =	vld [tilespmem:s17+$0x30]  }
0xb6: {  	[tilespmem:s17+$0xFFFFFFD0] =	vst v10;
	v3 =	vmul.f32 v8, v3;
	v52 =	vld [tilespmem:s17+$0x40]  }
0xb7: {  	v53 =	vld [tilespmem:s17+$0x50];
	[tilespmem:s17+$0xFFFFFFE0] =	vst v9;
	v6 =	vmul.f32 v6, v2  }
0xb8: {  	v54 =	vld [tilespmem:s17+$0x60];
	[tilespmem:s17+$0xFFFFFFF0] =	vst v3;
	v3 =	vmul.f32 v5, v2  }
0xb9: {  	[tilespmem:s17+$0x0] =	vst v6;
	v4 =	vmul.f32 v4, v2  }
0xba: {  	[tilespmem:s14+$0x10] =	vst v3;
	v3 =	vmul.f32 v7, v2  }
0xbb: {  	[tilespmem:s14+$0x20] =	vst v4;
	v55 =	vmul.f32 v52, v2  }
0xbc: {  	[tilespmem:s14+$0x30] =	vst v3;
	v3 =	vmul.f32 v53, v2  }
0xbd: {  	v2 =	vmul.f32 v54, v2;
	[tilespmem:s14+$0x40] =	vst v55  }
0xbe: {  	s5 =	sadd.s32 $0x7C, s11;
	[tilespmem:s14+$0x50] =	vst v3  }
0xbf: {  	s11 =	sand.u32 $0xFF0, s5;
	[tilespmem:s14+$0x60] =	vst v2  }
0xc0: {  	v2 =	vld [tilespmem:s11+$0x3800];
	_ =	sdelay $0x1  }
0xc1: {  	v3 =	vld [tilespmem:s0+$0x7E00]  }
0xc2: {  	v4 =	vld [tilespmem:s0+$0x7E10]  }
0xc3: {  	v56 =	vmov s5;
	v6 =	vld [tilespmem:s0+$0x7E20]  }
0xc4: {  	v57 =	vld [tilespmem:s0+$0x7E30];
	v2 =	vperm.xlane v2, v56  }
0xc5: {  	v58 =	vld [tilespmem:s0+$0x7E40]  }
0xc6: {  	v59 =	vld [tilespmem:s0+$0x7E50];
	v3 =	vmul.f32 v3, v2  }
0xc7: {  	v60 =	vld [tilespmem:s0+$0x7E60];
	v4 =	vmul.f32 v4, v2  }
0xc8: {  	v61 =	vld [tilespmem:s0+$0x7E70];
	[tilespmem:s0+$0x7E00] =	vst v3;
	v3 =	vmul.f32 v6, v2  }
0xc9: {  	v62 =	vmul.f32 v57, v2;
	[tilespmem:s0+$0x7E10] =	vst v4  }
0xca: {  	[tilespmem:s0+$0x7E20] =	vst v3;
	v3 =	vmul.f32 v58, v2  }
0xcb: {  	p2 =	sne.s32 s21, s30;
	v63 =	vmul.f32 v59, v2;
	[tilespmem:s0+$0x7E30] =	vst v62  }
.Ltmp6:
0xcc: {  	s25 =	sshll.u32 s31, $0x7;
	[tilespmem:s0+$0x7E40] =	vst v3;
	v3 =	vmul.f32 v60, v2;
	(pc) =	sbr.rel @p2 .LBB2_11-.Ltmp6, $4  }
0xcd: {  	s10 =	sshll.u32 s10, $0x7;
	s5 =	sand.u32 $0x800, s25;
	[tilespmem:s0+$0x7E50] =	vst v63;
	v2 =	vmul.f32 v61, v2  }
0xce: {  	s2 =	sadd.s32 $0x7D, s2;
	s5 =	sor.u32 s10, s5;
	[tilespmem:s0+$0x7E60] =	vst v3  }
0xcf: {  	p1 =	por !p1, !p1;
	s31 =	smov.u32 s21;
	s26 =	sadd.s32 $0x2800, s5;
	[tilespmem:s0+$0x7E70] =	vst v2  }
0xd0: {  	[spmem:s4] =	stream.indirect.scatter.add.f32 [tilespmem:s9], [sflag:$0x2], $0x80, s26, s20, $0xb8;
	[tilespmem:$0x1F880] =	vst v63  }
0xd1: {  	s0 =	smul.u32 $0x7D0, s28;
	_ =	sdelay $0x1  }
0xd2: {  	_ =	swait.ge [sflag:s24], $0x800;
	s31 =	simm.s32 $0x0;
	s0 =	sadd.s32 s3, s0  }
0xd3: {  	p1 =	sne.s32 s28, $0x4;
	[sflag:s24] =	ssyncset.done $0x0;
	s0 =	sshrl.u32 s0, $0x3  }
.Ltmp7:
0xd4: {  	[sflag:s24] =	ssyncadd.s32 $0xFFFFF800;
	s0 =	sadd.s32 s8, s0;
	(pc) =	sbr.rel @p1 .LBB2_6-.Ltmp7, $4  }
0xd5: {  	[tilespmem:s18], [sflag:$0x3] =	stream.linear.gather [hbm4b:s0+s31], $0x7D0, $0x38;
	[tilespmem:$0x1F880] =	vst v63  }
0xd6: {  	_ =	swait.ge [sflag:s24], $0x7D0  }
0xd7: {  	[sflag:s24] =	ssyncset.done $0x0  }
0xd8: {  	s29 =	sadd.s32 $0x10, s29;
	s30 =	sadd.s32 $0x10, s30;
	[sflag:s24] =	ssyncadd.s32 $0xFFFFF830  }
0xd9: {  	s21 =	simm.s32 $0x40;
	p1 =	por $0x0, $0x0  }
.LBB2_16:
0xda: {  	_ =	swait.ge [sflag:s22], $0x3E80  }
0xdb: {  	[sflag:s22] =	ssyncset.done $0x0  }
0xdc: {  	s0 =	sshll.u32 s21, $0xE;
	s2 =	sadd.s32 $0x1, s21;
	[sflag:s22] =	ssyncadd.s32 $0xFFFFC180  }
0xdd: {  	s30 =	sadd.s32 $0xFFFFFFFE, s31;
	s0 =	sand.u32 $0x4000, s0;
	_ =	swait.ge [sflag:s23], $0x3E80  }
0xde: {  	s9 =	sshll.u32 s2, $0x7;
	s5 =	sxor.u32 $0x4000, s0;
	[sflag:s23] =	ssyncset.done $0x0  }
0xdf: {  	s9 =	sand.u32 $0x3FFFFF80, s9;
	s5 =	sadd.s32 $0x4000, s5;
	[sflag:s23] =	ssyncadd.s32 $0xFFFFC180  }
0xe0: {  	[tilespmem:s5], [sflag:$0x1] =	stream.indirect.gather [hbm4b:s1+s20], $0x80, s9, s20, $0xb8;
	[tilespmem:$0x1F880] =	vst v63  }
0xe1: {  	s9 =	simm.s32 $0x1;
	s5 =	sadd.s32 $0x2, s30  }
0xe2: {  	s10 =	sadd.s32 $0x3, s30;
	s9 =	simm.s32 @!p1 $0x0;
	s12 =	sand.u32 $0xFF0, s5  }
0xe3: {  	s11 =	sand.u32 $0xFF0, s10;
	s9 =	sshll.u32 s9, $0xE;
	v3 =	vld [tilespmem:s12+$0x3800]  }
0xe4: {  	v2 =	vld [tilespmem:s11+$0x3800];
	s17 =	sadd.s32 $0x4080, s9  }
0xe5: {  	v5 =	vld [tilespmem:s17+$0xFFFFFF80]  }
0xe6: {  	v4 =	vld [tilespmem:s17+$0x70]  }
0xe7: {  	v7 =	vmov s5;
	v6 =	vld [tilespmem:s17+$0xFFFFFF90]  }
0xe8: {  	v9 =	vmov s10;
	v8 =	vld [tilespmem:s17+$0xFFFFFFA0];
	v3 =	vperm.xlane v3, v7  }
0xe9: {  	v2 =	vperm.xlane v2, v9;
	v9 =	vld [tilespmem:s17+$0xFFFFFFC0]  }
0xea: {  	v7 =	vld [tilespmem:s17+$0xFFFFFFB0];
	v5 =	vmul.f32 v5, v3  }
0xeb: {  	v10 =	vld [tilespmem:s17+$0xFFFFFFD0];
	v4 =	vmul.f32 v4, v2  }
0xec: {  	v11 =	vld [tilespmem:s17+$0xFFFFFFE0];
	v6 =	vmul.f32 v6, v3;
	[tilespmem:s17+$0xFFFFFF80] =	vst v5  }
0xed: {  	[tilespmem:s17+$0x70] =	vst v4;
	v4 =	vmul.f32 v8, v3;
	v8 =	vld [tilespmem:s17+$0xFFFFFFF0]  }
0xee: {  	[tilespmem:s17+$0xFFFFFF90] =	vst v6;
	v6 =	vld [tilespmem:s17+$0x0];
	v9 =	vmul.f32 v9, v3  }
0xef: {  	s10 =	sand.u32 $0xF, s21;
	v5 =	vld [tilespmem:s17+$0x10];
	v7 =	vmul.f32 v7, v3;
	[tilespmem:s17+$0xFFFFFFA0] =	vst v4  }
0xf0: {  	s11 =	smul.u32 $0x7D, s10;
	v10 =	vmul.f32 v10, v3;
	v4 =	vld [tilespmem:s17+$0x20];
	[tilespmem:s17+$0xFFFFFFC0] =	vst v9  }
0xf1: {  	s5 =	simm.s32 $0x0;
	s9 =	sadd.s32 $0x4000, s0;
	s14 =	smov.u32 s17;
	v9 =	vmul.f32 v11, v3;
	[tilespmem:s17+$0xFFFFFFB0] =	vst v7;
	v7 =	vld [tilespmem:s17+$0x30]  }
.LBB2_17:
0xf2: {  	s12 =	sadd.s32 s5, s31;
	s5 =	sadd.s32 $0x2, s5;
	[tilespmem:s17+$0xFFFFFFD0] =	vst v10;
	v3 =	vmul.f32 v8, v3;
	v8 =	vld [tilespmem:s17+$0x40]  }
0xf3: {  	s13 =	sadd.s32 $0x2, s12;
	s12 =	sadd.s32 $0x3, s12;
	p2 =	slt.u32 s5, $0x7A;
	[tilespmem:s17+$0xFFFFFFE0] =	vst v9;
	v6 =	vmul.f32 v6, v2;
	v9 =	vld [tilespmem:s17+$0x50]  }
0xf4: {  	s15 =	sand.u32 $0xFF0, s13;
	v10 =	vmov s13;
	s13 =	sand.u32 $0xFF0, s12;
	[tilespmem:s17+$0xFFFFFFF0] =	vst v3;
	v3 =	vmul.f32 v5, v2;
	v5 =	vld [tilespmem:s17+$0x60]  }
0xf5: {  	v11 =	vld [tilespmem:s13+$0x3800];
	[tilespmem:s17+$0x0] =	vst v6;
	v4 =	vmul.f32 v4, v2  }
0xf6: {  	s17 =	sadd.s32 $0x100, s17;
	v6 =	vld [tilespmem:s15+$0x3800];
	[tilespmem:s14+$0x10] =	vst v3;
	v3 =	vmul.f32 v7, v2  }
0xf7: {  	v7 =	vld [tilespmem:s17+$0x70];
	[tilespmem:s14+$0x20] =	vst v4;
	v4 =	vmul.f32 v8, v2  }
0xf8: {  	v8 =	vld [tilespmem:s17+$0xFFFFFF80];
	[tilespmem:s14+$0x30] =	vst v3;
	v3 =	vmul.f32 v9, v2  }
0xf9: {  	v12 =	vmov s12;
	v9 =	vld [tilespmem:s17+$0xFFFFFF90];
	[tilespmem:s14+$0x40] =	vst v4;
	v4 =	vmul.f32 v5, v2  }
0xfa: {  	v5 =	vld [tilespmem:s17+$0xFFFFFFA0];
	v2 =	vperm.xlane v11, v12;
	[tilespmem:s14+$0x50] =	vst v3  }
0xfb: {  	v3 =	vperm.xlane v6, v10;
	v6 =	vld [tilespmem:s17+$0xFFFFFFB0];
	[tilespmem:s14+$0x60] =	vst v4;
	s14 =	smov.u32 s17  }
0xfc: {  	v4 =	vld [tilespmem:s17+$0xFFFFFFC0];
	v7 =	vmul.f32 v7, v2  }
0xfd: {  	v8 =	vmul.f32 v8, v3;
	v10 =	vld [tilespmem:s17+$0xFFFFFFD0]  }
0xfe: {  	v9 =	vmul.f32 v9, v3;
	v11 =	vld [tilespmem:s17+$0xFFFFFFE0];
	[tilespmem:s17+$0x70] =	vst v7  }
.Ltmp8:
0xff: {  	[tilespmem:s17+$0xFFFFFF80] =	vst v8;
	v5 =	vmul.f32 v5, v3;
	v8 =	vld [tilespmem:s17+$0xFFFFFFF0];
	(pc) =	sbr.rel @p2 .LBB2_17-.Ltmp8, $4  }
0x100: {  	[tilespmem:s17+$0xFFFFFF90] =	vst v9;
	v7 =	vmul.f32 v6, v3;
	v6 =	vld [tilespmem:s17+$0x0]  }
0x101: {  	[tilespmem:s17+$0xFFFFFFA0] =	vst v5;
	v9 =	vmul.f32 v4, v3;
	v5 =	vld [tilespmem:s17+$0x10]  }
0x102: {  	[tilespmem:s17+$0xFFFFFFB0] =	vst v7;
	v10 =	vmul.f32 v10, v3;
	v4 =	vld [tilespmem:s17+$0x20]  }
0x103: {  	[tilespmem:s17+$0xFFFFFFC0] =	vst v9;
	v9 =	vmul.f32 v11, v3;
	v7 =	vld [tilespmem:s17+$0x30]  }
0x104: {  	[tilespmem:s17+$0xFFFFFFD0] =	vst v10;
	v3 =	vmul.f32 v8, v3;
	v52 =	vld [tilespmem:s17+$0x40]  }
0x105: {  	v53 =	vld [tilespmem:s17+$0x50];
	[tilespmem:s17+$0xFFFFFFE0] =	vst v9;
	v6 =	vmul.f32 v6, v2  }
0x106: {  	v54 =	vld [tilespmem:s17+$0x60];
	[tilespmem:s17+$0xFFFFFFF0] =	vst v3;
	v3 =	vmul.f32 v5, v2  }
0x107: {  	[tilespmem:s17+$0x0] =	vst v6;
	v4 =	vmul.f32 v4, v2  }
0x108: {  	[tilespmem:s14+$0x10] =	vst v3;
	v3 =	vmul.f32 v7, v2  }
0x109: {  	[tilespmem:s14+$0x20] =	vst v4;
	v55 =	vmul.f32 v52, v2  }
0x10a: {  	[tilespmem:s14+$0x30] =	vst v3;
	v3 =	vmul.f32 v53, v2  }
0x10b: {  	v2 =	vmul.f32 v54, v2;
	[tilespmem:s14+$0x40] =	vst v55  }
0x10c: {  	s5 =	sadd.s32 $0x7C, s11;
	[tilespmem:s14+$0x50] =	vst v3  }
0x10d: {  	s11 =	sand.u32 $0xFF0, s5;
	[tilespmem:s14+$0x60] =	vst v2  }
0x10e: {  	v2 =	vld [tilespmem:s11+$0x3800];
	_ =	sdelay $0x1  }
0x10f: {  	v3 =	vld [tilespmem:s0+$0x7E00]  }
0x110: {  	v4 =	vld [tilespmem:s0+$0x7E10]  }
0x111: {  	v56 =	vmov s5;
	v6 =	vld [tilespmem:s0+$0x7E20]  }
0x112: {  	v57 =	vld [tilespmem:s0+$0x7E30];
	v2 =	vperm.xlane v2, v56  }
0x113: {  	v58 =	vld [tilespmem:s0+$0x7E40]  }
0x114: {  	v59 =	vld [tilespmem:s0+$0x7E50];
	v3 =	vmul.f32 v3, v2  }
0x115: {  	v60 =	vld [tilespmem:s0+$0x7E60];
	v4 =	vmul.f32 v4, v2  }
0x116: {  	v61 =	vld [tilespmem:s0+$0x7E70];
	[tilespmem:s0+$0x7E00] =	vst v3;
	v3 =	vmul.f32 v6, v2  }
0x117: {  	v62 =	vmul.f32 v57, v2;
	[tilespmem:s0+$0x7E10] =	vst v4  }
0x118: {  	[tilespmem:s0+$0x7E20] =	vst v3;
	v3 =	vmul.f32 v58, v2  }
0x119: {  	p2 =	sne.s32 s2, $0x4F;
	v63 =	vmul.f32 v59, v2;
	[tilespmem:s0+$0x7E30] =	vst v62  }
.Ltmp9:
0x11a: {  	s29 =	sshll.u32 s21, $0x7;
	[tilespmem:s0+$0x7E40] =	vst v3;
	v3 =	vmul.f32 v60, v2;
	(pc) =	sbr.rel @p2 .LBB2_16-.Ltmp9, $4  }
0x11b: {  	s10 =	sshll.u32 s10, $0x7;
	s5 =	sand.u32 $0x800, s29;
	[tilespmem:s0+$0x7E50] =	vst v63;
	v2 =	vmul.f32 v61, v2  }
0x11c: {  	s31 =	sadd.s32 $0x7D, s31;
	s5 =	sor.u32 s10, s5;
	[tilespmem:s0+$0x7E60] =	vst v3  }
0x11d: {  	p1 =	por !p1, !p1;
	s21 =	smov.u32 s2;
	s30 =	sadd.s32 $0x2800, s5;
	[tilespmem:s0+$0x7E70] =	vst v2  }
0x11e: {  	[spmem:s4] =	stream.indirect.scatter.add.f32 [tilespmem:s9], [sflag:$0x2], $0x80, s30, s20, $0xb8;
	[tilespmem:$0x1F880] =	vst v63  }
0x11f: {  	_ =	swait.ge [sflag:s22], $0x3E80  }
0x120: {  	[sflag:s22] =	ssyncset.done $0x0  }
0x121: {  	[sflag:s22] =	ssyncadd.s32 $0xFFFFC180  }
0x122: {  	_ =	swait.ge [sflag:s23], $0x3E80  }
0x123: {  	s5 =	simm.s32 $0x753;
	[sflag:s23] =	ssyncset.done $0x0  }
0x124: {  	s2 =	simm.s32 $0x754;
	s9 =	sand.u32 $0x7F0, s5;
	[sflag:s23] =	ssyncadd.s32 $0xFFFFC180  }
0x125: {  	s0 =	sand.u32 $0x7F0, s2;
	v3 =	vld [tilespmem:s9+$0x3800]  }
0x126: {  	v2 =	vld [tilespmem:s0+$0x3800];
	s0 =	simm.s32 $0x8000  }
0x127: {  	v5 =	vld [tilespmem:s0+$0x0]  }
0x128: {  	v4 =	vld [tilespmem:s0+$0xF0]  }
0x129: {  	s2 =	sand.u32 $0xE, s2;
	v7 =	vmov s5;
	v6 =	vld [tilespmem:s0+$0x10]  }
0x12a: {  	v9 =	vmov s2;
	v8 =	vld [tilespmem:s0+$0x20];
	v10 =	vperm.xlane v3, v7  }
0x12b: {  	v3 =	vld [tilespmem:s0+$0x30];
	v2 =	vperm.xlane v2, v9  }
0x12c: {  	v9 =	vld [tilespmem:s0+$0x40];
	v5 =	vmul.f32 v5, v10  }
0x12d: {  	v11 =	vld [tilespmem:s0+$0x50];
	v4 =	vmul.f32 v4, v2  }
0x12e: {  	v12 =	vld [tilespmem:s0+$0x60];
	v6 =	vmul.f32 v6, v10;
	[tilespmem:s0+$0x0] =	vst v5  }
0x12f: {  	[tilespmem:s0+$0xF0] =	vst v4;
	v4 =	vmul.f32 v8, v10;
	v8 =	vld [tilespmem:s0+$0x70]  }
0x130: {  	v7 =	vld [tilespmem:s0+$0x80];
	[tilespmem:s0+$0x10] =	vst v6;
	v3 =	vmul.f32 v3, v10  }
0x131: {  	v5 =	vld [tilespmem:s0+$0x90];
	[tilespmem:s0+$0x20] =	vst v4;
	v4 =	vmul.f32 v9, v10  }
0x132: {  	v6 =	vmul.f32 v11, v10;
	[tilespmem:s0+$0x30] =	vst v3;
	v3 =	vld [tilespmem:s0+$0xA0]  }
0x133: {  	v9 =	vmul.f32 v12, v10;
	[tilespmem:s0+$0x40] =	vst v4;
	v4 =	vld [tilespmem:s0+$0xB0]  }
0x134: {  	s5 =	simm.s32 $0x0;
	s2 =	simm.s32 $0x8000;
	[tilespmem:s0+$0x50] =	vst v6;
	v6 =	vld [tilespmem:s0+$0xC0];
	v8 =	vmul.f32 v8, v10  }
.LBB2_20:
0x135: {  	s9 =	sadd.s32 $0x756, s5;
	[tilespmem:s0+$0x60] =	vst v9;
	v7 =	vmul.f32 v7, v2;
	v9 =	vld [tilespmem:s0+$0xD0];
	s10 =	smov.u32 s5;
	s5 =	sadd.s32 $0x2, s5  }
0x136: {  	s10 =	sadd.s32 $0x755, s10;
	s11 =	sand.u32 $0x7F0, s9;
	p1 =	slt.u32 s5, $0x7A;
	[tilespmem:s0+$0x70] =	vst v8;
	v5 =	vmul.f32 v5, v2;
	v8 =	vld [tilespmem:s0+$0xE0]  }
0x137: {  	s12 =	sand.u32 $0x7F0, s10;
	v10 =	vld [tilespmem:s11+$0x3800];
	[tilespmem:s0+$0x80] =	vst v7;
	v3 =	vmul.f32 v3, v2  }
0x138: {  	s0 =	sadd.s32 $0x100, s0;
	v7 =	vld [tilespmem:s12+$0x3800];
	[tilespmem:s2+$0x90] =	vst v5;
	v4 =	vmul.f32 v4, v2  }
0x139: {  	v5 =	vld [tilespmem:s0+$0xF0];
	[tilespmem:s2+$0xA0] =	vst v3;
	v3 =	vmul.f32 v6, v2  }
0x13a: {  	s9 =	sand.u32 $0xE, s9;
	v6 =	vld [tilespmem:s0+$0x0];
	[tilespmem:s2+$0xB0] =	vst v4;
	v4 =	vmul.f32 v9, v2  }
0x13b: {  	v11 =	vmov s9;
	v9 =	vld [tilespmem:s0+$0x10];
	[tilespmem:s2+$0xC0] =	vst v3;
	v3 =	vmul.f32 v8, v2  }
0x13c: {  	v8 =	vmov s10;
	v12 =	vld [tilespmem:s0+$0x20];
	v2 =	vperm.xlane v10, v11;
	[tilespmem:s2+$0xD0] =	vst v4  }
0x13d: {  	v8 =	vperm.xlane v7, v8;
	v4 =	vld [tilespmem:s0+$0x30];
	[tilespmem:s2+$0xE0] =	vst v3;
	s2 =	smov.u32 s0  }
0x13e: {  	v3 =	vld [tilespmem:s0+$0x40];
	v5 =	vmul.f32 v5, v2  }
0x13f: {  	v6 =	vmul.f32 v6, v8;
	v10 =	vld [tilespmem:s0+$0x50]  }
0x140: {  	v7 =	vmul.f32 v9, v8;
	v9 =	vld [tilespmem:s0+$0x60];
	[tilespmem:s0+$0xF0] =	vst v5  }
0x141: {  	[tilespmem:s0+$0x0] =	vst v6;
	v5 =	vmul.f32 v12, v8;
	v6 =	vld [tilespmem:s0+$0x70]  }
.Ltmp10:
0x142: {  	[tilespmem:s0+$0x10] =	vst v7;
	v4 =	vmul.f32 v4, v8;
	v7 =	vld [tilespmem:s0+$0x80];
	(pc) =	sbr.rel @p1 .LBB2_20-.Ltmp10, $4  }
0x143: {  	[tilespmem:s0+$0x20] =	vst v5;
	v11 =	vmul.f32 v3, v8;
	v5 =	vld [tilespmem:s0+$0x90]  }
0x144: {  	[tilespmem:s0+$0x30] =	vst v4;
	v10 =	vmul.f32 v10, v8;
	v3 =	vld [tilespmem:s0+$0xA0]  }
0x145: {  	[tilespmem:s0+$0x40] =	vst v11;
	v9 =	vmul.f32 v9, v8;
	v4 =	vld [tilespmem:s0+$0xB0]  }
0x146: {  	[tilespmem:s0+$0x50] =	vst v10;
	v8 =	vmul.f32 v6, v8;
	v6 =	vld [tilespmem:s0+$0xC0]  }
0x147: {  	[tilespmem:s0+$0x60] =	vst v9;
	v7 =	vmul.f32 v7, v2;
	v55 =	vld [tilespmem:s0+$0xD0]  }
0x148: {  	v56 =	vld [tilespmem:s0+$0xE0];
	[tilespmem:s0+$0x70] =	vst v8;
	v5 =	vmul.f32 v5, v2  }
0x149: {  	[tilespmem:s0+$0x80] =	vst v7;
	v3 =	vmul.f32 v3, v2  }
0x14a: {  	[tilespmem:s2+$0x90] =	vst v5;
	v4 =	vmul.f32 v4, v2  }
0x14b: {  	[tilespmem:s2+$0xA0] =	vst v3;
	v3 =	vmul.f32 v6, v2  }
0x14c: {  	[tilespmem:s2+$0xB0] =	vst v4;
	v57 =	vmul.f32 v55, v2  }
0x14d: {  	v2 =	vmul.f32 v56, v2;
	[tilespmem:s2+$0xC0] =	vst v3  }
0x14e: {  	[tilespmem:s2+$0xD0] =	vst v57  }
0x14f: {  	[tilespmem:s2+$0xE0] =	vst v2  }
0x150: {  	v2 =	vld [tilespmem:$0x3FC0];
	_ =	sdelay $0x1  }
0x151: {  	v3 =	vld [tilespmem:$0xBE00]  }
0x152: {  	v4 =	vld [tilespmem:$0xBE10]  }
0x153: {  	v5 =	vld [tilespmem:$0xBE20]  }
0x154: {  	v58 =	vld [tilespmem:$0xBE30];
	v2 =	vperm.xlane v2, v1  }
0x155: {  	v7 =	vld [tilespmem:$0xBE40]  }
0x156: {  	v59 =	vld [tilespmem:$0xBE50];
	v3 =	vmul.f32 v3, v2  }
0x157: {  	v60 =	vld [tilespmem:$0xBE60];
	v4 =	vmul.f32 v4, v2  }
0x158: {  	v61 =	vld [tilespmem:$0xBE70];
	[tilespmem:$0xBE00] =	vst v3;
	v3 =	vmul.f32 v5, v2  }
0x159: {  	v62 =	vmul.f32 v58, v2;
	[tilespmem:$0xBE10] =	vst v4  }
0x15a: {  	[tilespmem:$0xBE20] =	vst v3;
	v3 =	vmul.f32 v7, v2  }
0x15b: {  	v63 =	vmul.f32 v59, v2;
	[tilespmem:$0xBE30] =	vst v62  }
0x15c: {  	[tilespmem:$0xBE40] =	vst v3;
	v3 =	vmul.f32 v60, v2  }
0x15d: {  	[tilespmem:$0xBE50] =	vst v63;
	v2 =	vmul.f32 v61, v2  }
0x15e: {  	[tilespmem:$0xBE60] =	vst v3  }
0x15f: {  	s29 =	simm.s32 $0x2F80;
	[tilespmem:$0xBE70] =	vst v2  }
0x160: {  	[spmem:s4] =	stream.indirect.scatter.add.f32 [tilespmem:s19], [sflag:$0x2], $0x80, s29, s20, $0xb8;
	[tilespmem:$0x1F880] =	vst v63  }
0x161: {  	_ =	swait.ge [sflag:s23], $0x3E80  }
0x162: {  	[sflag:s23] =	ssyncset.done $0x0  }
0x163: {  	[sflag:s23] =	ssyncadd.s32 $0xFFFFC180  }
0x164: {  	s30 =	stileid.u32;
	[bflag:$0x0] =	sbarrier.arrive $0xFFFF  }
.Ltmp11:
0x165: {  	s0 =	sshll.u32 s30, $0x6;
	s12 =	rddreg [dreg:$0x9];
	(pc) =	sbr.rel @!p0 .LBB2_23-.Ltmp11, $4  }
0x166: {  	s0 =	sor.u32 $0x1C04, s0;
	s5 =	rddreg [dreg:$0xb];
	s31 =	sshrl.u32 s12, $0x3  }
0x167: {  	[hbm:s5], [sflag:s0] =	dma.local [spmem:s31], $0x100  }
0x168: {  	s9 =	smov.u32 s12;
	s11 =	rddreg [dreg:$0x8]  }
0x169: {  	s5 =	sadd.s32 $0x100, s5;
	_ =	swait.ge [sflag:s16], $0x100;
	s2 =	sadd.s32 $0xFFFFFFFF, s11  }
.LBB2_22:
0x16a: {  	[sflag:s16] =	ssyncset.done $0x0;
	s9 =	sadd.s32 $0x800, s9;
	p0 =	sne.s32 s2, $0x1  }
.Ltmp12:
0x16b: {  	s10 =	sshrl.u32 s9, $0x3;
	[sflag:s16] =	ssyncadd.s32 $0xFFFFFF00;
	(pc) =	sbr.rel @p0 .LBB2_22-.Ltmp12, $3  }
0x16c: {  	[hbm:s5], [sflag:s0] =	dma.local [spmem:s10], $0x100  }
0x16d: {  	s2 =	sadd.s32 $0xFFFFFFFF, s2;
	_ =	sdelay $0x1  }
0x16e: {  	s5 =	sadd.s32 $0x100, s5;
	_ =	swait.ge [sflag:s16], $0x100  }
.LBB2_23:
0x16f: {  	s2 =	rddreg [dreg:$0xc]  }
0x170: {  	s0 =	rddreg [dreg:$0xa];
	s2 =	sadd.s32 $0x1, s2  }
0x171: {  	p0 =	sne.s32 s2, s0  }
.Ltmp13:
0x172: {  	_ = 	snop;
	(pc) =	sbr.rel @p0 .LBB2_1-.Ltmp13, $3  }
0x173: {  	_ =	sdelay $0x1  }
0x174: {  	[sflag:s16] =	ssyncset.done $0x0  }
0x175: {  	s5 =	simm.s32 $0x2800;
	[sflag:s16] =	ssyncadd.s32 $0xFFFFFF00  }
0x176: {  	_ =	sfence.sel $0x180000  }
0x177: {  	[bflag:$0x0] =	sbarrier.arrive $0xFFFF  }
0x178: {  	_ =	strace $0x90000047  }
0x179: {  	s0 =	stileid.u32;
	[bflag:$0x2] =	sbarrier.arrive $0xFFFF  }
0x17a: {  	p0 =	sne.s32 s0, $0x0;
	s0 =	rddreg [dreg:$0x4]  }
0x17b: {  	s0 =	sadd.s32 @!p0 $0x100000, s0  }
0x17c: {  	[sflag:s0] =	ssyncadd.tile.s32 @!p0 $0x1;
	_ =	shalt  }
.Lfunc_end2:
_tile_overlayer_lowered:
.L_overlay_start_2:
0x17d: {  	(tag) =	ssettag $0x2  }
0x17e: {  	s0 =	rddreg [dreg:$0x0];
	s2 =	stileid.u32  }
0x17f: {  	s1 =	rddreg [dreg:$0x1];
	p0 =	sne.s32 s2, $0x0  }
0x180: {  	s3 =	rddreg [dreg:$0x2];
	[bflag:$0x3] =	sbarrier.arrive $0xFFFF;
	s2 =	simm.s32 @!p0 $0x1C04  }
0x181: {  	[timem:s3], [sflag:s2] =	dma.local @!p0 [hbm:s0], s1  }
0x182: {  	s0 =	simm.s32 @!p0 $0x4  }
0x183: {  	_ =	swait.ge @!p0 [sflag:s0], s1  }
0x184: {  	s1 =	ssub.s32 @!p0 $0x0, s1;
	[sflag:s0] =	ssyncset.done @!p0 $0x0  }
0x185: {  	[sflag:s0] =	ssyncadd.s32 @!p0 s1  }
0x186: {  	[bflag:$0x3] =	sbarrier.arrive $0xFFFF  }
0x187: {  	_ =	shalt  }

</sc_bundles>
